<compile_context>
chip_gen: v7x
topology: tpu7x:2x2x1
jax: 0.10.2.dev20260603
libtpu: 0.0.44.dev20260713+nightly
codegen_flags: <defaults>
</compile_context>

<pallas_src>
import functools

import jax
import jax.numpy as jnp
from jax import lax
from jax.experimental import pallas as pl
from jax.experimental.pallas import tpu as pltpu
from jax.experimental.pallas import tpu_sc as plsc

MAXN = 512
E = MAXN * MAXN
BATCH = 16
NC, NS, LANES = 2, 16, 16
NW = NC * NS
K = 4096
KSH = 12
TPG = E // K
NPAIR = TPG // 4
NVEC = K // LANES

_MESH = plsc.VectorSubcoreMesh(core_axis_name="c", subcore_axis_name="s")


def _bcast_gather(v, idx):
    return lax.gather(
        v, idx[:, None],
        dimension_numbers=lax.GatherDimensionNumbers(
            offset_dims=(), collapsed_slice_dims=(0,), start_index_map=(0,)),
        slice_sizes=(1,), mode=lax.GatherScatterMode.PROMISE_IN_BOUNDS)


def _edges_kernel(x_hbm, send_hbm, recv_hbm, nedge_hbm, nnode_hbm,
                  xv, sbufA, rbufA, msbufA, mrbufA,
                  sbufB, rbufB, msbufB, mrbufB,
                  nnbuf, nebuf, semA, semMA, semB, semMB):
    w = lax.axis_index("s") * NC + lax.axis_index("c")

    pltpu.sync_copy(x_hbm, xv)

    lane = lax.iota(jnp.int32, LANES)
    rlane = (LANES - 1) - lane
    v0 = xv[pl.ds(0, LANES)]
    v1 = xv[pl.ds(LANES, LANES)]
    idx2 = (lane << 1) & 15
    n_all = jnp.where(lane < 8, _bcast_gather(v0, idx2), _bcast_gather(v1, idx2))

    half = jnp.float32(0.5)
    three_half = jnp.float32(1.5)
    magic = jnp.full((LANES,), 0x5F3759DF, dtype=jnp.int32)

    def task_id(k2):
        return (k2 << 6) | ((w + 5 * k2) & (NW - 1))

    def classify(t):
        g = t >> 6
        c = t & (TPG - 1)
        base = c * K
        gv = jnp.full((LANES,), g, dtype=jnp.int32)
        n = _bcast_gather(n_all, gv)
        nsq_s = jnp.max(n * n)
        f_k = ((nsq_s >> 1) >> KSH) << KSH
        rho = nsq_s & 7
        paired = base + K <= f_k
        fill = base >= nsq_s
        skip = jnp.logical_and(
            jnp.logical_not(paired),
            jnp.logical_and(base >= nsq_s - f_k - rho,
                            base + K <= nsq_s - rho))
        return g, c, base, gv, n, nsq_s, rho, paired, skip, fill

    def sqrt_d_o(jj):
        a = (jj << 3) + 1
        af = a.astype(jnp.float32)
        y = lax.bitcast_convert_type(
            magic - (lax.bitcast_convert_type(af, jnp.int32) >> 1),
            jnp.float32)
        y = y * (three_half - half * af * y * y)
        y = y * (three_half - half * af * y * y)
        sq = af * y
        d0 = ((sq - 1.0) * half).astype(jnp.int32)
        d0p1 = d0 + 1
        t1 = (d0p1 * (d0 + 2)) >> 1
        up = jj >= t1
        d1 = jnp.where(up, d0p1, d0)
        tt = jnp.where(up, t1, t1 - d0p1)
        dn = jj < tt
        d = jnp.where(dn, d1 - 1, d1)
        tt = jnp.where(dn, tt - d1, tt)
        o = jj - tt
        return d, o

    def do_task(t, sbuf, rbuf, msbuf, mrbuf, sem, semM):
        g, c, base, gv, n, nsq_s, rho, paired, skip, fill = classify(t)
        nm1 = n - 1
        nsq1 = n * n - 1
        h2 = (n * n + 1) >> 1
        goff = gv << 9
        nm1g = nm1 + goff
        general = jnp.logical_not(
            jnp.logical_or(paired, jnp.logical_or(skip, fill)))
        ob = (t >> 6) * E + base

        @pl.when(paired)
        def _():
            idxr = (rho - 1 - lane) & 15
            selr = lane < rho

            def mirror_vals(o, dmo):
                return nm1g - o, nm1g - dmo

            def vec_direct(i):
                jj = jnp.full((LANES,), base + i * LANES, dtype=jnp.int32) + lane
                d, o = sqrt_d_o(jj)
                dmo = d - o
                sbuf[pl.ds(i * LANES, LANES)] = o + goff
                rbuf[pl.ds(i * LANES, LANES)] = dmo + goff
                return mirror_vals(o, dmo)

            def vec_body(i, carry):
                smp, rmp = carry
                smc, rmc = vec_direct(i)
                ri = (NVEC - i) * LANES
                msbuf[pl.ds(ri, LANES)] = jnp.where(
                    selr, _bcast_gather(smc, idxr), _bcast_gather(smp, idxr))
                mrbuf[pl.ds(ri, LANES)] = jnp.where(
                    selr, _bcast_gather(rmc, idxr), _bcast_gather(rmp, idxr))
                return smc, rmc

            sm0, rm0 = vec_direct(0)
            smL, rmL = lax.fori_loop(1, NVEC, vec_body, (sm0, rm0), unroll=2)

            jx = jnp.full((LANES,), base + K, dtype=jnp.int32) + lane
            mx = jx >= h2
            jjx = jnp.where(mx, nsq1 - jx, jx)
            dx, ox = sqrt_d_o(jjx)
            sx = jnp.where(mx, nm1 - ox, ox)
            rx = jnp.where(mx, nm1 - dx + ox, dx - ox)
            smE = nm1g - sx
            rmE = nm1g - rx
            msbuf[pl.ds(0, LANES)] = jnp.where(
                selr, _bcast_gather(smE, idxr), _bcast_gather(smL, idxr))
            mrbuf[pl.ds(0, LANES)] = jnp.where(
                selr, _bcast_gather(rmE, idxr), _bcast_gather(rmL, idxr))

            obm = (t >> 6) * E + (nsq_s >> 3) * 8 - (base + K)
            pltpu.async_copy(sbuf, send_hbm.at[pl.ds(ob, K)], sem)
            pltpu.async_copy(rbuf, recv_hbm.at[pl.ds(ob, K)], sem)
            pltpu.async_copy(msbuf, send_hbm.at[pl.ds(obm, K)], semM)
            pltpu.async_copy(mrbuf, recv_hbm.at[pl.ds(obm, K)], semM)

        @pl.when(general)
        def _():
            def vec_body(i, _):
                j = jnp.full((LANES,), base + i * LANES, dtype=jnp.int32) + lane
                m = j >= h2
                pad = j >= n * n
                jj = jnp.where(m, nsq1 - j, j)
                d, o = sqrt_d_o(jj)
                s = jnp.where(m, nm1 - o, o)
                r = jnp.where(m, nm1 - d + o, d - o)
                sbuf[pl.ds(i * LANES, LANES)] = jnp.where(pad, n, s) + goff
                rbuf[pl.ds(i * LANES, LANES)] = jnp.where(pad, n, r) + goff
                return 0

            lax.fori_loop(0, NVEC, vec_body, 0, unroll=2)
            pltpu.async_copy(sbuf, send_hbm.at[pl.ds(ob, K)], sem)
            pltpu.async_copy(rbuf, recv_hbm.at[pl.ds(ob, K)], sem)

        @pl.when(fill)
        def _():
            fillv = n + goff

            def fill_body(i, _):
                sbuf[pl.ds(i * LANES, LANES)] = fillv
                return 0

            lax.fori_loop(0, NVEC, fill_body, 0, unroll=2)
            pltpu.async_copy(sbuf, send_hbm.at[pl.ds(ob, K)], sem)
            pltpu.async_copy(sbuf, recv_hbm.at[pl.ds(ob, K)], sem)

    def wait_task(t, sbuf, rbuf, msbuf, mrbuf, sem, semM):
        _, _, _, _, _, _, _, paired, skip, _ = classify(t)

        @pl.when(jnp.logical_not(skip))
        def _():
            pltpu.make_async_copy(sbuf, send_hbm.at[pl.ds(0, K)], sem).wait()
            pltpu.make_async_copy(rbuf, recv_hbm.at[pl.ds(0, K)], sem).wait()

        @pl.when(paired)
        def _():
            pltpu.make_async_copy(msbuf, send_hbm.at[pl.ds(0, K)], semM).wait()
            pltpu.make_async_copy(mrbuf, recv_hbm.at[pl.ds(0, K)], semM).wait()

    def pair_body(k2, _):
        tA = task_id(k2)

        @pl.when(k2 > 0)
        def _():
            tP = task_id(k2 - 1)
            wait_task(tP, sbufA, rbufA, msbufA, mrbufA, semA, semMA)

        do_task(tA, sbufA, rbufA, msbufA, mrbufA, semA, semMA)

        @pl.when(k2 > 0)
        def _():
            tP = task_id(k2 - 1) + NW
            wait_task(tP, sbufB, rbufB, msbufB, mrbufB, semB, semMB)

        do_task(tA + NW, sbufB, rbufB, msbufB, mrbufB, semB, semMB)
        return 0

    lax.fori_loop(0, NPAIR, pair_body, 0)

    tL = task_id(NPAIR - 1)
    wait_task(tL, sbufA, rbufA, msbufA, mrbufA, semA, semMA)
    wait_task(tL + NW, sbufB, rbufB, msbufB, mrbufB, semB, semMB)

    @pl.when(w < 2)
    def _():
        vw = jnp.where(jnp.full((LANES,), w, dtype=jnp.int32) == 0, v0, v1)
        nv = _bcast_gather(vw, (lane >> 1) << 1)
        even = (lane & 1) == 0
        nnbuf[...] = jnp.where(even, nv, MAXN - nv)
        nebuf[...] = jnp.where(even, nv * nv, E - nv * nv)
        pltpu.sync_copy(nnbuf, nnode_hbm.at[pl.ds(w * LANES, LANES)])
        pltpu.sync_copy(nebuf, nedge_hbm.at[pl.ds(w * LANES, LANES)])


@jax.jit
def kernel(x):
    out_type = (
        jax.ShapeDtypeStruct((BATCH * E,), jnp.int32),
        jax.ShapeDtypeStruct((BATCH * E,), jnp.int32),
        jax.ShapeDtypeStruct((2 * BATCH,), jnp.int32),
        jax.ShapeDtypeStruct((2 * BATCH,), jnp.int32),
    )
    f = pl.kernel(
        _edges_kernel,
        out_type=out_type,
        mesh=_MESH,
        compiler_params=pltpu.CompilerParams(needs_layout_passes=False),
        scratch_types=[
            pltpu.VMEM((2 * BATCH,), jnp.int32),
            pltpu.VMEM((K,), jnp.int32),
            pltpu.VMEM((K,), jnp.int32),
            pltpu.VMEM((K,), jnp.int32),
            pltpu.VMEM((K,), jnp.int32),
            pltpu.VMEM((K,), jnp.int32),
            pltpu.VMEM((K,), jnp.int32),
            pltpu.VMEM((K,), jnp.int32),
            pltpu.VMEM((K,), jnp.int32),
            pltpu.VMEM((LANES,), jnp.int32),
            pltpu.VMEM((LANES,), jnp.int32),
            pltpu.SemaphoreType.DMA,
            pltpu.SemaphoreType.DMA,
            pltpu.SemaphoreType.DMA,
            pltpu.SemaphoreType.DMA,
        ],
    )
    return f(x.astype(jnp.int32).reshape(2 * BATCH))

# --- scband reference (transcript-rebuilt; emitter-appended) ---
"""Pipeline reference for scband-fully-connected-graph-35253091565946 (READ-ONLY COPY).

The authoritative reference and input builder live on the scoring server;
editing this copy changes nothing except your own understanding.
"""

import jax, jax.numpy as jnp
import numpy as np

MAX_NODES = 512
MULTI_EDGE_REPEAT = 1
MAX_EDGES = MAX_NODES ** 2 * MULTI_EDGE_REPEAT


def setup_inputs(seed: int = 0) -> dict:
    key = jax.random.key(seed)
    # x carries per-graph metadata; x[i, -2] is the actual node count of graph i
    x = jax.random.randint(key, (16, 2), 0, MAX_NODES, dtype=jnp.int32)
    return {"x": x}


def _init_full_edges(sub_x):
    n_node = sub_x[-2]
    num_edges = n_node * n_node * MULTI_EDGE_REPEAT
    edge_range = jnp.arange(MAX_NODES, dtype=int)
    senders = jnp.repeat(edge_range, int(MAX_NODES))
    receivers = jnp.repeat(edge_range.reshape(1, MAX_NODES), int(MAX_NODES), axis=0).flatten()
    senders = jnp.repeat(senders, int(MULTI_EDGE_REPEAT))
    receivers = jnp.repeat(receivers, int(MULTI_EDGE_REPEAT))
    logic = jnp.logical_or(senders >= n_node, receivers >= n_node)
    senders = senders * ~logic + n_node * logic
    receivers = receivers * ~logic + n_node * logic
    sort_idx = jnp.argsort(senders + receivers, stable=True)
    senders = senders[sort_idx]
    receivers = receivers[sort_idx]
    return (
        senders.flatten(),
        receivers.flatten(),
        jnp.asarray([n_node, MAX_NODES - n_node], dtype=int),
        jnp.asarray([num_edges, MAX_EDGES - num_edges]),
    )


def reference(x):
    senders, receivers, n_node, n_edge = jax.vmap(_init_full_edges, in_axes=0)(x)
    senders = senders + jnp.arange(x.shape[0], dtype=int)[:, None] * int(MAX_NODES)
    receivers = receivers + jnp.arange(x.shape[0], dtype=int)[:, None] * int(MAX_NODES)
    # GraphsTuple fields (nodes/edges/globals are None in the original); return the
    # integer arrays that define the fully-connected padded graph.
    return (
        senders.flatten().astype(int),
        receivers.flatten().astype(int),
        n_edge.flatten().astype(int),
        n_node.flatten().astype(int),
    )

if __name__ == "__main__":
    import jax
    _d = setup_inputs()
    print(jax.jit(kernel)(*tuple(_d.values())))

</pallas_src>

<mosaic_0001>
#map = affine_map<(d0, d1) -> (0)>
module attributes {stable_mosaic.version = 14 : i64} {
  func.func @_edges_kernel(%arg0: i32, %arg1: i32, %arg2: memref<32xi32, #tpu.memory_space<hbm>>, %arg3: memref<4194304xi32, #tpu.memory_space<hbm>>, %arg4: memref<4194304xi32, #tpu.memory_space<hbm>>, %arg5: memref<32xi32, #tpu.memory_space<hbm>>, %arg6: memref<32xi32, #tpu.memory_space<hbm>>, %arg7: memref<32xi32, #tpu.memory_space<vmem>>, %arg8: memref<4096xi32, #tpu.memory_space<vmem>>, %arg9: memref<4096xi32, #tpu.memory_space<vmem>>, %arg10: memref<4096xi32, #tpu.memory_space<vmem>>, %arg11: memref<4096xi32, #tpu.memory_space<vmem>>, %arg12: memref<4096xi32, #tpu.memory_space<vmem>>, %arg13: memref<4096xi32, #tpu.memory_space<vmem>>, %arg14: memref<4096xi32, #tpu.memory_space<vmem>>, %arg15: memref<4096xi32, #tpu.memory_space<vmem>>, %arg16: memref<16xi32, #tpu.memory_space<vmem>>, %arg17: memref<16xi32, #tpu.memory_space<vmem>>, %arg18: memref<!tpu.dma_semaphore, #tpu.memory_space<semaphore_mem>>, %arg19: memref<!tpu.dma_semaphore, #tpu.memory_space<semaphore_mem>>, %arg20: memref<!tpu.dma_semaphore, #tpu.memory_space<semaphore_mem>>, %arg21: memref<!tpu.dma_semaphore, #tpu.memory_space<semaphore_mem>>) attributes {dimension_semantics = [#tpu.dimension_semantics<core_parallel>, #tpu.dimension_semantics<subcore_parallel>], iteration_bounds = array<i64: 2, 16>, scalar_prefetch = 0 : i64, scratch_operands = 15 : i64, tpu.core_type = #tpu.core_type<sc_vector_subcore>, window_params = [{transform_indices = #map}, {transform_indices = #map}, {transform_indices = #map}, {transform_indices = #map}, {transform_indices = #map}]} {
    %mul3A = arith.constant 2 : i32
    %mul3A_0 = arith.muli %arg1, %mul3A : i32
    %add3A = arith.addi %mul3A_0, %arg0 : i32
    "tpu.region"() ({
      %run_scoped3A = tpu.sem_alloc : memref<!tpu.dma_semaphore, #tpu.memory_space<semaphore_mem>>
      tpu.enqueue_dma source(%arg2 : memref<32xi32, #tpu.memory_space<hbm>>) target(%arg7 : memref<32xi32, #tpu.memory_space<vmem>>) target_semaphore(%run_scoped3A : memref<!tpu.dma_semaphore, #tpu.memory_space<semaphore_mem>>)
      tpu.wait_dma2 semaphore(%run_scoped3A : memref<!tpu.dma_semaphore, #tpu.memory_space<semaphore_mem>>) src(%arg2 : memref<32xi32, #tpu.memory_space<hbm>>) dst(%arg7 : memref<32xi32, #tpu.memory_space<vmem>>)
      tpu.yield
    }) : () -> ()
    %iota3A = tpu.iota {dimensions = array<i32: 0>} : vector<16xi32>
    %sub3A = arith.constant 15 : i32
    %sub3A_1 = vector.broadcast %sub3A : i32 to vector<16xi32>
    %sub3A_2 = arith.subi %sub3A_1, %iota3A : vector<16xi32>
    %get3A = arith.constant 0 : index
    %get3A_3 = tpu.vector_load %arg7[%get3A] {strides = array<i32>} : memref<32xi32, #tpu.memory_space<vmem>>, vector<16xi32>,
    %get3A_4 = arith.constant 16 : index
    %get3A_5 = tpu.vector_load %arg7[%get3A_4] {strides = array<i32>} : memref<32xi32, #tpu.memory_space<vmem>>, vector<16xi32>,
    %shift_left3A = arith.constant 1 : i32
    %shift_left3A_6 = vector.broadcast %shift_left3A : i32 to vector<16xi32>
    %shift_left3A_7 = arith.shli %iota3A, %shift_left3A_6 : vector<16xi32>
    %and3A = arith.constant 15 : i32
    %and3A_8 = vector.broadcast %and3A : i32 to vector<16xi32>
    %and3A_9 = arith.andi %shift_left3A_7, %and3A_8 : vector<16xi32>
    %lt3A = arith.constant 8 : i32
    %lt3A_10 = vector.broadcast %lt3A : i32 to vector<16xi32>
    %lt3A_11 = arith.cmpi slt, %iota3A, %lt3A_10 : vector<16xi32>
    %broadcast_in_dim3A = vector.shape_cast %and3A_9 : vector<16xi32> to vector<16x1xi32>
    %gather3A = vector.shape_cast %broadcast_in_dim3A : vector<16x1xi32> to vector<16xi32>
    %gather3A_12 = tpu.dynamic_gather %get3A_3[%gather3A] in [0] : vector<16xi32>, vector<16xi32> -> vector<16xi32>
    %broadcast_in_dim3A_13 = vector.shape_cast %and3A_9 : vector<16xi32> to vector<16x1xi32>
    %gather3A_14 = vector.shape_cast %broadcast_in_dim3A_13 : vector<16x1xi32> to vector<16xi32>
    %gather3A_15 = tpu.dynamic_gather %get3A_5[%gather3A_14] in [0] : vector<16xi32>, vector<16xi32> -> vector<16xi32>
    %select_n3A = arith.select %lt3A_11, %gather3A_12, %gather3A_15 : vector<16xi1>, vector<16xi32>
    %broadcast_in_dim3A_16 = arith.constant 1597463007 : i32
    %broadcast_in_dim3A_17 = vector.broadcast %broadcast_in_dim3A_16 : i32 to vector<16xi32>
    %scan3A = arith.constant 5.000000e-01 : f32
    %scan3A_18 = arith.constant 1.500000e+00 : f32
    %scan3A_19 = arith.constant 0 : i32
    %scan3A_20 = arith.constant 0 : i32
    %scan3A_21 = arith.constant 16 : i32
    %scan3A_22 = arith.addi %scan3A_20, %scan3A_21 : i32
    %scan3A_23 = arith.constant 1 : i32
    %scan3A_24 = scf.for %scan3A_131 = %scan3A_20 to %scan3A_22 step %scan3A_23 iter_args(%scan3A_132 = %scan3A_19) -> (i32)  : i32 {
      %shift_left3A_133 = arith.constant 6 : i32
      %shift_left3A_134 = arith.shli %scan3A_131, %shift_left3A_133 : i32
      %mul3A_135 = arith.constant 5 : i32
      %mul3A_136 = arith.muli %mul3A_135, %scan3A_131 : i32
      %add3A_137 = arith.addi %add3A, %mul3A_136 : i32
      %and3A_138 = arith.constant 31 : i32
      %and3A_139 = arith.andi %add3A_137, %and3A_138 : i32
      %or3A_140 = arith.ori %shift_left3A_134, %and3A_139 : i32
      %gt3A = arith.constant 0 : i32
      %gt3A_141 = arith.cmpi sgt, %scan3A_131, %gt3A : i32
      %convert_element_type3A_142 = arith.extui %gt3A_141 : i1 to i32
      %cond3A_143 = arith.constant 0 : i32
      %cond3A_144 = arith.cmpi ne, %convert_element_type3A_142, %cond3A_143 : i32
      scf.if %cond3A_144 {
        %sub3A_309 = arith.constant 1 : i32
        %sub3A_310 = arith.subi %scan3A_131, %sub3A_309 : i32
        %shift_left3A_311 = arith.constant 6 : i32
        %shift_left3A_312 = arith.shli %sub3A_310, %shift_left3A_311 : i32
        %mul3A_313 = arith.constant 5 : i32
        %mul3A_314 = arith.muli %mul3A_313, %sub3A_310 : i32
        %add3A_315 = arith.addi %add3A, %mul3A_314 : i32
        %and3A_316 = arith.constant 31 : i32
        %and3A_317 = arith.andi %add3A_315, %and3A_316 : i32
        %or3A_318 = arith.ori %shift_left3A_312, %and3A_317 : i32
        %shift_right_arithmetic3A_319 = arith.constant 6 : i32
        %shift_right_arithmetic3A_320 = arith.shrsi %or3A_318, %shift_right_arithmetic3A_319 : i32
        %and3A_321 = arith.constant 63 : i32
        %and3A_322 = arith.andi %or3A_318, %and3A_321 : i32
        %mul3A_323 = arith.constant 4096 : i32
        %mul3A_324 = arith.muli %and3A_322, %mul3A_323 : i32
        %broadcast_in_dim3A_325 = vector.broadcast %shift_right_arithmetic3A_320 : i32 to vector<16xi32>
        %broadcast_in_dim3A_326 = vector.shape_cast %broadcast_in_dim3A_325 : vector<16xi32> to vector<16x1xi32>
        %gather3A_327 = vector.shape_cast %broadcast_in_dim3A_326 : vector<16x1xi32> to vector<16xi32>
        %gather3A_328 = tpu.dynamic_gather %select_n3A[%gather3A_327] in [0] : vector<16xi32>, vector<16xi32> -> vector<16xi32>
        %mul3A_329 = arith.muli %gather3A_328, %gather3A_328 : vector<16xi32>
        %reduce_max3A_330 = arith.constant true
        %reduce_max3A_331 = vector.broadcast %reduce_max3A_330 : i1 to vector<16xi1>
        %reduce_max3A_332 = arith.constant -2147483648 : i32
        %reduce_max3A_333 = vector.broadcast %reduce_max3A_332 : i32 to vector<16xi32>
        %reduce_max3A_334 = arith.xori %mul3A_329, %reduce_max3A_333 : vector<16xi32>
        %reduce_max3A_335 = tpu.scan <max>, %reduce_max3A_334 masked %reduce_max3A_331 : vector<16xi32>, vector<16xi1> -> vector<16xi32>
        %reduce_max3A_336 = arith.xori %reduce_max3A_335, %reduce_max3A_333 : vector<16xi32>
        %reduce_max3A_337 = vector.extract %reduce_max3A_336[15] : i32 from vector<16xi32>
        %shift_right_arithmetic3A_338 = arith.constant 1 : i32
        %shift_right_arithmetic3A_339 = arith.shrsi %reduce_max3A_337, %shift_right_arithmetic3A_338 : i32
        %shift_right_arithmetic3A_340 = arith.constant 12 : i32
        %shift_right_arithmetic3A_341 = arith.shrsi %shift_right_arithmetic3A_339, %shift_right_arithmetic3A_340 : i32
        %shift_left3A_342 = arith.constant 12 : i32
        %shift_left3A_343 = arith.shli %shift_right_arithmetic3A_341, %shift_left3A_342 : i32
        %and3A_344 = arith.constant 7 : i32
        %and3A_345 = arith.andi %reduce_max3A_337, %and3A_344 : i32
        %add3A_346 = arith.constant 4096 : i32
        %add3A_347 = arith.addi %mul3A_324, %add3A_346 : i32
        %le3A_348 = arith.cmpi sle, %add3A_347, %shift_left3A_343 : i32
        %ge3A_349 = arith.cmpi sge, %mul3A_324, %reduce_max3A_337 : i32
        %not3A_350 = arith.constant true
        %not3A_351 = arith.xori %le3A_348, %not3A_350 : i1
        %sub3A_352 = arith.subi %reduce_max3A_337, %shift_left3A_343 : i32
        %sub3A_353 = arith.subi %sub3A_352, %and3A_345 : i32
        %ge3A_354 = arith.cmpi sge, %mul3A_324, %sub3A_353 : i32
        %add3A_355 = arith.constant 4096 : i32
        %add3A_356 = arith.addi %mul3A_324, %add3A_355 : i32
        %sub3A_357 = arith.subi %reduce_max3A_337, %and3A_345 : i32
        %le3A_358 = arith.cmpi sle, %add3A_356, %sub3A_357 : i32
        %and3A_359 = arith.andi %ge3A_354, %le3A_358 : i1
        %and3A_360 = arith.andi %not3A_351, %and3A_359 : i1
        %not3A_361 = arith.constant true
        %not3A_362 = arith.xori %and3A_360, %not3A_361 : i1
        %convert_element_type3A_363 = arith.extui %not3A_362 : i1 to i32
        %cond3A_364 = arith.constant 0 : i32
        %cond3A_365 = arith.cmpi ne, %convert_element_type3A_363, %cond3A_364 : i32
        scf.if %cond3A_365 {
          %dma_wait3A = arith.constant 0 : i32
          %dma_wait3A_369 = tpu.memref_slice %arg3[%dma_wait3A] : memref<4194304xi32, #tpu.memory_space<hbm>> -> memref<4096xi32, #tpu.memory_space<hbm>>
          %dma_wait3A_370 = arith.constant 0 : i32
          %dma_wait3A_371 = tpu.memref_slice %arg3[%dma_wait3A_370] : memref<4194304xi32, #tpu.memory_space<hbm>> -> memref<4096xi32, #tpu.memory_space<hbm>>
          tpu.wait_dma2 semaphore(%arg18 : memref<!tpu.dma_semaphore, #tpu.memory_space<semaphore_mem>>) src(%arg8 : memref<4096xi32, #tpu.memory_space<vmem>>) dst(%dma_wait3A_371 : memref<4096xi32, #tpu.memory_space<hbm>>)
          %dma_wait3A_372 = arith.constant 0 : i32
          %dma_wait3A_373 = tpu.memref_slice %arg4[%dma_wait3A_372] : memref<4194304xi32, #tpu.memory_space<hbm>> -> memref<4096xi32, #tpu.memory_space<hbm>>
          %dma_wait3A_374 = arith.constant 0 : i32
          %dma_wait3A_375 = tpu.memref_slice %arg4[%dma_wait3A_374] : memref<4194304xi32, #tpu.memory_space<hbm>> -> memref<4096xi32, #tpu.memory_space<hbm>>
          tpu.wait_dma2 semaphore(%arg18 : memref<!tpu.dma_semaphore, #tpu.memory_space<semaphore_mem>>) src(%arg9 : memref<4096xi32, #tpu.memory_space<vmem>>) dst(%dma_wait3A_375 : memref<4096xi32, #tpu.memory_space<hbm>>)
        } else {
        }
        %convert_element_type3A_366 = arith.extui %le3A_348 : i1 to i32
        %cond3A_367 = arith.constant 0 : i32
        %cond3A_368 = arith.cmpi ne, %convert_element_type3A_366, %cond3A_367 : i32
        scf.if %cond3A_368 {
          %dma_wait3A = arith.constant 0 : i32
          %dma_wait3A_369 = tpu.memref_slice %arg3[%dma_wait3A] : memref<4194304xi32, #tpu.memory_space<hbm>> -> memref<4096xi32, #tpu.memory_space<hbm>>
          %dma_wait3A_370 = arith.constant 0 : i32
          %dma_wait3A_371 = tpu.memref_slice %arg3[%dma_wait3A_370] : memref<4194304xi32, #tpu.memory_space<hbm>> -> memref<4096xi32, #tpu.memory_space<hbm>>
          tpu.wait_dma2 semaphore(%arg19 : memref<!tpu.dma_semaphore, #tpu.memory_space<semaphore_mem>>) src(%arg10 : memref<4096xi32, #tpu.memory_space<vmem>>) dst(%dma_wait3A_371 : memref<4096xi32, #tpu.memory_space<hbm>>)
          %dma_wait3A_372 = arith.constant 0 : i32
          %dma_wait3A_373 = tpu.memref_slice %arg4[%dma_wait3A_372] : memref<4194304xi32, #tpu.memory_space<hbm>> -> memref<4096xi32, #tpu.memory_space<hbm>>
          %dma_wait3A_374 = arith.constant 0 : i32
          %dma_wait3A_375 = tpu.memref_slice %arg4[%dma_wait3A_374] : memref<4194304xi32, #tpu.memory_space<hbm>> -> memref<4096xi32, #tpu.memory_space<hbm>>
          tpu.wait_dma2 semaphore(%arg19 : memref<!tpu.dma_semaphore, #tpu.memory_space<semaphore_mem>>) src(%arg11 : memref<4096xi32, #tpu.memory_space<vmem>>) dst(%dma_wait3A_375 : memref<4096xi32, #tpu.memory_space<hbm>>)
        } else {
        }
      } else {
      }
      %shift_right_arithmetic3A_145 = arith.constant 6 : i32
      %shift_right_arithmetic3A_146 = arith.shrsi %or3A_140, %shift_right_arithmetic3A_145 : i32
      %and3A_147 = arith.constant 63 : i32
      %and3A_148 = arith.andi %or3A_140, %and3A_147 : i32
      %mul3A_149 = arith.constant 4096 : i32
      %mul3A_150 = arith.muli %and3A_148, %mul3A_149 : i32
      %broadcast_in_dim3A_151 = vector.broadcast %shift_right_arithmetic3A_146 : i32 to vector<16xi32>
      %broadcast_in_dim3A_152 = vector.shape_cast %broadcast_in_dim3A_151 : vector<16xi32> to vector<16x1xi32>
      %gather3A_153 = vector.shape_cast %broadcast_in_dim3A_152 : vector<16x1xi32> to vector<16xi32>
      %gather3A_154 = tpu.dynamic_gather %select_n3A[%gather3A_153] in [0] : vector<16xi32>, vector<16xi32> -> vector<16xi32>
      %mul3A_155 = arith.muli %gather3A_154, %gather3A_154 : vector<16xi32>
      %reduce_max3A_156 = arith.constant true
      %reduce_max3A_157 = vector.broadcast %reduce_max3A_156 : i1 to vector<16xi1>
      %reduce_max3A_158 = arith.constant -2147483648 : i32
      %reduce_max3A_159 = vector.broadcast %reduce_max3A_158 : i32 to vector<16xi32>
      %reduce_max3A_160 = arith.xori %mul3A_155, %reduce_max3A_159 : vector<16xi32>
      %reduce_max3A_161 = tpu.scan <max>, %reduce_max3A_160 masked %reduce_max3A_157 : vector<16xi32>, vector<16xi1> -> vector<16xi32>
      %reduce_max3A_162 = arith.xori %reduce_max3A_161, %reduce_max3A_159 : vector<16xi32>
      %reduce_max3A_163 = vector.extract %reduce_max3A_162[15] : i32 from vector<16xi32>
      %shift_right_arithmetic3A_164 = arith.constant 1 : i32
      %shift_right_arithmetic3A_165 = arith.shrsi %reduce_max3A_163, %shift_right_arithmetic3A_164 : i32
      %shift_right_arithmetic3A_166 = arith.constant 12 : i32
      %shift_right_arithmetic3A_167 = arith.shrsi %shift_right_arithmetic3A_165, %shift_right_arithmetic3A_166 : i32
      %shift_left3A_168 = arith.constant 12 : i32
      %shift_left3A_169 = arith.shli %shift_right_arithmetic3A_167, %shift_left3A_168 : i32
      %and3A_170 = arith.constant 7 : i32
      %and3A_171 = arith.andi %reduce_max3A_163, %and3A_170 : i32
      %add3A_172 = arith.constant 4096 : i32
      %add3A_173 = arith.addi %mul3A_150, %add3A_172 : i32
      %le3A_174 = arith.cmpi sle, %add3A_173, %shift_left3A_169 : i32
      %ge3A_175 = arith.cmpi sge, %mul3A_150, %reduce_max3A_163 : i32
      %not3A_176 = arith.constant true
      %not3A_177 = arith.xori %le3A_174, %not3A_176 : i1
      %sub3A_178 = arith.subi %reduce_max3A_163, %shift_left3A_169 : i32
      %sub3A_179 = arith.subi %sub3A_178, %and3A_171 : i32
      %ge3A_180 = arith.cmpi sge, %mul3A_150, %sub3A_179 : i32
      %add3A_181 = arith.constant 4096 : i32
      %add3A_182 = arith.addi %mul3A_150, %add3A_181 : i32
      %sub3A_183 = arith.subi %reduce_max3A_163, %and3A_171 : i32
      %le3A_184 = arith.cmpi sle, %add3A_182, %sub3A_183 : i32
      %and3A_185 = arith.andi %ge3A_180, %le3A_184 : i1
      %and3A_186 = arith.andi %not3A_177, %and3A_185 : i1
      %sub3A_187 = arith.constant 1 : i32
      %sub3A_188 = vector.broadcast %sub3A_187 : i32 to vector<16xi32>
      %sub3A_189 = arith.subi %gather3A_154, %sub3A_188 : vector<16xi32>
      %mul3A_190 = arith.muli %gather3A_154, %gather3A_154 : vector<16xi32>
      %sub3A_191 = arith.constant 1 : i32
      %sub3A_192 = vector.broadcast %sub3A_191 : i32 to vector<16xi32>
      %sub3A_193 = arith.subi %mul3A_190, %sub3A_192 : vector<16xi32>
      %mul3A_194 = arith.muli %gather3A_154, %gather3A_154 : vector<16xi32>
      %add3A_195 = arith.constant 1 : i32
      %add3A_196 = vector.broadcast %add3A_195 : i32 to vector<16xi32>
      %add3A_197 = arith.addi %mul3A_194, %add3A_196 : vector<16xi32>
      %shift_right_arithmetic3A_198 = arith.constant 1 : i32
      %shift_right_arithmetic3A_199 = vector.broadcast %shift_right_arithmetic3A_198 : i32 to vector<16xi32>
      %shift_right_arithmetic3A_200 = arith.shrsi %add3A_197, %shift_right_arithmetic3A_199 : vector<16xi32>
      %shift_left3A_201 = arith.constant 9 : i32
      %shift_left3A_202 = vector.broadcast %shift_left3A_201 : i32 to vector<16xi32>
      %shift_left3A_203 = arith.shli %broadcast_in_dim3A_151, %shift_left3A_202 : vector<16xi32>
      %add3A_204 = arith.addi %sub3A_189, %shift_left3A_203 : vector<16xi32>
      %or3A_205 = arith.ori %and3A_186, %ge3A_175 : i1
      %or3A_206 = arith.ori %le3A_174, %or3A_205 : i1
      %not3A_207 = arith.constant true
      %not3A_208 = arith.xori %or3A_206, %not3A_207 : i1
      %shift_right_arithmetic3A_209 = arith.constant 6 : i32
      %shift_right_arithmetic3A_210 = arith.shrsi %or3A_140, %shift_right_arithmetic3A_209 : i32
      %mul3A_211 = arith.constant 262144 : i32
      %mul3A_212 = arith.muli %shift_right_arithmetic3A_210, %mul3A_211 : i32
      %add3A_213 = arith.addi %mul3A_212, %mul3A_150 : i32
      %convert_element_type3A_214 = arith.extui %le3A_174 : i1 to i32
      %cond3A_215 = arith.constant 0 : i32
      %cond3A_216 = arith.cmpi ne, %convert_element_type3A_214, %cond3A_215 : i32
      scf.if %cond3A_216 {
        %sub3A_309 = arith.constant 1 : i32
        %sub3A_310 = arith.subi %and3A_171, %sub3A_309 : i32
        %sub3A_311 = vector.broadcast %sub3A_310 : i32 to vector<16xi32>
        %sub3A_312 = arith.subi %sub3A_311, %iota3A : vector<16xi32>
        %and3A_313 = arith.constant 15 : i32
        %and3A_314 = vector.broadcast %and3A_313 : i32 to vector<16xi32>
        %and3A_315 = arith.andi %sub3A_312, %and3A_314 : vector<16xi32>
        %lt3A_316 = vector.broadcast %and3A_171 : i32 to vector<16xi32>
        %lt3A_317 = arith.cmpi slt, %iota3A, %lt3A_316 : vector<16xi32>
        %add3A_318 = arith.constant 0 : i32
        %add3A_319 = arith.addi %mul3A_150, %add3A_318 : i32
        %broadcast_in_dim3A_320 = vector.broadcast %add3A_319 : i32 to vector<16xi32>
        %add3A_321 = arith.addi %broadcast_in_dim3A_320, %iota3A : vector<16xi32>
        %shift_left3A_322 = arith.constant 3 : i32
        %shift_left3A_323 = vector.broadcast %shift_left3A_322 : i32 to vector<16xi32>
        %shift_left3A_324 = arith.shli %add3A_321, %shift_left3A_323 : vector<16xi32>
        %add3A_325 = arith.constant 1 : i32
        %add3A_326 = vector.broadcast %add3A_325 : i32 to vector<16xi32>
        %add3A_327 = arith.addi %shift_left3A_324, %add3A_326 : vector<16xi32>
        %convert_element_type3A_328 = arith.sitofp %add3A_327 : vector<16xi32> to vector<16xf32>
        %bitcast_convert_type3A = tpu.bitcast %convert_element_type3A_328 : vector<16xf32> -> vector<16xi32>
        %shift_right_arithmetic3A_329 = arith.constant 1 : i32
        %shift_right_arithmetic3A_330 = vector.broadcast %shift_right_arithmetic3A_329 : i32 to vector<16xi32>
        %shift_right_arithmetic3A_331 = arith.shrsi %bitcast_convert_type3A, %shift_right_arithmetic3A_330 : vector<16xi32>
        %sub3A_332 = arith.subi %broadcast_in_dim3A_17, %shift_right_arithmetic3A_331 : vector<16xi32>
        %bitcast_convert_type3A_333 = tpu.bitcast %sub3A_332 : vector<16xi32> -> vector<16xf32>
        %mul3A_334 = vector.broadcast %scan3A : f32 to vector<16xf32>
        %mul3A_335 = arith.mulf %mul3A_334, %convert_element_type3A_328 : vector<16xf32>
        %mul3A_336 = arith.mulf %mul3A_335, %bitcast_convert_type3A_333 : vector<16xf32>
        %mul3A_337 = arith.mulf %mul3A_336, %bitcast_convert_type3A_333 : vector<16xf32>
        %sub3A_338 = vector.broadcast %scan3A_18 : f32 to vector<16xf32>
        %sub3A_339 = arith.subf %sub3A_338, %mul3A_337 : vector<16xf32>
        %mul3A_340 = arith.mulf %bitcast_convert_type3A_333, %sub3A_339 : vector<16xf32>
        %mul3A_341 = vector.broadcast %scan3A : f32 to vector<16xf32>
        %mul3A_342 = arith.mulf %mul3A_341, %convert_element_type3A_328 : vector<16xf32>
        %mul3A_343 = arith.mulf %mul3A_342, %mul3A_340 : vector<16xf32>
        %mul3A_344 = arith.mulf %mul3A_343, %mul3A_340 : vector<16xf32>
        %sub3A_345 = vector.broadcast %scan3A_18 : f32 to vector<16xf32>
        %sub3A_346 = arith.subf %sub3A_345, %mul3A_344 : vector<16xf32>
        %mul3A_347 = arith.mulf %mul3A_340, %sub3A_346 : vector<16xf32>
        %mul3A_348 = arith.mulf %convert_element_type3A_328, %mul3A_347 : vector<16xf32>
        %sub3A_349 = arith.constant 1.000000e+00 : f32
        %sub3A_350 = vector.broadcast %sub3A_349 : f32 to vector<16xf32>
        %sub3A_351 = arith.subf %mul3A_348, %sub3A_350 : vector<16xf32>
        %mul3A_352 = vector.broadcast %scan3A : f32 to vector<16xf32>
        %mul3A_353 = arith.mulf %sub3A_351, %mul3A_352 : vector<16xf32>
        %convert_element_type3A_354 = arith.fptosi %mul3A_353 : vector<16xf32> to vector<16xi32>
        %add3A_355 = arith.constant 1 : i32
        %add3A_356 = vector.broadcast %add3A_355 : i32 to vector<16xi32>
        %add3A_357 = arith.addi %convert_element_type3A_354, %add3A_356 : vector<16xi32>
        %add3A_358 = arith.constant 2 : i32
        %add3A_359 = vector.broadcast %add3A_358 : i32 to vector<16xi32>
        %add3A_360 = arith.addi %convert_element_type3A_354, %add3A_359 : vector<16xi32>
        %mul3A_361 = arith.muli %add3A_357, %add3A_360 : vector<16xi32>
        %shift_right_arithmetic3A_362 = arith.constant 1 : i32
        %shift_right_arithmetic3A_363 = vector.broadcast %shift_right_arithmetic3A_362 : i32 to vector<16xi32>
        %shift_right_arithmetic3A_364 = arith.shrsi %mul3A_361, %shift_right_arithmetic3A_363 : vector<16xi32>
        %ge3A_365 = arith.cmpi sge, %add3A_321, %shift_right_arithmetic3A_364 : vector<16xi32>
        %select_n3A_366 = arith.select %ge3A_365, %add3A_357, %convert_element_type3A_354 : vector<16xi1>, vector<16xi32>
        %sub3A_367 = arith.subi %shift_right_arithmetic3A_364, %add3A_357 : vector<16xi32>
        %select_n3A_368 = arith.select %ge3A_365, %shift_right_arithmetic3A_364, %sub3A_367 : vector<16xi1>, vector<16xi32>
        %lt3A_369 = arith.cmpi slt, %add3A_321, %select_n3A_368 : vector<16xi32>
        %sub3A_370 = arith.constant 1 : i32
        %sub3A_371 = vector.broadcast %sub3A_370 : i32 to vector<16xi32>
        %sub3A_372 = arith.subi %select_n3A_366, %sub3A_371 : vector<16xi32>
        %select_n3A_373 = arith.select %lt3A_369, %sub3A_372, %select_n3A_366 : vector<16xi1>, vector<16xi32>
        %sub3A_374 = arith.subi %select_n3A_368, %select_n3A_366 : vector<16xi32>
        %select_n3A_375 = arith.select %lt3A_369, %sub3A_374, %select_n3A_368 : vector<16xi1>, vector<16xi32>
        %sub3A_376 = arith.subi %add3A_321, %select_n3A_375 : vector<16xi32>
        %sub3A_377 = arith.subi %select_n3A_373, %sub3A_376 : vector<16xi32>
        %add3A_378 = arith.addi %sub3A_376, %shift_left3A_203 : vector<16xi32>
        %swap3A = arith.constant 0 : index
        %swap3A_379 = tpu.vector_load %arg8[%swap3A] {strides = array<i32>} : memref<4096xi32, #tpu.memory_space<vmem>>, vector<16xi32>,
        tpu.vector_store %arg8[%swap3A], %add3A_378 {strides = array<i32>} : memref<4096xi32, #tpu.memory_space<vmem>>, vector<16xi32>,
        %add3A_380 = arith.addi %sub3A_377, %shift_left3A_203 : vector<16xi32>
        %swap3A_381 = arith.constant 0 : index
        %swap3A_382 = tpu.vector_load %arg9[%swap3A_381] {strides = array<i32>} : memref<4096xi32, #tpu.memory_space<vmem>>, vector<16xi32>,
        tpu.vector_store %arg9[%swap3A_381], %add3A_380 {strides = array<i32>} : memref<4096xi32, #tpu.memory_space<vmem>>, vector<16xi32>,
        %sub3A_383 = arith.subi %add3A_204, %sub3A_376 : vector<16xi32>
        %sub3A_384 = arith.subi %add3A_204, %sub3A_377 : vector<16xi32>
        %scan3A_385 = arith.constant 1 : i32
        %scan3A_386 = arith.constant 254 : i32
        %scan3A_387 = arith.addi %scan3A_385, %scan3A_386 : i32
        %scan3A_388 = arith.constant 2 : i32
        %scan3A_389:2 = scf.for %scan3A_597 = %scan3A_385 to %scan3A_387 step %scan3A_388 iter_args(%scan3A_598 = %sub3A_383, %scan3A_599 = %sub3A_384) -> (vector<16xi32>, vector<16xi32>)  : i32 {
          %mul3A_600 = arith.constant 16 : i32
          %mul3A_601 = arith.muli %scan3A_597, %mul3A_600 : i32
          %add3A_602 = arith.addi %mul3A_150, %mul3A_601 : i32
          %broadcast_in_dim3A_603 = vector.broadcast %add3A_602 : i32 to vector<16xi32>
          %add3A_604 = arith.addi %broadcast_in_dim3A_603, %iota3A : vector<16xi32>
          %shift_left3A_605 = arith.constant 3 : i32
          %shift_left3A_606 = vector.broadcast %shift_left3A_605 : i32 to vector<16xi32>
          %shift_left3A_607 = arith.shli %add3A_604, %shift_left3A_606 : vector<16xi32>
          %add3A_608 = arith.constant 1 : i32
          %add3A_609 = vector.broadcast %add3A_608 : i32 to vector<16xi32>
          %add3A_610 = arith.addi %shift_left3A_607, %add3A_609 : vector<16xi32>
          %convert_element_type3A_611 = arith.sitofp %add3A_610 : vector<16xi32> to vector<16xf32>
          %bitcast_convert_type3A_612 = tpu.bitcast %convert_element_type3A_611 : vector<16xf32> -> vector<16xi32>
          %shift_right_arithmetic3A_613 = arith.constant 1 : i32
          %shift_right_arithmetic3A_614 = vector.broadcast %shift_right_arithmetic3A_613 : i32 to vector<16xi32>
          %shift_right_arithmetic3A_615 = arith.shrsi %bitcast_convert_type3A_612, %shift_right_arithmetic3A_614 : vector<16xi32>
          %sub3A_616 = arith.subi %broadcast_in_dim3A_17, %shift_right_arithmetic3A_615 : vector<16xi32>
          %bitcast_convert_type3A_617 = tpu.bitcast %sub3A_616 : vector<16xi32> -> vector<16xf32>
          %mul3A_618 = vector.broadcast %scan3A : f32 to vector<16xf32>
          %mul3A_619 = arith.mulf %mul3A_618, %convert_element_type3A_611 : vector<16xf32>
          %mul3A_620 = arith.mulf %mul3A_619, %bitcast_convert_type3A_617 : vector<16xf32>
          %mul3A_621 = arith.mulf %mul3A_620, %bitcast_convert_type3A_617 : vector<16xf32>
          %sub3A_622 = vector.broadcast %scan3A_18 : f32 to vector<16xf32>
          %sub3A_623 = arith.subf %sub3A_622, %mul3A_621 : vector<16xf32>
          %mul3A_624 = arith.mulf %bitcast_convert_type3A_617, %sub3A_623 : vector<16xf32>
          %mul3A_625 = vector.broadcast %scan3A : f32 to vector<16xf32>
          %mul3A_626 = arith.mulf %mul3A_625, %convert_element_type3A_611 : vector<16xf32>
          %mul3A_627 = arith.mulf %mul3A_626, %mul3A_624 : vector<16xf32>
          %mul3A_628 = arith.mulf %mul3A_627, %mul3A_624 : vector<16xf32>
          %sub3A_629 = vector.broadcast %scan3A_18 : f32 to vector<16xf32>
          %sub3A_630 = arith.subf %sub3A_629, %mul3A_628 : vector<16xf32>
          %mul3A_631 = arith.mulf %mul3A_624, %sub3A_630 : vector<16xf32>
          %mul3A_632 = arith.mulf %convert_element_type3A_611, %mul3A_631 : vector<16xf32>
          %sub3A_633 = arith.constant 1.000000e+00 : f32
          %sub3A_634 = vector.broadcast %sub3A_633 : f32 to vector<16xf32>
          %sub3A_635 = arith.subf %mul3A_632, %sub3A_634 : vector<16xf32>
          %mul3A_636 = vector.broadcast %scan3A : f32 to vector<16xf32>
          %mul3A_637 = arith.mulf %sub3A_635, %mul3A_636 : vector<16xf32>
          %convert_element_type3A_638 = arith.fptosi %mul3A_637 : vector<16xf32> to vector<16xi32>
          %add3A_639 = arith.constant 1 : i32
          %add3A_640 = vector.broadcast %add3A_639 : i32 to vector<16xi32>
          %add3A_641 = arith.addi %convert_element_type3A_638, %add3A_640 : vector<16xi32>
          %add3A_642 = arith.constant 2 : i32
          %add3A_643 = vector.broadcast %add3A_642 : i32 to vector<16xi32>
          %add3A_644 = arith.addi %convert_element_type3A_638, %add3A_643 : vector<16xi32>
          %mul3A_645 = arith.muli %add3A_641, %add3A_644 : vector<16xi32>
          %shift_right_arithmetic3A_646 = arith.constant 1 : i32
          %shift_right_arithmetic3A_647 = vector.broadcast %shift_right_arithmetic3A_646 : i32 to vector<16xi32>
          %shift_right_arithmetic3A_648 = arith.shrsi %mul3A_645, %shift_right_arithmetic3A_647 : vector<16xi32>
          %ge3A_649 = arith.cmpi sge, %add3A_604, %shift_right_arithmetic3A_648 : vector<16xi32>
          %select_n3A_650 = arith.select %ge3A_649, %add3A_641, %convert_element_type3A_638 : vector<16xi1>, vector<16xi32>
          %sub3A_651 = arith.subi %shift_right_arithmetic3A_648, %add3A_641 : vector<16xi32>
          %select_n3A_652 = arith.select %ge3A_649, %shift_right_arithmetic3A_648, %sub3A_651 : vector<16xi1>, vector<16xi32>
          %lt3A_653 = arith.cmpi slt, %add3A_604, %select_n3A_652 : vector<16xi32>
          %sub3A_654 = arith.constant 1 : i32
          %sub3A_655 = vector.broadcast %sub3A_654 : i32 to vector<16xi32>
          %sub3A_656 = arith.subi %select_n3A_650, %sub3A_655 : vector<16xi32>
          %select_n3A_657 = arith.select %lt3A_653, %sub3A_656, %select_n3A_650 : vector<16xi1>, vector<16xi32>
          %sub3A_658 = arith.subi %select_n3A_652, %select_n3A_650 : vector<16xi32>
          %select_n3A_659 = arith.select %lt3A_653, %sub3A_658, %select_n3A_652 : vector<16xi1>, vector<16xi32>
          %sub3A_660 = arith.subi %add3A_604, %select_n3A_659 : vector<16xi32>
          %sub3A_661 = arith.subi %select_n3A_657, %sub3A_660 : vector<16xi32>
          %add3A_662 = arith.addi %sub3A_660, %shift_left3A_203 : vector<16xi32>
          %mul3A_663 = arith.constant 16 : i32
          %mul3A_664 = arith.muli %scan3A_597, %mul3A_663 : i32
          %swap3A_665 = arith.index_cast %mul3A_664 : i32 to index
          %swap3A_666 = tpu.vector_load %arg8[%swap3A_665] {strides = array<i32>} : memref<4096xi32, #tpu.memory_space<vmem>>, vector<16xi32>,
          tpu.vector_store %arg8[%swap3A_665], %add3A_662 {strides = array<i32>} : memref<4096xi32, #tpu.memory_space<vmem>>, vector<16xi32>,
          %add3A_667 = arith.addi %sub3A_661, %shift_left3A_203 : vector<16xi32>
          %mul3A_668 = arith.constant 16 : i32
          %mul3A_669 = arith.muli %scan3A_597, %mul3A_668 : i32
          %swap3A_670 = arith.index_cast %mul3A_669 : i32 to index
          %swap3A_671 = tpu.vector_load %arg9[%swap3A_670] {strides = array<i32>} : memref<4096xi32, #tpu.memory_space<vmem>>, vector<16xi32>,
          tpu.vector_store %arg9[%swap3A_670], %add3A_667 {strides = array<i32>} : memref<4096xi32, #tpu.memory_space<vmem>>, vector<16xi32>,
          %sub3A_672 = arith.subi %add3A_204, %sub3A_660 : vector<16xi32>
          %sub3A_673 = arith.subi %add3A_204, %sub3A_661 : vector<16xi32>
          %sub3A_674 = arith.constant 256 : i32
          %sub3A_675 = arith.subi %sub3A_674, %scan3A_597 : i32
          %mul3A_676 = arith.constant 16 : i32
          %mul3A_677 = arith.muli %sub3A_675, %mul3A_676 : i32
          %broadcast_in_dim3A_678 = vector.shape_cast %and3A_315 : vector<16xi32> to vector<16x1xi32>
          %gather3A_679 = vector.shape_cast %broadcast_in_dim3A_678 : vector<16x1xi32> to vector<16xi32>
          %gather3A_680 = tpu.dynamic_gather %sub3A_672[%gather3A_679] in [0] : vector<16xi32>, vector<16xi32> -> vector<16xi32>
          %broadcast_in_dim3A_681 = vector.shape_cast %and3A_315 : vector<16xi32> to vector<16x1xi32>
          %gather3A_682 = vector.shape_cast %broadcast_in_dim3A_681 : vector<16x1xi32> to vector<16xi32>
          %gather3A_683 = tpu.dynamic_gather %scan3A_598[%gather3A_682] in [0] : vector<16xi32>, vector<16xi32> -> vector<16xi32>
          %select_n3A_684 = arith.select %lt3A_317, %gather3A_680, %gather3A_683 : vector<16xi1>, vector<16xi32>
          %swap3A_685 = arith.index_cast %mul3A_677 : i32 to index
          %swap3A_686 = tpu.vector_load %arg10[%swap3A_685] {strides = array<i32>} : memref<4096xi32, #tpu.memory_space<vmem>>, vector<16xi32>,
          tpu.vector_store %arg10[%swap3A_685], %select_n3A_684 {strides = array<i32>} : memref<4096xi32, #tpu.memory_space<vmem>>, vector<16xi32>,
          %broadcast_in_dim3A_687 = vector.shape_cast %and3A_315 : vector<16xi32> to vector<16x1xi32>
          %gather3A_688 = vector.shape_cast %broadcast_in_dim3A_687 : vector<16x1xi32> to vector<16xi32>
          %gather3A_689 = tpu.dynamic_gather %sub3A_673[%gather3A_688] in [0] : vector<16xi32>, vector<16xi32> -> vector<16xi32>
          %broadcast_in_dim3A_690 = vector.shape_cast %and3A_315 : vector<16xi32> to vector<16x1xi32>
          %gather3A_691 = vector.shape_cast %broadcast_in_dim3A_690 : vector<16x1xi32> to vector<16xi32>
          %gather3A_692 = tpu.dynamic_gather %scan3A_599[%gather3A_691] in [0] : vector<16xi32>, vector<16xi32> -> vector<16xi32>
          %select_n3A_693 = arith.select %lt3A_317, %gather3A_689, %gather3A_692 : vector<16xi1>, vector<16xi32>
          %swap3A_694 = arith.index_cast %mul3A_677 : i32 to index
          %swap3A_695 = tpu.vector_load %arg11[%swap3A_694] {strides = array<i32>} : memref<4096xi32, #tpu.memory_space<vmem>>, vector<16xi32>,
          tpu.vector_store %arg11[%swap3A_694], %select_n3A_693 {strides = array<i32>} : memref<4096xi32, #tpu.memory_space<vmem>>, vector<16xi32>,
          %scan3A_696 = arith.constant 1 : i32
          %scan3A_697 = arith.addi %scan3A_597, %scan3A_696 : i32
          %mul3A_698 = arith.constant 16 : i32
          %mul3A_699 = arith.muli %scan3A_697, %mul3A_698 : i32
          %add3A_700 = arith.addi %mul3A_150, %mul3A_699 : i32
          %broadcast_in_dim3A_701 = vector.broadcast %add3A_700 : i32 to vector<16xi32>
          %add3A_702 = arith.addi %broadcast_in_dim3A_701, %iota3A : vector<16xi32>
          %shift_left3A_703 = arith.constant 3 : i32
          %shift_left3A_704 = vector.broadcast %shift_left3A_703 : i32 to vector<16xi32>
          %shift_left3A_705 = arith.shli %add3A_702, %shift_left3A_704 : vector<16xi32>
          %add3A_706 = arith.constant 1 : i32
          %add3A_707 = vector.broadcast %add3A_706 : i32 to vector<16xi32>
          %add3A_708 = arith.addi %shift_left3A_705, %add3A_707 : vector<16xi32>
          %convert_element_type3A_709 = arith.sitofp %add3A_708 : vector<16xi32> to vector<16xf32>
          %bitcast_convert_type3A_710 = tpu.bitcast %convert_element_type3A_709 : vector<16xf32> -> vector<16xi32>
          %shift_right_arithmetic3A_711 = arith.constant 1 : i32
          %shift_right_arithmetic3A_712 = vector.broadcast %shift_right_arithmetic3A_711 : i32 to vector<16xi32>
          %shift_right_arithmetic3A_713 = arith.shrsi %bitcast_convert_type3A_710, %shift_right_arithmetic3A_712 : vector<16xi32>
          %sub3A_714 = arith.subi %broadcast_in_dim3A_17, %shift_right_arithmetic3A_713 : vector<16xi32>
          %bitcast_convert_type3A_715 = tpu.bitcast %sub3A_714 : vector<16xi32> -> vector<16xf32>
          %mul3A_716 = vector.broadcast %scan3A : f32 to vector<16xf32>
          %mul3A_717 = arith.mulf %mul3A_716, %convert_element_type3A_709 : vector<16xf32>
          %mul3A_718 = arith.mulf %mul3A_717, %bitcast_convert_type3A_715 : vector<16xf32>
          %mul3A_719 = arith.mulf %mul3A_718, %bitcast_convert_type3A_715 : vector<16xf32>
          %sub3A_720 = vector.broadcast %scan3A_18 : f32 to vector<16xf32>
          %sub3A_721 = arith.subf %sub3A_720, %mul3A_719 : vector<16xf32>
          %mul3A_722 = arith.mulf %bitcast_convert_type3A_715, %sub3A_721 : vector<16xf32>
          %mul3A_723 = vector.broadcast %scan3A : f32 to vector<16xf32>
          %mul3A_724 = arith.mulf %mul3A_723, %convert_element_type3A_709 : vector<16xf32>
          %mul3A_725 = arith.mulf %mul3A_724, %mul3A_722 : vector<16xf32>
          %mul3A_726 = arith.mulf %mul3A_725, %mul3A_722 : vector<16xf32>
          %sub3A_727 = vector.broadcast %scan3A_18 : f32 to vector<16xf32>
          %sub3A_728 = arith.subf %sub3A_727, %mul3A_726 : vector<16xf32>
          %mul3A_729 = arith.mulf %mul3A_722, %sub3A_728 : vector<16xf32>
          %mul3A_730 = arith.mulf %convert_element_type3A_709, %mul3A_729 : vector<16xf32>
          %sub3A_731 = arith.constant 1.000000e+00 : f32
          %sub3A_732 = vector.broadcast %sub3A_731 : f32 to vector<16xf32>
          %sub3A_733 = arith.subf %mul3A_730, %sub3A_732 : vector<16xf32>
          %mul3A_734 = vector.broadcast %scan3A : f32 to vector<16xf32>
          %mul3A_735 = arith.mulf %sub3A_733, %mul3A_734 : vector<16xf32>
          %convert_element_type3A_736 = arith.fptosi %mul3A_735 : vector<16xf32> to vector<16xi32>
          %add3A_737 = arith.constant 1 : i32
          %add3A_738 = vector.broadcast %add3A_737 : i32 to vector<16xi32>
          %add3A_739 = arith.addi %convert_element_type3A_736, %add3A_738 : vector<16xi32>
          %add3A_740 = arith.constant 2 : i32
          %add3A_741 = vector.broadcast %add3A_740 : i32 to vector<16xi32>
          %add3A_742 = arith.addi %convert_element_type3A_736, %add3A_741 : vector<16xi32>
          %mul3A_743 = arith.muli %add3A_739, %add3A_742 : vector<16xi32>
          %shift_right_arithmetic3A_744 = arith.constant 1 : i32
          %shift_right_arithmetic3A_745 = vector.broadcast %shift_right_arithmetic3A_744 : i32 to vector<16xi32>
          %shift_right_arithmetic3A_746 = arith.shrsi %mul3A_743, %shift_right_arithmetic3A_745 : vector<16xi32>
          %ge3A_747 = arith.cmpi sge, %add3A_702, %shift_right_arithmetic3A_746 : vector<16xi32>
          %select_n3A_748 = arith.select %ge3A_747, %add3A_739, %convert_element_type3A_736 : vector<16xi1>, vector<16xi32>
          %sub3A_749 = arith.subi %shift_right_arithmetic3A_746, %add3A_739 : vector<16xi32>
          %select_n3A_750 = arith.select %ge3A_747, %shift_right_arithmetic3A_746, %sub3A_749 : vector<16xi1>, vector<16xi32>
          %lt3A_751 = arith.cmpi slt, %add3A_702, %select_n3A_750 : vector<16xi32>
          %sub3A_752 = arith.constant 1 : i32
          %sub3A_753 = vector.broadcast %sub3A_752 : i32 to vector<16xi32>
          %sub3A_754 = arith.subi %select_n3A_748, %sub3A_753 : vector<16xi32>
          %select_n3A_755 = arith.select %lt3A_751, %sub3A_754, %select_n3A_748 : vector<16xi1>, vector<16xi32>
          %sub3A_756 = arith.subi %select_n3A_750, %select_n3A_748 : vector<16xi32>
          %select_n3A_757 = arith.select %lt3A_751, %sub3A_756, %select_n3A_750 : vector<16xi1>, vector<16xi32>
          %sub3A_758 = arith.subi %add3A_702, %select_n3A_757 : vector<16xi32>
          %sub3A_759 = arith.subi %select_n3A_755, %sub3A_758 : vector<16xi32>
          %add3A_760 = arith.addi %sub3A_758, %shift_left3A_203 : vector<16xi32>
          %mul3A_761 = arith.constant 16 : i32
          %mul3A_762 = arith.muli %scan3A_697, %mul3A_761 : i32
          %swap3A_763 = arith.index_cast %mul3A_762 : i32 to index
          %swap3A_764 = tpu.vector_load %arg8[%swap3A_763] {strides = array<i32>} : memref<4096xi32, #tpu.memory_space<vmem>>, vector<16xi32>,
          tpu.vector_store %arg8[%swap3A_763], %add3A_760 {strides = array<i32>} : memref<4096xi32, #tpu.memory_space<vmem>>, vector<16xi32>,
          %add3A_765 = arith.addi %sub3A_759, %shift_left3A_203 : vector<16xi32>
          %mul3A_766 = arith.constant 16 : i32
          %mul3A_767 = arith.muli %scan3A_697, %mul3A_766 : i32
          %swap3A_768 = arith.index_cast %mul3A_767 : i32 to index
          %swap3A_769 = tpu.vector_load %arg9[%swap3A_768] {strides = array<i32>} : memref<4096xi32, #tpu.memory_space<vmem>>, vector<16xi32>,
          tpu.vector_store %arg9[%swap3A_768], %add3A_765 {strides = array<i32>} : memref<4096xi32, #tpu.memory_space<vmem>>, vector<16xi32>,
          %sub3A_770 = arith.subi %add3A_204, %sub3A_758 : vector<16xi32>
          %sub3A_771 = arith.subi %add3A_204, %sub3A_759 : vector<16xi32>
          %sub3A_772 = arith.constant 256 : i32
          %sub3A_773 = arith.subi %sub3A_772, %scan3A_697 : i32
          %mul3A_774 = arith.constant 16 : i32
          %mul3A_775 = arith.muli %sub3A_773, %mul3A_774 : i32
          %broadcast_in_dim3A_776 = vector.shape_cast %and3A_315 : vector<16xi32> to vector<16x1xi32>
          %gather3A_777 = vector.shape_cast %broadcast_in_dim3A_776 : vector<16x1xi32> to vector<16xi32>
          %gather3A_778 = tpu.dynamic_gather %sub3A_770[%gather3A_777] in [0] : vector<16xi32>, vector<16xi32> -> vector<16xi32>
          %broadcast_in_dim3A_779 = vector.shape_cast %and3A_315 : vector<16xi32> to vector<16x1xi32>
          %gather3A_780 = vector.shape_cast %broadcast_in_dim3A_779 : vector<16x1xi32> to vector<16xi32>
          %gather3A_781 = tpu.dynamic_gather %sub3A_672[%gather3A_780] in [0] : vector<16xi32>, vector<16xi32> -> vector<16xi32>
          %select_n3A_782 = arith.select %lt3A_317, %gather3A_778, %gather3A_781 : vector<16xi1>, vector<16xi32>
          %swap3A_783 = arith.index_cast %mul3A_775 : i32 to index
          %swap3A_784 = tpu.vector_load %arg10[%swap3A_783] {strides = array<i32>} : memref<4096xi32, #tpu.memory_space<vmem>>, vector<16xi32>,
          tpu.vector_store %arg10[%swap3A_783], %select_n3A_782 {strides = array<i32>} : memref<4096xi32, #tpu.memory_space<vmem>>, vector<16xi32>,
          %broadcast_in_dim3A_785 = vector.shape_cast %and3A_315 : vector<16xi32> to vector<16x1xi32>
          %gather3A_786 = vector.shape_cast %broadcast_in_dim3A_785 : vector<16x1xi32> to vector<16xi32>
          %gather3A_787 = tpu.dynamic_gather %sub3A_771[%gather3A_786] in [0] : vector<16xi32>, vector<16xi32> -> vector<16xi32>
          %broadcast_in_dim3A_788 = vector.shape_cast %and3A_315 : vector<16xi32> to vector<16x1xi32>
          %gather3A_789 = vector.shape_cast %broadcast_in_dim3A_788 : vector<16x1xi32> to vector<16xi32>
          %gather3A_790 = tpu.dynamic_gather %sub3A_673[%gather3A_789] in [0] : vector<16xi32>, vector<16xi32> -> vector<16xi32>
          %select_n3A_791 = arith.select %lt3A_317, %gather3A_787, %gather3A_790 : vector<16xi1>, vector<16xi32>
          %swap3A_792 = arith.index_cast %mul3A_775 : i32 to index
          %swap3A_793 = tpu.vector_load %arg11[%swap3A_792] {strides = array<i32>} : memref<4096xi32, #tpu.memory_space<vmem>>, vector<16xi32>,
          tpu.vector_store %arg11[%swap3A_792], %select_n3A_791 {strides = array<i32>} : memref<4096xi32, #tpu.memory_space<vmem>>, vector<16xi32>,
          scf.yield %sub3A_770, %sub3A_771 : vector<16xi32>, vector<16xi32>
        }
        %scan3A_390 = arith.constant 254 : i32
        %scan3A_391 = arith.addi %scan3A_385, %scan3A_390 : i32
        %mul3A_392 = arith.constant 16 : i32
        %mul3A_393 = arith.muli %scan3A_391, %mul3A_392 : i32
        %add3A_394 = arith.addi %mul3A_150, %mul3A_393 : i32
        %broadcast_in_dim3A_395 = vector.broadcast %add3A_394 : i32 to vector<16xi32>
        %add3A_396 = arith.addi %broadcast_in_dim3A_395, %iota3A : vector<16xi32>
        %shift_left3A_397 = arith.constant 3 : i32
        %shift_left3A_398 = vector.broadcast %shift_left3A_397 : i32 to vector<16xi32>
        %shift_left3A_399 = arith.shli %add3A_396, %shift_left3A_398 : vector<16xi32>
        %add3A_400 = arith.constant 1 : i32
        %add3A_401 = vector.broadcast %add3A_400 : i32 to vector<16xi32>
        %add3A_402 = arith.addi %shift_left3A_399, %add3A_401 : vector<16xi32>
        %convert_element_type3A_403 = arith.sitofp %add3A_402 : vector<16xi32> to vector<16xf32>
        %bitcast_convert_type3A_404 = tpu.bitcast %convert_element_type3A_403 : vector<16xf32> -> vector<16xi32>
        %shift_right_arithmetic3A_405 = arith.constant 1 : i32
        %shift_right_arithmetic3A_406 = vector.broadcast %shift_right_arithmetic3A_405 : i32 to vector<16xi32>
        %shift_right_arithmetic3A_407 = arith.shrsi %bitcast_convert_type3A_404, %shift_right_arithmetic3A_406 : vector<16xi32>
        %sub3A_408 = arith.subi %broadcast_in_dim3A_17, %shift_right_arithmetic3A_407 : vector<16xi32>
        %bitcast_convert_type3A_409 = tpu.bitcast %sub3A_408 : vector<16xi32> -> vector<16xf32>
        %mul3A_410 = vector.broadcast %scan3A : f32 to vector<16xf32>
        %mul3A_411 = arith.mulf %mul3A_410, %convert_element_type3A_403 : vector<16xf32>
        %mul3A_412 = arith.mulf %mul3A_411, %bitcast_convert_type3A_409 : vector<16xf32>
        %mul3A_413 = arith.mulf %mul3A_412, %bitcast_convert_type3A_409 : vector<16xf32>
        %sub3A_414 = vector.broadcast %scan3A_18 : f32 to vector<16xf32>
        %sub3A_415 = arith.subf %sub3A_414, %mul3A_413 : vector<16xf32>
        %mul3A_416 = arith.mulf %bitcast_convert_type3A_409, %sub3A_415 : vector<16xf32>
        %mul3A_417 = vector.broadcast %scan3A : f32 to vector<16xf32>
        %mul3A_418 = arith.mulf %mul3A_417, %convert_element_type3A_403 : vector<16xf32>
        %mul3A_419 = arith.mulf %mul3A_418, %mul3A_416 : vector<16xf32>
        %mul3A_420 = arith.mulf %mul3A_419, %mul3A_416 : vector<16xf32>
        %sub3A_421 = vector.broadcast %scan3A_18 : f32 to vector<16xf32>
        %sub3A_422 = arith.subf %sub3A_421, %mul3A_420 : vector<16xf32>
        %mul3A_423 = arith.mulf %mul3A_416, %sub3A_422 : vector<16xf32>
        %mul3A_424 = arith.mulf %convert_element_type3A_403, %mul3A_423 : vector<16xf32>
        %sub3A_425 = arith.constant 1.000000e+00 : f32
        %sub3A_426 = vector.broadcast %sub3A_425 : f32 to vector<16xf32>
        %sub3A_427 = arith.subf %mul3A_424, %sub3A_426 : vector<16xf32>
        %mul3A_428 = vector.broadcast %scan3A : f32 to vector<16xf32>
        %mul3A_429 = arith.mulf %sub3A_427, %mul3A_428 : vector<16xf32>
        %convert_element_type3A_430 = arith.fptosi %mul3A_429 : vector<16xf32> to vector<16xi32>
        %add3A_431 = arith.constant 1 : i32
        %add3A_432 = vector.broadcast %add3A_431 : i32 to vector<16xi32>
        %add3A_433 = arith.addi %convert_element_type3A_430, %add3A_432 : vector<16xi32>
        %add3A_434 = arith.constant 2 : i32
        %add3A_435 = vector.broadcast %add3A_434 : i32 to vector<16xi32>
        %add3A_436 = arith.addi %convert_element_type3A_430, %add3A_435 : vector<16xi32>
        %mul3A_437 = arith.muli %add3A_433, %add3A_436 : vector<16xi32>
        %shift_right_arithmetic3A_438 = arith.constant 1 : i32
        %shift_right_arithmetic3A_439 = vector.broadcast %shift_right_arithmetic3A_438 : i32 to vector<16xi32>
        %shift_right_arithmetic3A_440 = arith.shrsi %mul3A_437, %shift_right_arithmetic3A_439 : vector<16xi32>
        %ge3A_441 = arith.cmpi sge, %add3A_396, %shift_right_arithmetic3A_440 : vector<16xi32>
        %select_n3A_442 = arith.select %ge3A_441, %add3A_433, %convert_element_type3A_430 : vector<16xi1>, vector<16xi32>
        %sub3A_443 = arith.subi %shift_right_arithmetic3A_440, %add3A_433 : vector<16xi32>
        %select_n3A_444 = arith.select %ge3A_441, %shift_right_arithmetic3A_440, %sub3A_443 : vector<16xi1>, vector<16xi32>
        %lt3A_445 = arith.cmpi slt, %add3A_396, %select_n3A_444 : vector<16xi32>
        %sub3A_446 = arith.constant 1 : i32
        %sub3A_447 = vector.broadcast %sub3A_446 : i32 to vector<16xi32>
        %sub3A_448 = arith.subi %select_n3A_442, %sub3A_447 : vector<16xi32>
        %select_n3A_449 = arith.select %lt3A_445, %sub3A_448, %select_n3A_442 : vector<16xi1>, vector<16xi32>
        %sub3A_450 = arith.subi %select_n3A_444, %select_n3A_442 : vector<16xi32>
        %select_n3A_451 = arith.select %lt3A_445, %sub3A_450, %select_n3A_444 : vector<16xi1>, vector<16xi32>
        %sub3A_452 = arith.subi %add3A_396, %select_n3A_451 : vector<16xi32>
        %sub3A_453 = arith.subi %select_n3A_449, %sub3A_452 : vector<16xi32>
        %add3A_454 = arith.addi %sub3A_452, %shift_left3A_203 : vector<16xi32>
        %mul3A_455 = arith.constant 16 : i32
        %mul3A_456 = arith.muli %scan3A_391, %mul3A_455 : i32
        %swap3A_457 = arith.index_cast %mul3A_456 : i32 to index
        %swap3A_458 = tpu.vector_load %arg8[%swap3A_457] {strides = array<i32>} : memref<4096xi32, #tpu.memory_space<vmem>>, vector<16xi32>,
        tpu.vector_store %arg8[%swap3A_457], %add3A_454 {strides = array<i32>} : memref<4096xi32, #tpu.memory_space<vmem>>, vector<16xi32>,
        %add3A_459 = arith.addi %sub3A_453, %shift_left3A_203 : vector<16xi32>
        %mul3A_460 = arith.constant 16 : i32
        %mul3A_461 = arith.muli %scan3A_391, %mul3A_460 : i32
        %swap3A_462 = arith.index_cast %mul3A_461 : i32 to index
        %swap3A_463 = tpu.vector_load %arg9[%swap3A_462] {strides = array<i32>} : memref<4096xi32, #tpu.memory_space<vmem>>, vector<16xi32>,
        tpu.vector_store %arg9[%swap3A_462], %add3A_459 {strides = array<i32>} : memref<4096xi32, #tpu.memory_space<vmem>>, vector<16xi32>,
        %sub3A_464 = arith.subi %add3A_204, %sub3A_452 : vector<16xi32>
        %sub3A_465 = arith.subi %add3A_204, %sub3A_453 : vector<16xi32>
        %sub3A_466 = arith.constant 256 : i32
        %sub3A_467 = arith.subi %sub3A_466, %scan3A_391 : i32
        %mul3A_468 = arith.constant 16 : i32
        %mul3A_469 = arith.muli %sub3A_467, %mul3A_468 : i32
        %broadcast_in_dim3A_470 = vector.shape_cast %and3A_315 : vector<16xi32> to vector<16x1xi32>
        %gather3A_471 = vector.shape_cast %broadcast_in_dim3A_470 : vector<16x1xi32> to vector<16xi32>
        %gather3A_472 = tpu.dynamic_gather %sub3A_464[%gather3A_471] in [0] : vector<16xi32>, vector<16xi32> -> vector<16xi32>
        %broadcast_in_dim3A_473 = vector.shape_cast %and3A_315 : vector<16xi32> to vector<16x1xi32>
        %gather3A_474 = vector.shape_cast %broadcast_in_dim3A_473 : vector<16x1xi32> to vector<16xi32>
        %gather3A_475 = tpu.dynamic_gather %scan3A_389#0[%gather3A_474] in [0] : vector<16xi32>, vector<16xi32> -> vector<16xi32>
        %select_n3A_476 = arith.select %lt3A_317, %gather3A_472, %gather3A_475 : vector<16xi1>, vector<16xi32>
        %swap3A_477 = arith.index_cast %mul3A_469 : i32 to index
        %swap3A_478 = tpu.vector_load %arg10[%swap3A_477] {strides = array<i32>} : memref<4096xi32, #tpu.memory_space<vmem>>, vector<16xi32>,
        tpu.vector_store %arg10[%swap3A_477], %select_n3A_476 {strides = array<i32>} : memref<4096xi32, #tpu.memory_space<vmem>>, vector<16xi32>,
        %broadcast_in_dim3A_479 = vector.shape_cast %and3A_315 : vector<16xi32> to vector<16x1xi32>
        %gather3A_480 = vector.shape_cast %broadcast_in_dim3A_479 : vector<16x1xi32> to vector<16xi32>
        %gather3A_481 = tpu.dynamic_gather %sub3A_465[%gather3A_480] in [0] : vector<16xi32>, vector<16xi32> -> vector<16xi32>
        %broadcast_in_dim3A_482 = vector.shape_cast %and3A_315 : vector<16xi32> to vector<16x1xi32>
        %gather3A_483 = vector.shape_cast %broadcast_in_dim3A_482 : vector<16x1xi32> to vector<16xi32>
        %gather3A_484 = tpu.dynamic_gather %scan3A_389#1[%gather3A_483] in [0] : vector<16xi32>, vector<16xi32> -> vector<16xi32>
        %select_n3A_485 = arith.select %lt3A_317, %gather3A_481, %gather3A_484 : vector<16xi1>, vector<16xi32>
        %swap3A_486 = arith.index_cast %mul3A_469 : i32 to index
        %swap3A_487 = tpu.vector_load %arg11[%swap3A_486] {strides = array<i32>} : memref<4096xi32, #tpu.memory_space<vmem>>, vector<16xi32>,
        tpu.vector_store %arg11[%swap3A_486], %select_n3A_485 {strides = array<i32>} : memref<4096xi32, #tpu.memory_space<vmem>>, vector<16xi32>,
        %scan3A_488 = arith.constant 255 : i32
        %add3A_489 = arith.constant 4096 : i32
        %add3A_490 = arith.addi %mul3A_150, %add3A_489 : i32
        %broadcast_in_dim3A_491 = vector.broadcast %add3A_490 : i32 to vector<16xi32>
        %add3A_492 = arith.addi %broadcast_in_dim3A_491, %iota3A : vector<16xi32>
        %ge3A_493 = arith.cmpi sge, %add3A_492, %shift_right_arithmetic3A_200 : vector<16xi32>
        %sub3A_494 = arith.subi %sub3A_193, %add3A_492 : vector<16xi32>
        %select_n3A_495 = arith.select %ge3A_493, %sub3A_494, %add3A_492 : vector<16xi1>, vector<16xi32>
        %shift_left3A_496 = arith.constant 3 : i32
        %shift_left3A_497 = vector.broadcast %shift_left3A_496 : i32 to vector<16xi32>
        %shift_left3A_498 = arith.shli %select_n3A_495, %shift_left3A_497 : vector<16xi32>
        %add3A_499 = arith.constant 1 : i32
        %add3A_500 = vector.broadcast %add3A_499 : i32 to vector<16xi32>
        %add3A_501 = arith.addi %shift_left3A_498, %add3A_500 : vector<16xi32>
        %convert_element_type3A_502 = arith.sitofp %add3A_501 : vector<16xi32> to vector<16xf32>
        %bitcast_convert_type3A_503 = tpu.bitcast %convert_element_type3A_502 : vector<16xf32> -> vector<16xi32>
        %shift_right_arithmetic3A_504 = arith.constant 1 : i32
        %shift_right_arithmetic3A_505 = vector.broadcast %shift_right_arithmetic3A_504 : i32 to vector<16xi32>
        %shift_right_arithmetic3A_506 = arith.shrsi %bitcast_convert_type3A_503, %shift_right_arithmetic3A_505 : vector<16xi32>
        %sub3A_507 = arith.subi %broadcast_in_dim3A_17, %shift_right_arithmetic3A_506 : vector<16xi32>
        %bitcast_convert_type3A_508 = tpu.bitcast %sub3A_507 : vector<16xi32> -> vector<16xf32>
        %mul3A_509 = vector.broadcast %scan3A : f32 to vector<16xf32>
        %mul3A_510 = arith.mulf %mul3A_509, %convert_element_type3A_502 : vector<16xf32>
        %mul3A_511 = arith.mulf %mul3A_510, %bitcast_convert_type3A_508 : vector<16xf32>
        %mul3A_512 = arith.mulf %mul3A_511, %bitcast_convert_type3A_508 : vector<16xf32>
        %sub3A_513 = vector.broadcast %scan3A_18 : f32 to vector<16xf32>
        %sub3A_514 = arith.subf %sub3A_513, %mul3A_512 : vector<16xf32>
        %mul3A_515 = arith.mulf %bitcast_convert_type3A_508, %sub3A_514 : vector<16xf32>
        %mul3A_516 = vector.broadcast %scan3A : f32 to vector<16xf32>
        %mul3A_517 = arith.mulf %mul3A_516, %convert_element_type3A_502 : vector<16xf32>
        %mul3A_518 = arith.mulf %mul3A_517, %mul3A_515 : vector<16xf32>
        %mul3A_519 = arith.mulf %mul3A_518, %mul3A_515 : vector<16xf32>
        %sub3A_520 = vector.broadcast %scan3A_18 : f32 to vector<16xf32>
        %sub3A_521 = arith.subf %sub3A_520, %mul3A_519 : vector<16xf32>
        %mul3A_522 = arith.mulf %mul3A_515, %sub3A_521 : vector<16xf32>
        %mul3A_523 = arith.mulf %convert_element_type3A_502, %mul3A_522 : vector<16xf32>
        %sub3A_524 = arith.constant 1.000000e+00 : f32
        %sub3A_525 = vector.broadcast %sub3A_524 : f32 to vector<16xf32>
        %sub3A_526 = arith.subf %mul3A_523, %sub3A_525 : vector<16xf32>
        %mul3A_527 = vector.broadcast %scan3A : f32 to vector<16xf32>
        %mul3A_528 = arith.mulf %sub3A_526, %mul3A_527 : vector<16xf32>
        %convert_element_type3A_529 = arith.fptosi %mul3A_528 : vector<16xf32> to vector<16xi32>
        %add3A_530 = arith.constant 1 : i32
        %add3A_531 = vector.broadcast %add3A_530 : i32 to vector<16xi32>
        %add3A_532 = arith.addi %convert_element_type3A_529, %add3A_531 : vector<16xi32>
        %add3A_533 = arith.constant 2 : i32
        %add3A_534 = vector.broadcast %add3A_533 : i32 to vector<16xi32>
        %add3A_535 = arith.addi %convert_element_type3A_529, %add3A_534 : vector<16xi32>
        %mul3A_536 = arith.muli %add3A_532, %add3A_535 : vector<16xi32>
        %shift_right_arithmetic3A_537 = arith.constant 1 : i32
        %shift_right_arithmetic3A_538 = vector.broadcast %shift_right_arithmetic3A_537 : i32 to vector<16xi32>
        %shift_right_arithmetic3A_539 = arith.shrsi %mul3A_536, %shift_right_arithmetic3A_538 : vector<16xi32>
        %ge3A_540 = arith.cmpi sge, %select_n3A_495, %shift_right_arithmetic3A_539 : vector<16xi32>
        %select_n3A_541 = arith.select %ge3A_540, %add3A_532, %convert_element_type3A_529 : vector<16xi1>, vector<16xi32>
        %sub3A_542 = arith.subi %shift_right_arithmetic3A_539, %add3A_532 : vector<16xi32>
        %select_n3A_543 = arith.select %ge3A_540, %shift_right_arithmetic3A_539, %sub3A_542 : vector<16xi1>, vector<16xi32>
        %lt3A_544 = arith.cmpi slt, %select_n3A_495, %select_n3A_543 : vector<16xi32>
        %sub3A_545 = arith.constant 1 : i32
        %sub3A_546 = vector.broadcast %sub3A_545 : i32 to vector<16xi32>
        %sub3A_547 = arith.subi %select_n3A_541, %sub3A_546 : vector<16xi32>
        %select_n3A_548 = arith.select %lt3A_544, %sub3A_547, %select_n3A_541 : vector<16xi1>, vector<16xi32>
        %sub3A_549 = arith.subi %select_n3A_543, %select_n3A_541 : vector<16xi32>
        %select_n3A_550 = arith.select %lt3A_544, %sub3A_549, %select_n3A_543 : vector<16xi1>, vector<16xi32>
        %sub3A_551 = arith.subi %select_n3A_495, %select_n3A_550 : vector<16xi32>
        %sub3A_552 = arith.subi %sub3A_189, %sub3A_551 : vector<16xi32>
        %select_n3A_553 = arith.select %ge3A_493, %sub3A_552, %sub3A_551 : vector<16xi1>, vector<16xi32>
        %sub3A_554 = arith.subi %sub3A_189, %select_n3A_548 : vector<16xi32>
        %add3A_555 = arith.addi %sub3A_554, %sub3A_551 : vector<16xi32>
        %sub3A_556 = arith.subi %select_n3A_548, %sub3A_551 : vector<16xi32>
        %select_n3A_557 = arith.select %ge3A_493, %add3A_555, %sub3A_556 : vector<16xi1>, vector<16xi32>
        %sub3A_558 = arith.subi %add3A_204, %select_n3A_553 : vector<16xi32>
        %sub3A_559 = arith.subi %add3A_204, %select_n3A_557 : vector<16xi32>
        %broadcast_in_dim3A_560 = vector.shape_cast %and3A_315 : vector<16xi32> to vector<16x1xi32>
        %gather3A_561 = vector.shape_cast %broadcast_in_dim3A_560 : vector<16x1xi32> to vector<16xi32>
        %gather3A_562 = tpu.dynamic_gather %sub3A_558[%gather3A_561] in [0] : vector<16xi32>, vector<16xi32> -> vector<16xi32>
        %broadcast_in_dim3A_563 = vector.shape_cast %and3A_315 : vector<16xi32> to vector<16x1xi32>
        %gather3A_564 = vector.shape_cast %broadcast_in_dim3A_563 : vector<16x1xi32> to vector<16xi32>
        %gather3A_565 = tpu.dynamic_gather %sub3A_464[%gather3A_564] in [0] : vector<16xi32>, vector<16xi32> -> vector<16xi32>
        %select_n3A_566 = arith.select %lt3A_317, %gather3A_562, %gather3A_565 : vector<16xi1>, vector<16xi32>
        %swap3A_567 = arith.constant 0 : index
        %swap3A_568 = tpu.vector_load %arg10[%swap3A_567] {strides = array<i32>} : memref<4096xi32, #tpu.memory_space<vmem>>, vector<16xi32>,
        tpu.vector_store %arg10[%swap3A_567], %select_n3A_566 {strides = array<i32>} : memref<4096xi32, #tpu.memory_space<vmem>>, vector<16xi32>,
        %broadcast_in_dim3A_569 = vector.shape_cast %and3A_315 : vector<16xi32> to vector<16x1xi32>
        %gather3A_570 = vector.shape_cast %broadcast_in_dim3A_569 : vector<16x1xi32> to vector<16xi32>
        %gather3A_571 = tpu.dynamic_gather %sub3A_559[%gather3A_570] in [0] : vector<16xi32>, vector<16xi32> -> vector<16xi32>
        %broadcast_in_dim3A_572 = vector.shape_cast %and3A_315 : vector<16xi32> to vector<16x1xi32>
        %gather3A_573 = vector.shape_cast %broadcast_in_dim3A_572 : vector<16x1xi32> to vector<16xi32>
        %gather3A_574 = tpu.dynamic_gather %sub3A_465[%gather3A_573] in [0] : vector<16xi32>, vector<16xi32> -> vector<16xi32>
        %select_n3A_575 = arith.select %lt3A_317, %gather3A_571, %gather3A_574 : vector<16xi1>, vector<16xi32>
        %swap3A_576 = arith.constant 0 : index
        %swap3A_577 = tpu.vector_load %arg11[%swap3A_576] {strides = array<i32>} : memref<4096xi32, #tpu.memory_space<vmem>>, vector<16xi32>,
        tpu.vector_store %arg11[%swap3A_576], %select_n3A_575 {strides = array<i32>} : memref<4096xi32, #tpu.memory_space<vmem>>, vector<16xi32>,
        %shift_right_arithmetic3A_578 = arith.constant 6 : i32
        %shift_right_arithmetic3A_579 = arith.shrsi %or3A_140, %shift_right_arithmetic3A_578 : i32
        %mul3A_580 = arith.constant 262144 : i32
        %mul3A_581 = arith.muli %shift_right_arithmetic3A_579, %mul3A_580 : i32
        %shift_right_arithmetic3A_582 = arith.constant 3 : i32
        %shift_right_arithmetic3A_583 = arith.shrsi %reduce_max3A_163, %shift_right_arithmetic3A_582 : i32
        %mul3A_584 = arith.constant 8 : i32
        %mul3A_585 = arith.muli %shift_right_arithmetic3A_583, %mul3A_584 : i32
        %add3A_586 = arith.addi %mul3A_581, %mul3A_585 : i32
        %add3A_587 = arith.constant 4096 : i32
        %add3A_588 = arith.addi %mul3A_150, %add3A_587 : i32
        %sub3A_589 = arith.subi %add3A_586, %add3A_588 : i32
        %dma_start3A = tpu.memref_slice %arg3[%add3A_213] : memref<4194304xi32, #tpu.memory_space<hbm>> -> memref<4096xi32, #tpu.memory_space<hbm>>
        %dma_start3A_590 = tpu.memref_slice %arg3[%add3A_213] : memref<4194304xi32, #tpu.memory_space<hbm>> -> memref<4096xi32, #tpu.memory_space<hbm>>
        tpu.enqueue_dma source(%arg8 : memref<4096xi32, #tpu.memory_space<vmem>>) target(%dma_start3A_590 : memref<4096xi32, #tpu.memory_space<hbm>>) target_semaphore(%arg18 : memref<!tpu.dma_semaphore, #tpu.memory_space<semaphore_mem>>)
        %dma_start3A_591 = tpu.memref_slice %arg4[%add3A_213] : memref<4194304xi32, #tpu.memory_space<hbm>> -> memref<4096xi32, #tpu.memory_space<hbm>>
        %dma_start3A_592 = tpu.memref_slice %arg4[%add3A_213] : memref<4194304xi32, #tpu.memory_space<hbm>> -> memref<4096xi32, #tpu.memory_space<hbm>>
        tpu.enqueue_dma source(%arg9 : memref<4096xi32, #tpu.memory_space<vmem>>) target(%dma_start3A_592 : memref<4096xi32, #tpu.memory_space<hbm>>) target_semaphore(%arg18 : memref<!tpu.dma_semaphore, #tpu.memory_space<semaphore_mem>>)
        %dma_start3A_593 = tpu.memref_slice %arg3[%sub3A_589] : memref<4194304xi32, #tpu.memory_space<hbm>> -> memref<4096xi32, #tpu.memory_space<hbm>>
        %dma_start3A_594 = tpu.memref_slice %arg3[%sub3A_589] : memref<4194304xi32, #tpu.memory_space<hbm>> -> memref<4096xi32, #tpu.memory_space<hbm>>
        tpu.enqueue_dma source(%arg10 : memref<4096xi32, #tpu.memory_space<vmem>>) target(%dma_start3A_594 : memref<4096xi32, #tpu.memory_space<hbm>>) target_semaphore(%arg19 : memref<!tpu.dma_semaphore, #tpu.memory_space<semaphore_mem>>)
        %dma_start3A_595 = tpu.memref_slice %arg4[%sub3A_589] : memref<4194304xi32, #tpu.memory_space<hbm>> -> memref<4096xi32, #tpu.memory_space<hbm>>
        %dma_start3A_596 = tpu.memref_slice %arg4[%sub3A_589] : memref<4194304xi32, #tpu.memory_space<hbm>> -> memref<4096xi32, #tpu.memory_space<hbm>>
        tpu.enqueue_dma source(%arg11 : memref<4096xi32, #tpu.memory_space<vmem>>) target(%dma_start3A_596 : memref<4096xi32, #tpu.memory_space<hbm>>) target_semaphore(%arg19 : memref<!tpu.dma_semaphore, #tpu.memory_space<semaphore_mem>>)
      } else {
      }
      %convert_element_type3A_217 = arith.extui %not3A_208 : i1 to i32
      %cond3A_218 = arith.constant 0 : i32
      %cond3A_219 = arith.cmpi ne, %convert_element_type3A_217, %cond3A_218 : i32
      scf.if %cond3A_219 {
        %scan3A_309 = arith.constant 0 : i32
        %scan3A_310 = arith.constant 0 : i32
        %scan3A_311 = arith.constant 256 : i32
        %scan3A_312 = arith.addi %scan3A_310, %scan3A_311 : i32
        %scan3A_313 = arith.constant 2 : i32
        %scan3A_314 = scf.for %scan3A_319 = %scan3A_310 to %scan3A_312 step %scan3A_313 iter_args(%scan3A_320 = %scan3A_309) -> (i32)  : i32 {
          %mul3A_321 = arith.constant 16 : i32
          %mul3A_322 = arith.muli %scan3A_319, %mul3A_321 : i32
          %add3A_323 = arith.addi %mul3A_150, %mul3A_322 : i32
          %broadcast_in_dim3A_324 = vector.broadcast %add3A_323 : i32 to vector<16xi32>
          %add3A_325 = arith.addi %broadcast_in_dim3A_324, %iota3A : vector<16xi32>
          %ge3A_326 = arith.cmpi sge, %add3A_325, %shift_right_arithmetic3A_200 : vector<16xi32>
          %mul3A_327 = arith.muli %gather3A_154, %gather3A_154 : vector<16xi32>
          %ge3A_328 = arith.cmpi sge, %add3A_325, %mul3A_327 : vector<16xi32>
          %sub3A_329 = arith.subi %sub3A_193, %add3A_325 : vector<16xi32>
          %select_n3A_330 = arith.select %ge3A_326, %sub3A_329, %add3A_325 : vector<16xi1>, vector<16xi32>
          %shift_left3A_331 = arith.constant 3 : i32
          %shift_left3A_332 = vector.broadcast %shift_left3A_331 : i32 to vector<16xi32>
          %shift_left3A_333 = arith.shli %select_n3A_330, %shift_left3A_332 : vector<16xi32>
          %add3A_334 = arith.constant 1 : i32
          %add3A_335 = vector.broadcast %add3A_334 : i32 to vector<16xi32>
          %add3A_336 = arith.addi %shift_left3A_333, %add3A_335 : vector<16xi32>
          %convert_element_type3A_337 = arith.sitofp %add3A_336 : vector<16xi32> to vector<16xf32>
          %bitcast_convert_type3A = tpu.bitcast %convert_element_type3A_337 : vector<16xf32> -> vector<16xi32>
          %shift_right_arithmetic3A_338 = arith.constant 1 : i32
          %shift_right_arithmetic3A_339 = vector.broadcast %shift_right_arithmetic3A_338 : i32 to vector<16xi32>
          %shift_right_arithmetic3A_340 = arith.shrsi %bitcast_convert_type3A, %shift_right_arithmetic3A_339 : vector<16xi32>
          %sub3A_341 = arith.subi %broadcast_in_dim3A_17, %shift_right_arithmetic3A_340 : vector<16xi32>
          %bitcast_convert_type3A_342 = tpu.bitcast %sub3A_341 : vector<16xi32> -> vector<16xf32>
          %mul3A_343 = vector.broadcast %scan3A : f32 to vector<16xf32>
          %mul3A_344 = arith.mulf %mul3A_343, %convert_element_type3A_337 : vector<16xf32>
          %mul3A_345 = arith.mulf %mul3A_344, %bitcast_convert_type3A_342 : vector<16xf32>
          %mul3A_346 = arith.mulf %mul3A_345, %bitcast_convert_type3A_342 : vector<16xf32>
          %sub3A_347 = vector.broadcast %scan3A_18 : f32 to vector<16xf32>
          %sub3A_348 = arith.subf %sub3A_347, %mul3A_346 : vector<16xf32>
          %mul3A_349 = arith.mulf %bitcast_convert_type3A_342, %sub3A_348 : vector<16xf32>
          %mul3A_350 = vector.broadcast %scan3A : f32 to vector<16xf32>
          %mul3A_351 = arith.mulf %mul3A_350, %convert_element_type3A_337 : vector<16xf32>
          %mul3A_352 = arith.mulf %mul3A_351, %mul3A_349 : vector<16xf32>
          %mul3A_353 = arith.mulf %mul3A_352, %mul3A_349 : vector<16xf32>
          %sub3A_354 = vector.broadcast %scan3A_18 : f32 to vector<16xf32>
          %sub3A_355 = arith.subf %sub3A_354, %mul3A_353 : vector<16xf32>
          %mul3A_356 = arith.mulf %mul3A_349, %sub3A_355 : vector<16xf32>
          %mul3A_357 = arith.mulf %convert_element_type3A_337, %mul3A_356 : vector<16xf32>
          %sub3A_358 = arith.constant 1.000000e+00 : f32
          %sub3A_359 = vector.broadcast %sub3A_358 : f32 to vector<16xf32>
          %sub3A_360 = arith.subf %mul3A_357, %sub3A_359 : vector<16xf32>
          %mul3A_361 = vector.broadcast %scan3A : f32 to vector<16xf32>
          %mul3A_362 = arith.mulf %sub3A_360, %mul3A_361 : vector<16xf32>
          %convert_element_type3A_363 = arith.fptosi %mul3A_362 : vector<16xf32> to vector<16xi32>
          %add3A_364 = arith.constant 1 : i32
          %add3A_365 = vector.broadcast %add3A_364 : i32 to vector<16xi32>
          %add3A_366 = arith.addi %convert_element_type3A_363, %add3A_365 : vector<16xi32>
          %add3A_367 = arith.constant 2 : i32
          %add3A_368 = vector.broadcast %add3A_367 : i32 to vector<16xi32>
          %add3A_369 = arith.addi %convert_element_type3A_363, %add3A_368 : vector<16xi32>
          %mul3A_370 = arith.muli %add3A_366, %add3A_369 : vector<16xi32>
          %shift_right_arithmetic3A_371 = arith.constant 1 : i32
          %shift_right_arithmetic3A_372 = vector.broadcast %shift_right_arithmetic3A_371 : i32 to vector<16xi32>
          %shift_right_arithmetic3A_373 = arith.shrsi %mul3A_370, %shift_right_arithmetic3A_372 : vector<16xi32>
          %ge3A_374 = arith.cmpi sge, %select_n3A_330, %shift_right_arithmetic3A_373 : vector<16xi32>
          %select_n3A_375 = arith.select %ge3A_374, %add3A_366, %convert_element_type3A_363 : vector<16xi1>, vector<16xi32>
          %sub3A_376 = arith.subi %shift_right_arithmetic3A_373, %add3A_366 : vector<16xi32>
          %select_n3A_377 = arith.select %ge3A_374, %shift_right_arithmetic3A_373, %sub3A_376 : vector<16xi1>, vector<16xi32>
          %lt3A_378 = arith.cmpi slt, %select_n3A_330, %select_n3A_377 : vector<16xi32>
          %sub3A_379 = arith.constant 1 : i32
          %sub3A_380 = vector.broadcast %sub3A_379 : i32 to vector<16xi32>
          %sub3A_381 = arith.subi %select_n3A_375, %sub3A_380 : vector<16xi32>
          %select_n3A_382 = arith.select %lt3A_378, %sub3A_381, %select_n3A_375 : vector<16xi1>, vector<16xi32>
          %sub3A_383 = arith.subi %select_n3A_377, %select_n3A_375 : vector<16xi32>
          %select_n3A_384 = arith.select %lt3A_378, %sub3A_383, %select_n3A_377 : vector<16xi1>, vector<16xi32>
          %sub3A_385 = arith.subi %select_n3A_330, %select_n3A_384 : vector<16xi32>
          %sub3A_386 = arith.subi %sub3A_189, %sub3A_385 : vector<16xi32>
          %select_n3A_387 = arith.select %ge3A_326, %sub3A_386, %sub3A_385 : vector<16xi1>, vector<16xi32>
          %sub3A_388 = arith.subi %sub3A_189, %select_n3A_382 : vector<16xi32>
          %add3A_389 = arith.addi %sub3A_388, %sub3A_385 : vector<16xi32>
          %sub3A_390 = arith.subi %select_n3A_382, %sub3A_385 : vector<16xi32>
          %select_n3A_391 = arith.select %ge3A_326, %add3A_389, %sub3A_390 : vector<16xi1>, vector<16xi32>
          %select_n3A_392 = arith.select %ge3A_328, %gather3A_154, %select_n3A_387 : vector<16xi1>, vector<16xi32>
          %add3A_393 = arith.addi %select_n3A_392, %shift_left3A_203 : vector<16xi32>
          %mul3A_394 = arith.constant 16 : i32
          %mul3A_395 = arith.muli %scan3A_319, %mul3A_394 : i32
          %swap3A = arith.index_cast %mul3A_395 : i32 to index
          %swap3A_396 = tpu.vector_load %arg8[%swap3A] {strides = array<i32>} : memref<4096xi32, #tpu.memory_space<vmem>>, vector<16xi32>,
          tpu.vector_store %arg8[%swap3A], %add3A_393 {strides = array<i32>} : memref<4096xi32, #tpu.memory_space<vmem>>, vector<16xi32>,
          %select_n3A_397 = arith.select %ge3A_328, %gather3A_154, %select_n3A_391 : vector<16xi1>, vector<16xi32>
          %add3A_398 = arith.addi %select_n3A_397, %shift_left3A_203 : vector<16xi32>
          %mul3A_399 = arith.constant 16 : i32
          %mul3A_400 = arith.muli %scan3A_319, %mul3A_399 : i32
          %swap3A_401 = arith.index_cast %mul3A_400 : i32 to index
          %swap3A_402 = tpu.vector_load %arg9[%swap3A_401] {strides = array<i32>} : memref<4096xi32, #tpu.memory_space<vmem>>, vector<16xi32>,
          tpu.vector_store %arg9[%swap3A_401], %add3A_398 {strides = array<i32>} : memref<4096xi32, #tpu.memory_space<vmem>>, vector<16xi32>,
          %scan3A_403 = arith.constant 0 : i32
          %scan3A_404 = arith.constant 1 : i32
          %scan3A_405 = arith.addi %scan3A_319, %scan3A_404 : i32
          %mul3A_406 = arith.constant 16 : i32
          %mul3A_407 = arith.muli %scan3A_405, %mul3A_406 : i32
          %add3A_408 = arith.addi %mul3A_150, %mul3A_407 : i32
          %broadcast_in_dim3A_409 = vector.broadcast %add3A_408 : i32 to vector<16xi32>
          %add3A_410 = arith.addi %broadcast_in_dim3A_409, %iota3A : vector<16xi32>
          %ge3A_411 = arith.cmpi sge, %add3A_410, %shift_right_arithmetic3A_200 : vector<16xi32>
          %mul3A_412 = arith.muli %gather3A_154, %gather3A_154 : vector<16xi32>
          %ge3A_413 = arith.cmpi sge, %add3A_410, %mul3A_412 : vector<16xi32>
          %sub3A_414 = arith.subi %sub3A_193, %add3A_410 : vector<16xi32>
          %select_n3A_415 = arith.select %ge3A_411, %sub3A_414, %add3A_410 : vector<16xi1>, vector<16xi32>
          %shift_left3A_416 = arith.constant 3 : i32
          %shift_left3A_417 = vector.broadcast %shift_left3A_416 : i32 to vector<16xi32>
          %shift_left3A_418 = arith.shli %select_n3A_415, %shift_left3A_417 : vector<16xi32>
          %add3A_419 = arith.constant 1 : i32
          %add3A_420 = vector.broadcast %add3A_419 : i32 to vector<16xi32>
          %add3A_421 = arith.addi %shift_left3A_418, %add3A_420 : vector<16xi32>
          %convert_element_type3A_422 = arith.sitofp %add3A_421 : vector<16xi32> to vector<16xf32>
          %bitcast_convert_type3A_423 = tpu.bitcast %convert_element_type3A_422 : vector<16xf32> -> vector<16xi32>
          %shift_right_arithmetic3A_424 = arith.constant 1 : i32
          %shift_right_arithmetic3A_425 = vector.broadcast %shift_right_arithmetic3A_424 : i32 to vector<16xi32>
          %shift_right_arithmetic3A_426 = arith.shrsi %bitcast_convert_type3A_423, %shift_right_arithmetic3A_425 : vector<16xi32>
          %sub3A_427 = arith.subi %broadcast_in_dim3A_17, %shift_right_arithmetic3A_426 : vector<16xi32>
          %bitcast_convert_type3A_428 = tpu.bitcast %sub3A_427 : vector<16xi32> -> vector<16xf32>
          %mul3A_429 = vector.broadcast %scan3A : f32 to vector<16xf32>
          %mul3A_430 = arith.mulf %mul3A_429, %convert_element_type3A_422 : vector<16xf32>
          %mul3A_431 = arith.mulf %mul3A_430, %bitcast_convert_type3A_428 : vector<16xf32>
          %mul3A_432 = arith.mulf %mul3A_431, %bitcast_convert_type3A_428 : vector<16xf32>
          %sub3A_433 = vector.broadcast %scan3A_18 : f32 to vector<16xf32>
          %sub3A_434 = arith.subf %sub3A_433, %mul3A_432 : vector<16xf32>
          %mul3A_435 = arith.mulf %bitcast_convert_type3A_428, %sub3A_434 : vector<16xf32>
          %mul3A_436 = vector.broadcast %scan3A : f32 to vector<16xf32>
          %mul3A_437 = arith.mulf %mul3A_436, %convert_element_type3A_422 : vector<16xf32>
          %mul3A_438 = arith.mulf %mul3A_437, %mul3A_435 : vector<16xf32>
          %mul3A_439 = arith.mulf %mul3A_438, %mul3A_435 : vector<16xf32>
          %sub3A_440 = vector.broadcast %scan3A_18 : f32 to vector<16xf32>
          %sub3A_441 = arith.subf %sub3A_440, %mul3A_439 : vector<16xf32>
          %mul3A_442 = arith.mulf %mul3A_435, %sub3A_441 : vector<16xf32>
          %mul3A_443 = arith.mulf %convert_element_type3A_422, %mul3A_442 : vector<16xf32>
          %sub3A_444 = arith.constant 1.000000e+00 : f32
          %sub3A_445 = vector.broadcast %sub3A_444 : f32 to vector<16xf32>
          %sub3A_446 = arith.subf %mul3A_443, %sub3A_445 : vector<16xf32>
          %mul3A_447 = vector.broadcast %scan3A : f32 to vector<16xf32>
          %mul3A_448 = arith.mulf %sub3A_446, %mul3A_447 : vector<16xf32>
          %convert_element_type3A_449 = arith.fptosi %mul3A_448 : vector<16xf32> to vector<16xi32>
          %add3A_450 = arith.constant 1 : i32
          %add3A_451 = vector.broadcast %add3A_450 : i32 to vector<16xi32>
          %add3A_452 = arith.addi %convert_element_type3A_449, %add3A_451 : vector<16xi32>
          %add3A_453 = arith.constant 2 : i32
          %add3A_454 = vector.broadcast %add3A_453 : i32 to vector<16xi32>
          %add3A_455 = arith.addi %convert_element_type3A_449, %add3A_454 : vector<16xi32>
          %mul3A_456 = arith.muli %add3A_452, %add3A_455 : vector<16xi32>
          %shift_right_arithmetic3A_457 = arith.constant 1 : i32
          %shift_right_arithmetic3A_458 = vector.broadcast %shift_right_arithmetic3A_457 : i32 to vector<16xi32>
          %shift_right_arithmetic3A_459 = arith.shrsi %mul3A_456, %shift_right_arithmetic3A_458 : vector<16xi32>
          %ge3A_460 = arith.cmpi sge, %select_n3A_415, %shift_right_arithmetic3A_459 : vector<16xi32>
          %select_n3A_461 = arith.select %ge3A_460, %add3A_452, %convert_element_type3A_449 : vector<16xi1>, vector<16xi32>
          %sub3A_462 = arith.subi %shift_right_arithmetic3A_459, %add3A_452 : vector<16xi32>
          %select_n3A_463 = arith.select %ge3A_460, %shift_right_arithmetic3A_459, %sub3A_462 : vector<16xi1>, vector<16xi32>
          %lt3A_464 = arith.cmpi slt, %select_n3A_415, %select_n3A_463 : vector<16xi32>
          %sub3A_465 = arith.constant 1 : i32
          %sub3A_466 = vector.broadcast %sub3A_465 : i32 to vector<16xi32>
          %sub3A_467 = arith.subi %select_n3A_461, %sub3A_466 : vector<16xi32>
          %select_n3A_468 = arith.select %lt3A_464, %sub3A_467, %select_n3A_461 : vector<16xi1>, vector<16xi32>
          %sub3A_469 = arith.subi %select_n3A_463, %select_n3A_461 : vector<16xi32>
          %select_n3A_470 = arith.select %lt3A_464, %sub3A_469, %select_n3A_463 : vector<16xi1>, vector<16xi32>
          %sub3A_471 = arith.subi %select_n3A_415, %select_n3A_470 : vector<16xi32>
          %sub3A_472 = arith.subi %sub3A_189, %sub3A_471 : vector<16xi32>
          %select_n3A_473 = arith.select %ge3A_411, %sub3A_472, %sub3A_471 : vector<16xi1>, vector<16xi32>
          %sub3A_474 = arith.subi %sub3A_189, %select_n3A_468 : vector<16xi32>
          %add3A_475 = arith.addi %sub3A_474, %sub3A_471 : vector<16xi32>
          %sub3A_476 = arith.subi %select_n3A_468, %sub3A_471 : vector<16xi32>
          %select_n3A_477 = arith.select %ge3A_411, %add3A_475, %sub3A_476 : vector<16xi1>, vector<16xi32>
          %select_n3A_478 = arith.select %ge3A_413, %gather3A_154, %select_n3A_473 : vector<16xi1>, vector<16xi32>
          %add3A_479 = arith.addi %select_n3A_478, %shift_left3A_203 : vector<16xi32>
          %mul3A_480 = arith.constant 16 : i32
          %mul3A_481 = arith.muli %scan3A_405, %mul3A_480 : i32
          %swap3A_482 = arith.index_cast %mul3A_481 : i32 to index
          %swap3A_483 = tpu.vector_load %arg8[%swap3A_482] {strides = array<i32>} : memref<4096xi32, #tpu.memory_space<vmem>>, vector<16xi32>,
          tpu.vector_store %arg8[%swap3A_482], %add3A_479 {strides = array<i32>} : memref<4096xi32, #tpu.memory_space<vmem>>, vector<16xi32>,
          %select_n3A_484 = arith.select %ge3A_413, %gather3A_154, %select_n3A_477 : vector<16xi1>, vector<16xi32>
          %add3A_485 = arith.addi %select_n3A_484, %shift_left3A_203 : vector<16xi32>
          %mul3A_486 = arith.constant 16 : i32
          %mul3A_487 = arith.muli %scan3A_405, %mul3A_486 : i32
          %swap3A_488 = arith.index_cast %mul3A_487 : i32 to index
          %swap3A_489 = tpu.vector_load %arg9[%swap3A_488] {strides = array<i32>} : memref<4096xi32, #tpu.memory_space<vmem>>, vector<16xi32>,
          tpu.vector_store %arg9[%swap3A_488], %add3A_485 {strides = array<i32>} : memref<4096xi32, #tpu.memory_space<vmem>>, vector<16xi32>,
          %scan3A_490 = arith.constant 0 : i32
          scf.yield %scan3A_490 : i32
        }
        %scan3A_315 = arith.constant 256 : i32
        %dma_start3A = tpu.memref_slice %arg3[%add3A_213] : memref<4194304xi32, #tpu.memory_space<hbm>> -> memref<4096xi32, #tpu.memory_space<hbm>>
        %dma_start3A_316 = tpu.memref_slice %arg3[%add3A_213] : memref<4194304xi32, #tpu.memory_space<hbm>> -> memref<4096xi32, #tpu.memory_space<hbm>>
        tpu.enqueue_dma source(%arg8 : memref<4096xi32, #tpu.memory_space<vmem>>) target(%dma_start3A_316 : memref<4096xi32, #tpu.memory_space<hbm>>) target_semaphore(%arg18 : memref<!tpu.dma_semaphore, #tpu.memory_space<semaphore_mem>>)
        %dma_start3A_317 = tpu.memref_slice %arg4[%add3A_213] : memref<4194304xi32, #tpu.memory_space<hbm>> -> memref<4096xi32, #tpu.memory_space<hbm>>
        %dma_start3A_318 = tpu.memref_slice %arg4[%add3A_213] : memref<4194304xi32, #tpu.memory_space<hbm>> -> memref<4096xi32, #tpu.memory_space<hbm>>
        tpu.enqueue_dma source(%arg9 : memref<4096xi32, #tpu.memory_space<vmem>>) target(%dma_start3A_318 : memref<4096xi32, #tpu.memory_space<hbm>>) target_semaphore(%arg18 : memref<!tpu.dma_semaphore, #tpu.memory_space<semaphore_mem>>)
      } else {
      }
      %convert_element_type3A_220 = arith.extui %ge3A_175 : i1 to i32
      %cond3A_221 = arith.constant 0 : i32
      %cond3A_222 = arith.cmpi ne, %convert_element_type3A_220, %cond3A_221 : i32
      scf.if %cond3A_222 {
        %add3A_309 = arith.addi %gather3A_154, %shift_left3A_203 : vector<16xi32>
        %scan3A_310 = arith.constant 0 : i32
        %scan3A_311 = arith.constant 0 : i32
        %scan3A_312 = arith.constant 256 : i32
        %scan3A_313 = arith.addi %scan3A_311, %scan3A_312 : i32
        %scan3A_314 = arith.constant 2 : i32
        %scan3A_315 = scf.for %scan3A_320 = %scan3A_311 to %scan3A_313 step %scan3A_314 iter_args(%scan3A_321 = %scan3A_310) -> (i32)  : i32 {
          %mul3A_322 = arith.constant 16 : i32
          %mul3A_323 = arith.muli %scan3A_320, %mul3A_322 : i32
          %swap3A = arith.index_cast %mul3A_323 : i32 to index
          %swap3A_324 = tpu.vector_load %arg8[%swap3A] {strides = array<i32>} : memref<4096xi32, #tpu.memory_space<vmem>>, vector<16xi32>,
          tpu.vector_store %arg8[%swap3A], %add3A_309 {strides = array<i32>} : memref<4096xi32, #tpu.memory_space<vmem>>, vector<16xi32>,
          %scan3A_325 = arith.constant 0 : i32
          %scan3A_326 = arith.constant 1 : i32
          %scan3A_327 = arith.addi %scan3A_320, %scan3A_326 : i32
          %mul3A_328 = arith.constant 16 : i32
          %mul3A_329 = arith.muli %scan3A_327, %mul3A_328 : i32
          %swap3A_330 = arith.index_cast %mul3A_329 : i32 to index
          %swap3A_331 = tpu.vector_load %arg8[%swap3A_330] {strides = array<i32>} : memref<4096xi32, #tpu.memory_space<vmem>>, vector<16xi32>,
          tpu.vector_store %arg8[%swap3A_330], %add3A_309 {strides = array<i32>} : memref<4096xi32, #tpu.memory_space<vmem>>, vector<16xi32>,
          %scan3A_332 = arith.constant 0 : i32
          scf.yield %scan3A_332 : i32
        }
        %scan3A_316 = arith.constant 256 : i32
        %dma_start3A = tpu.memref_slice %arg3[%add3A_213] : memref<4194304xi32, #tpu.memory_space<hbm>> -> memref<4096xi32, #tpu.memory_space<hbm>>
        %dma_start3A_317 = tpu.memref_slice %arg3[%add3A_213] : memref<4194304xi32, #tpu.memory_space<hbm>> -> memref<4096xi32, #tpu.memory_space<hbm>>
        tpu.enqueue_dma source(%arg8 : memref<4096xi32, #tpu.memory_space<vmem>>) target(%dma_start3A_317 : memref<4096xi32, #tpu.memory_space<hbm>>) target_semaphore(%arg18 : memref<!tpu.dma_semaphore, #tpu.memory_space<semaphore_mem>>)
        %dma_start3A_318 = tpu.memref_slice %arg4[%add3A_213] : memref<4194304xi32, #tpu.memory_space<hbm>> -> memref<4096xi32, #tpu.memory_space<hbm>>
        %dma_start3A_319 = tpu.memref_slice %arg4[%add3A_213] : memref<4194304xi32, #tpu.memory_space<hbm>> -> memref<4096xi32, #tpu.memory_space<hbm>>
        tpu.enqueue_dma source(%arg8 : memref<4096xi32, #tpu.memory_space<vmem>>) target(%dma_start3A_319 : memref<4096xi32, #tpu.memory_space<hbm>>) target_semaphore(%arg18 : memref<!tpu.dma_semaphore, #tpu.memory_space<semaphore_mem>>)
      } else {
      }
      %gt3A_223 = arith.constant 0 : i32
      %gt3A_224 = arith.cmpi sgt, %scan3A_131, %gt3A_223 : i32
      %convert_element_type3A_225 = arith.extui %gt3A_224 : i1 to i32
      %cond3A_226 = arith.constant 0 : i32
      %cond3A_227 = arith.cmpi ne, %convert_element_type3A_225, %cond3A_226 : i32
      scf.if %cond3A_227 {
        %sub3A_309 = arith.constant 1 : i32
        %sub3A_310 = arith.subi %scan3A_131, %sub3A_309 : i32
        %shift_left3A_311 = arith.constant 6 : i32
        %shift_left3A_312 = arith.shli %sub3A_310, %shift_left3A_311 : i32
        %mul3A_313 = arith.constant 5 : i32
        %mul3A_314 = arith.muli %mul3A_313, %sub3A_310 : i32
        %add3A_315 = arith.addi %add3A, %mul3A_314 : i32
        %and3A_316 = arith.constant 31 : i32
        %and3A_317 = arith.andi %add3A_315, %and3A_316 : i32
        %or3A_318 = arith.ori %shift_left3A_312, %and3A_317 : i32
        %add3A_319 = arith.constant 32 : i32
        %add3A_320 = arith.addi %or3A_318, %add3A_319 : i32
        %shift_right_arithmetic3A_321 = arith.constant 6 : i32
        %shift_right_arithmetic3A_322 = arith.shrsi %add3A_320, %shift_right_arithmetic3A_321 : i32
        %and3A_323 = arith.constant 63 : i32
        %and3A_324 = arith.andi %add3A_320, %and3A_323 : i32
        %mul3A_325 = arith.constant 4096 : i32
        %mul3A_326 = arith.muli %and3A_324, %mul3A_325 : i32
        %broadcast_in_dim3A_327 = vector.broadcast %shift_right_arithmetic3A_322 : i32 to vector<16xi32>
        %broadcast_in_dim3A_328 = vector.shape_cast %broadcast_in_dim3A_327 : vector<16xi32> to vector<16x1xi32>
        %gather3A_329 = vector.shape_cast %broadcast_in_dim3A_328 : vector<16x1xi32> to vector<16xi32>
        %gather3A_330 = tpu.dynamic_gather %select_n3A[%gather3A_329] in [0] : vector<16xi32>, vector<16xi32> -> vector<16xi32>
        %mul3A_331 = arith.muli %gather3A_330, %gather3A_330 : vector<16xi32>
        %reduce_max3A_332 = arith.constant true
        %reduce_max3A_333 = vector.broadcast %reduce_max3A_332 : i1 to vector<16xi1>
        %reduce_max3A_334 = arith.constant -2147483648 : i32
        %reduce_max3A_335 = vector.broadcast %reduce_max3A_334 : i32 to vector<16xi32>
        %reduce_max3A_336 = arith.xori %mul3A_331, %reduce_max3A_335 : vector<16xi32>
        %reduce_max3A_337 = tpu.scan <max>, %reduce_max3A_336 masked %reduce_max3A_333 : vector<16xi32>, vector<16xi1> -> vector<16xi32>
        %reduce_max3A_338 = arith.xori %reduce_max3A_337, %reduce_max3A_335 : vector<16xi32>
        %reduce_max3A_339 = vector.extract %reduce_max3A_338[15] : i32 from vector<16xi32>
        %shift_right_arithmetic3A_340 = arith.constant 1 : i32
        %shift_right_arithmetic3A_341 = arith.shrsi %reduce_max3A_339, %shift_right_arithmetic3A_340 : i32
        %shift_right_arithmetic3A_342 = arith.constant 12 : i32
        %shift_right_arithmetic3A_343 = arith.shrsi %shift_right_arithmetic3A_341, %shift_right_arithmetic3A_342 : i32
        %shift_left3A_344 = arith.constant 12 : i32
        %shift_left3A_345 = arith.shli %shift_right_arithmetic3A_343, %shift_left3A_344 : i32
        %and3A_346 = arith.constant 7 : i32
        %and3A_347 = arith.andi %reduce_max3A_339, %and3A_346 : i32
        %add3A_348 = arith.constant 4096 : i32
        %add3A_349 = arith.addi %mul3A_326, %add3A_348 : i32
        %le3A_350 = arith.cmpi sle, %add3A_349, %shift_left3A_345 : i32
        %ge3A_351 = arith.cmpi sge, %mul3A_326, %reduce_max3A_339 : i32
        %not3A_352 = arith.constant true
        %not3A_353 = arith.xori %le3A_350, %not3A_352 : i1
        %sub3A_354 = arith.subi %reduce_max3A_339, %shift_left3A_345 : i32
        %sub3A_355 = arith.subi %sub3A_354, %and3A_347 : i32
        %ge3A_356 = arith.cmpi sge, %mul3A_326, %sub3A_355 : i32
        %add3A_357 = arith.constant 4096 : i32
        %add3A_358 = arith.addi %mul3A_326, %add3A_357 : i32
        %sub3A_359 = arith.subi %reduce_max3A_339, %and3A_347 : i32
        %le3A_360 = arith.cmpi sle, %add3A_358, %sub3A_359 : i32
        %and3A_361 = arith.andi %ge3A_356, %le3A_360 : i1
        %and3A_362 = arith.andi %not3A_353, %and3A_361 : i1
        %not3A_363 = arith.constant true
        %not3A_364 = arith.xori %and3A_362, %not3A_363 : i1
        %convert_element_type3A_365 = arith.extui %not3A_364 : i1 to i32
        %cond3A_366 = arith.constant 0 : i32
        %cond3A_367 = arith.cmpi ne, %convert_element_type3A_365, %cond3A_366 : i32
        scf.if %cond3A_367 {
          %dma_wait3A = arith.constant 0 : i32
          %dma_wait3A_371 = tpu.memref_slice %arg3[%dma_wait3A] : memref<4194304xi32, #tpu.memory_space<hbm>> -> memref<4096xi32, #tpu.memory_space<hbm>>
          %dma_wait3A_372 = arith.constant 0 : i32
          %dma_wait3A_373 = tpu.memref_slice %arg3[%dma_wait3A_372] : memref<4194304xi32, #tpu.memory_space<hbm>> -> memref<4096xi32, #tpu.memory_space<hbm>>
          tpu.wait_dma2 semaphore(%arg20 : memref<!tpu.dma_semaphore, #tpu.memory_space<semaphore_mem>>) src(%arg12 : memref<4096xi32, #tpu.memory_space<vmem>>) dst(%dma_wait3A_373 : memref<4096xi32, #tpu.memory_space<hbm>>)
          %dma_wait3A_374 = arith.constant 0 : i32
          %dma_wait3A_375 = tpu.memref_slice %arg4[%dma_wait3A_374] : memref<4194304xi32, #tpu.memory_space<hbm>> -> memref<4096xi32, #tpu.memory_space<hbm>>
          %dma_wait3A_376 = arith.constant 0 : i32
          %dma_wait3A_377 = tpu.memref_slice %arg4[%dma_wait3A_376] : memref<4194304xi32, #tpu.memory_space<hbm>> -> memref<4096xi32, #tpu.memory_space<hbm>>
          tpu.wait_dma2 semaphore(%arg20 : memref<!tpu.dma_semaphore, #tpu.memory_space<semaphore_mem>>) src(%arg13 : memref<4096xi32, #tpu.memory_space<vmem>>) dst(%dma_wait3A_377 : memref<4096xi32, #tpu.memory_space<hbm>>)
        } else {
        }
        %convert_element_type3A_368 = arith.extui %le3A_350 : i1 to i32
        %cond3A_369 = arith.constant 0 : i32
        %cond3A_370 = arith.cmpi ne, %convert_element_type3A_368, %cond3A_369 : i32
        scf.if %cond3A_370 {
          %dma_wait3A = arith.constant 0 : i32
          %dma_wait3A_371 = tpu.memref_slice %arg3[%dma_wait3A] : memref<4194304xi32, #tpu.memory_space<hbm>> -> memref<4096xi32, #tpu.memory_space<hbm>>
          %dma_wait3A_372 = arith.constant 0 : i32
          %dma_wait3A_373 = tpu.memref_slice %arg3[%dma_wait3A_372] : memref<4194304xi32, #tpu.memory_space<hbm>> -> memref<4096xi32, #tpu.memory_space<hbm>>
          tpu.wait_dma2 semaphore(%arg21 : memref<!tpu.dma_semaphore, #tpu.memory_space<semaphore_mem>>) src(%arg14 : memref<4096xi32, #tpu.memory_space<vmem>>) dst(%dma_wait3A_373 : memref<4096xi32, #tpu.memory_space<hbm>>)
          %dma_wait3A_374 = arith.constant 0 : i32
          %dma_wait3A_375 = tpu.memref_slice %arg4[%dma_wait3A_374] : memref<4194304xi32, #tpu.memory_space<hbm>> -> memref<4096xi32, #tpu.memory_space<hbm>>
          %dma_wait3A_376 = arith.constant 0 : i32
          %dma_wait3A_377 = tpu.memref_slice %arg4[%dma_wait3A_376] : memref<4194304xi32, #tpu.memory_space<hbm>> -> memref<4096xi32, #tpu.memory_space<hbm>>
          tpu.wait_dma2 semaphore(%arg21 : memref<!tpu.dma_semaphore, #tpu.memory_space<semaphore_mem>>) src(%arg15 : memref<4096xi32, #tpu.memory_space<vmem>>) dst(%dma_wait3A_377 : memref<4096xi32, #tpu.memory_space<hbm>>)
        } else {
        }
      } else {
      }
      %add3A_228 = arith.constant 32 : i32
      %add3A_229 = arith.addi %or3A_140, %add3A_228 : i32
      %shift_right_arithmetic3A_230 = arith.constant 6 : i32
      %shift_right_arithmetic3A_231 = arith.shrsi %add3A_229, %shift_right_arithmetic3A_230 : i32
      %and3A_232 = arith.constant 63 : i32
      %and3A_233 = arith.andi %add3A_229, %and3A_232 : i32
      %mul3A_234 = arith.constant 4096 : i32
      %mul3A_235 = arith.muli %and3A_233, %mul3A_234 : i32
      %broadcast_in_dim3A_236 = vector.broadcast %shift_right_arithmetic3A_231 : i32 to vector<16xi32>
      %broadcast_in_dim3A_237 = vector.shape_cast %broadcast_in_dim3A_236 : vector<16xi32> to vector<16x1xi32>
      %gather3A_238 = vector.shape_cast %broadcast_in_dim3A_237 : vector<16x1xi32> to vector<16xi32>
      %gather3A_239 = tpu.dynamic_gather %select_n3A[%gather3A_238] in [0] : vector<16xi32>, vector<16xi32> -> vector<16xi32>
      %mul3A_240 = arith.muli %gather3A_239, %gather3A_239 : vector<16xi32>
      %reduce_max3A_241 = arith.constant true
      %reduce_max3A_242 = vector.broadcast %reduce_max3A_241 : i1 to vector<16xi1>
      %reduce_max3A_243 = arith.constant -2147483648 : i32
      %reduce_max3A_244 = vector.broadcast %reduce_max3A_243 : i32 to vector<16xi32>
      %reduce_max3A_245 = arith.xori %mul3A_240, %reduce_max3A_244 : vector<16xi32>
      %reduce_max3A_246 = tpu.scan <max>, %reduce_max3A_245 masked %reduce_max3A_242 : vector<16xi32>, vector<16xi1> -> vector<16xi32>
      %reduce_max3A_247 = arith.xori %reduce_max3A_246, %reduce_max3A_244 : vector<16xi32>
      %reduce_max3A_248 = vector.extract %reduce_max3A_247[15] : i32 from vector<16xi32>
      %shift_right_arithmetic3A_249 = arith.constant 1 : i32
      %shift_right_arithmetic3A_250 = arith.shrsi %reduce_max3A_248, %shift_right_arithmetic3A_249 : i32
      %shift_right_arithmetic3A_251 = arith.constant 12 : i32
      %shift_right_arithmetic3A_252 = arith.shrsi %shift_right_arithmetic3A_250, %shift_right_arithmetic3A_251 : i32
      %shift_left3A_253 = arith.constant 12 : i32
      %shift_left3A_254 = arith.shli %shift_right_arithmetic3A_252, %shift_left3A_253 : i32
      %and3A_255 = arith.constant 7 : i32
      %and3A_256 = arith.andi %reduce_max3A_248, %and3A_255 : i32
      %add3A_257 = arith.constant 4096 : i32
      %add3A_258 = arith.addi %mul3A_235, %add3A_257 : i32
      %le3A_259 = arith.cmpi sle, %add3A_258, %shift_left3A_254 : i32
      %ge3A_260 = arith.cmpi sge, %mul3A_235, %reduce_max3A_248 : i32
      %not3A_261 = arith.constant true
      %not3A_262 = arith.xori %le3A_259, %not3A_261 : i1
      %sub3A_263 = arith.subi %reduce_max3A_248, %shift_left3A_254 : i32
      %sub3A_264 = arith.subi %sub3A_263, %and3A_256 : i32
      %ge3A_265 = arith.cmpi sge, %mul3A_235, %sub3A_264 : i32
      %add3A_266 = arith.constant 4096 : i32
      %add3A_267 = arith.addi %mul3A_235, %add3A_266 : i32
      %sub3A_268 = arith.subi %reduce_max3A_248, %and3A_256 : i32
      %le3A_269 = arith.cmpi sle, %add3A_267, %sub3A_268 : i32
      %and3A_270 = arith.andi %ge3A_265, %le3A_269 : i1
      %and3A_271 = arith.andi %not3A_262, %and3A_270 : i1
      %sub3A_272 = arith.constant 1 : i32
      %sub3A_273 = vector.broadcast %sub3A_272 : i32 to vector<16xi32>
      %sub3A_274 = arith.subi %gather3A_239, %sub3A_273 : vector<16xi32>
      %mul3A_275 = arith.muli %gather3A_239, %gather3A_239 : vector<16xi32>
      %sub3A_276 = arith.constant 1 : i32
      %sub3A_277 = vector.broadcast %sub3A_276 : i32 to vector<16xi32>
      %sub3A_278 = arith.subi %mul3A_275, %sub3A_277 : vector<16xi32>
      %mul3A_279 = arith.muli %gather3A_239, %gather3A_239 : vector<16xi32>
      %add3A_280 = arith.constant 1 : i32
      %add3A_281 = vector.broadcast %add3A_280 : i32 to vector<16xi32>
      %add3A_282 = arith.addi %mul3A_279, %add3A_281 : vector<16xi32>
      %shift_right_arithmetic3A_283 = arith.constant 1 : i32
      %shift_right_arithmetic3A_284 = vector.broadcast %shift_right_arithmetic3A_283 : i32 to vector<16xi32>
      %shift_right_arithmetic3A_285 = arith.shrsi %add3A_282, %shift_right_arithmetic3A_284 : vector<16xi32>
      %shift_left3A_286 = arith.constant 9 : i32
      %shift_left3A_287 = vector.broadcast %shift_left3A_286 : i32 to vector<16xi32>
      %shift_left3A_288 = arith.shli %broadcast_in_dim3A_236, %shift_left3A_287 : vector<16xi32>
      %add3A_289 = arith.addi %sub3A_274, %shift_left3A_288 : vector<16xi32>
      %or3A_290 = arith.ori %and3A_271, %ge3A_260 : i1
      %or3A_291 = arith.ori %le3A_259, %or3A_290 : i1
      %not3A_292 = arith.constant true
      %not3A_293 = arith.xori %or3A_291, %not3A_292 : i1
      %shift_right_arithmetic3A_294 = arith.constant 6 : i32
      %shift_right_arithmetic3A_295 = arith.shrsi %add3A_229, %shift_right_arithmetic3A_294 : i32
      %mul3A_296 = arith.constant 262144 : i32
      %mul3A_297 = arith.muli %shift_right_arithmetic3A_295, %mul3A_296 : i32
      %add3A_298 = arith.addi %mul3A_297, %mul3A_235 : i32
      %convert_element_type3A_299 = arith.extui %le3A_259 : i1 to i32
      %cond3A_300 = arith.constant 0 : i32
      %cond3A_301 = arith.cmpi ne, %convert_element_type3A_299, %cond3A_300 : i32
      scf.if %cond3A_301 {
        %sub3A_309 = arith.constant 1 : i32
        %sub3A_310 = arith.subi %and3A_256, %sub3A_309 : i32
        %sub3A_311 = vector.broadcast %sub3A_310 : i32 to vector<16xi32>
        %sub3A_312 = arith.subi %sub3A_311, %iota3A : vector<16xi32>
        %and3A_313 = arith.constant 15 : i32
        %and3A_314 = vector.broadcast %and3A_313 : i32 to vector<16xi32>
        %and3A_315 = arith.andi %sub3A_312, %and3A_314 : vector<16xi32>
        %lt3A_316 = vector.broadcast %and3A_256 : i32 to vector<16xi32>
        %lt3A_317 = arith.cmpi slt, %iota3A, %lt3A_316 : vector<16xi32>
        %add3A_318 = arith.constant 0 : i32
        %add3A_319 = arith.addi %mul3A_235, %add3A_318 : i32
        %broadcast_in_dim3A_320 = vector.broadcast %add3A_319 : i32 to vector<16xi32>
        %add3A_321 = arith.addi %broadcast_in_dim3A_320, %iota3A : vector<16xi32>
        %shift_left3A_322 = arith.constant 3 : i32
        %shift_left3A_323 = vector.broadcast %shift_left3A_322 : i32 to vector<16xi32>
        %shift_left3A_324 = arith.shli %add3A_321, %shift_left3A_323 : vector<16xi32>
        %add3A_325 = arith.constant 1 : i32
        %add3A_326 = vector.broadcast %add3A_325 : i32 to vector<16xi32>
        %add3A_327 = arith.addi %shift_left3A_324, %add3A_326 : vector<16xi32>
        %convert_element_type3A_328 = arith.sitofp %add3A_327 : vector<16xi32> to vector<16xf32>
        %bitcast_convert_type3A = tpu.bitcast %convert_element_type3A_328 : vector<16xf32> -> vector<16xi32>
        %shift_right_arithmetic3A_329 = arith.constant 1 : i32
        %shift_right_arithmetic3A_330 = vector.broadcast %shift_right_arithmetic3A_329 : i32 to vector<16xi32>
        %shift_right_arithmetic3A_331 = arith.shrsi %bitcast_convert_type3A, %shift_right_arithmetic3A_330 : vector<16xi32>
        %sub3A_332 = arith.subi %broadcast_in_dim3A_17, %shift_right_arithmetic3A_331 : vector<16xi32>
        %bitcast_convert_type3A_333 = tpu.bitcast %sub3A_332 : vector<16xi32> -> vector<16xf32>
        %mul3A_334 = vector.broadcast %scan3A : f32 to vector<16xf32>
        %mul3A_335 = arith.mulf %mul3A_334, %convert_element_type3A_328 : vector<16xf32>
        %mul3A_336 = arith.mulf %mul3A_335, %bitcast_convert_type3A_333 : vector<16xf32>
        %mul3A_337 = arith.mulf %mul3A_336, %bitcast_convert_type3A_333 : vector<16xf32>
        %sub3A_338 = vector.broadcast %scan3A_18 : f32 to vector<16xf32>
        %sub3A_339 = arith.subf %sub3A_338, %mul3A_337 : vector<16xf32>
        %mul3A_340 = arith.mulf %bitcast_convert_type3A_333, %sub3A_339 : vector<16xf32>
        %mul3A_341 = vector.broadcast %scan3A : f32 to vector<16xf32>
        %mul3A_342 = arith.mulf %mul3A_341, %convert_element_type3A_328 : vector<16xf32>
        %mul3A_343 = arith.mulf %mul3A_342, %mul3A_340 : vector<16xf32>
        %mul3A_344 = arith.mulf %mul3A_343, %mul3A_340 : vector<16xf32>
        %sub3A_345 = vector.broadcast %scan3A_18 : f32 to vector<16xf32>
        %sub3A_346 = arith.subf %sub3A_345, %mul3A_344 : vector<16xf32>
        %mul3A_347 = arith.mulf %mul3A_340, %sub3A_346 : vector<16xf32>
        %mul3A_348 = arith.mulf %convert_element_type3A_328, %mul3A_347 : vector<16xf32>
        %sub3A_349 = arith.constant 1.000000e+00 : f32
        %sub3A_350 = vector.broadcast %sub3A_349 : f32 to vector<16xf32>
        %sub3A_351 = arith.subf %mul3A_348, %sub3A_350 : vector<16xf32>
        %mul3A_352 = vector.broadcast %scan3A : f32 to vector<16xf32>
        %mul3A_353 = arith.mulf %sub3A_351, %mul3A_352 : vector<16xf32>
        %convert_element_type3A_354 = arith.fptosi %mul3A_353 : vector<16xf32> to vector<16xi32>
        %add3A_355 = arith.constant 1 : i32
        %add3A_356 = vector.broadcast %add3A_355 : i32 to vector<16xi32>
        %add3A_357 = arith.addi %convert_element_type3A_354, %add3A_356 : vector<16xi32>
        %add3A_358 = arith.constant 2 : i32
        %add3A_359 = vector.broadcast %add3A_358 : i32 to vector<16xi32>
        %add3A_360 = arith.addi %convert_element_type3A_354, %add3A_359 : vector<16xi32>
        %mul3A_361 = arith.muli %add3A_357, %add3A_360 : vector<16xi32>
        %shift_right_arithmetic3A_362 = arith.constant 1 : i32
        %shift_right_arithmetic3A_363 = vector.broadcast %shift_right_arithmetic3A_362 : i32 to vector<16xi32>
        %shift_right_arithmetic3A_364 = arith.shrsi %mul3A_361, %shift_right_arithmetic3A_363 : vector<16xi32>
        %ge3A_365 = arith.cmpi sge, %add3A_321, %shift_right_arithmetic3A_364 : vector<16xi32>
        %select_n3A_366 = arith.select %ge3A_365, %add3A_357, %convert_element_type3A_354 : vector<16xi1>, vector<16xi32>
        %sub3A_367 = arith.subi %shift_right_arithmetic3A_364, %add3A_357 : vector<16xi32>
        %select_n3A_368 = arith.select %ge3A_365, %shift_right_arithmetic3A_364, %sub3A_367 : vector<16xi1>, vector<16xi32>
        %lt3A_369 = arith.cmpi slt, %add3A_321, %select_n3A_368 : vector<16xi32>
        %sub3A_370 = arith.constant 1 : i32
        %sub3A_371 = vector.broadcast %sub3A_370 : i32 to vector<16xi32>
        %sub3A_372 = arith.subi %select_n3A_366, %sub3A_371 : vector<16xi32>
        %select_n3A_373 = arith.select %lt3A_369, %sub3A_372, %select_n3A_366 : vector<16xi1>, vector<16xi32>
        %sub3A_374 = arith.subi %select_n3A_368, %select_n3A_366 : vector<16xi32>
        %select_n3A_375 = arith.select %lt3A_369, %sub3A_374, %select_n3A_368 : vector<16xi1>, vector<16xi32>
        %sub3A_376 = arith.subi %add3A_321, %select_n3A_375 : vector<16xi32>
        %sub3A_377 = arith.subi %select_n3A_373, %sub3A_376 : vector<16xi32>
        %add3A_378 = arith.addi %sub3A_376, %shift_left3A_288 : vector<16xi32>
        %swap3A = arith.constant 0 : index
        %swap3A_379 = tpu.vector_load %arg12[%swap3A] {strides = array<i32>} : memref<4096xi32, #tpu.memory_space<vmem>>, vector<16xi32>,
        tpu.vector_store %arg12[%swap3A], %add3A_378 {strides = array<i32>} : memref<4096xi32, #tpu.memory_space<vmem>>, vector<16xi32>,
        %add3A_380 = arith.addi %sub3A_377, %shift_left3A_288 : vector<16xi32>
        %swap3A_381 = arith.constant 0 : index
        %swap3A_382 = tpu.vector_load %arg13[%swap3A_381] {strides = array<i32>} : memref<4096xi32, #tpu.memory_space<vmem>>, vector<16xi32>,
        tpu.vector_store %arg13[%swap3A_381], %add3A_380 {strides = array<i32>} : memref<4096xi32, #tpu.memory_space<vmem>>, vector<16xi32>,
        %sub3A_383 = arith.subi %add3A_289, %sub3A_376 : vector<16xi32>
        %sub3A_384 = arith.subi %add3A_289, %sub3A_377 : vector<16xi32>
        %scan3A_385 = arith.constant 1 : i32
        %scan3A_386 = arith.constant 254 : i32
        %scan3A_387 = arith.addi %scan3A_385, %scan3A_386 : i32
        %scan3A_388 = arith.constant 2 : i32
        %scan3A_389:2 = scf.for %scan3A_597 = %scan3A_385 to %scan3A_387 step %scan3A_388 iter_args(%scan3A_598 = %sub3A_383, %scan3A_599 = %sub3A_384) -> (vector<16xi32>, vector<16xi32>)  : i32 {
          %mul3A_600 = arith.constant 16 : i32
          %mul3A_601 = arith.muli %scan3A_597, %mul3A_600 : i32
          %add3A_602 = arith.addi %mul3A_235, %mul3A_601 : i32
          %broadcast_in_dim3A_603 = vector.broadcast %add3A_602 : i32 to vector<16xi32>
          %add3A_604 = arith.addi %broadcast_in_dim3A_603, %iota3A : vector<16xi32>
          %shift_left3A_605 = arith.constant 3 : i32
          %shift_left3A_606 = vector.broadcast %shift_left3A_605 : i32 to vector<16xi32>
          %shift_left3A_607 = arith.shli %add3A_604, %shift_left3A_606 : vector<16xi32>
          %add3A_608 = arith.constant 1 : i32
          %add3A_609 = vector.broadcast %add3A_608 : i32 to vector<16xi32>
          %add3A_610 = arith.addi %shift_left3A_607, %add3A_609 : vector<16xi32>
          %convert_element_type3A_611 = arith.sitofp %add3A_610 : vector<16xi32> to vector<16xf32>
          %bitcast_convert_type3A_612 = tpu.bitcast %convert_element_type3A_611 : vector<16xf32> -> vector<16xi32>
          %shift_right_arithmetic3A_613 = arith.constant 1 : i32
          %shift_right_arithmetic3A_614 = vector.broadcast %shift_right_arithmetic3A_613 : i32 to vector<16xi32>
          %shift_right_arithmetic3A_615 = arith.shrsi %bitcast_convert_type3A_612, %shift_right_arithmetic3A_614 : vector<16xi32>
          %sub3A_616 = arith.subi %broadcast_in_dim3A_17, %shift_right_arithmetic3A_615 : vector<16xi32>
          %bitcast_convert_type3A_617 = tpu.bitcast %sub3A_616 : vector<16xi32> -> vector<16xf32>
          %mul3A_618 = vector.broadcast %scan3A : f32 to vector<16xf32>
          %mul3A_619 = arith.mulf %mul3A_618, %convert_element_type3A_611 : vector<16xf32>
          %mul3A_620 = arith.mulf %mul3A_619, %bitcast_convert_type3A_617 : vector<16xf32>
          %mul3A_621 = arith.mulf %mul3A_620, %bitcast_convert_type3A_617 : vector<16xf32>
          %sub3A_622 = vector.broadcast %scan3A_18 : f32 to vector<16xf32>
          %sub3A_623 = arith.subf %sub3A_622, %mul3A_621 : vector<16xf32>
          %mul3A_624 = arith.mulf %bitcast_convert_type3A_617, %sub3A_623 : vector<16xf32>
          %mul3A_625 = vector.broadcast %scan3A : f32 to vector<16xf32>
          %mul3A_626 = arith.mulf %mul3A_625, %convert_element_type3A_611 : vector<16xf32>
          %mul3A_627 = arith.mulf %mul3A_626, %mul3A_624 : vector<16xf32>
          %mul3A_628 = arith.mulf %mul3A_627, %mul3A_624 : vector<16xf32>
          %sub3A_629 = vector.broadcast %scan3A_18 : f32 to vector<16xf32>
          %sub3A_630 = arith.subf %sub3A_629, %mul3A_628 : vector<16xf32>
          %mul3A_631 = arith.mulf %mul3A_624, %sub3A_630 : vector<16xf32>
          %mul3A_632 = arith.mulf %convert_element_type3A_611, %mul3A_631 : vector<16xf32>
          %sub3A_633 = arith.constant 1.000000e+00 : f32
          %sub3A_634 = vector.broadcast %sub3A_633 : f32 to vector<16xf32>
          %sub3A_635 = arith.subf %mul3A_632, %sub3A_634 : vector<16xf32>
          %mul3A_636 = vector.broadcast %scan3A : f32 to vector<16xf32>
          %mul3A_637 = arith.mulf %sub3A_635, %mul3A_636 : vector<16xf32>
          %convert_element_type3A_638 = arith.fptosi %mul3A_637 : vector<16xf32> to vector<16xi32>
          %add3A_639 = arith.constant 1 : i32
          %add3A_640 = vector.broadcast %add3A_639 : i32 to vector<16xi32>
          %add3A_641 = arith.addi %convert_element_type3A_638, %add3A_640 : vector<16xi32>
          %add3A_642 = arith.constant 2 : i32
          %add3A_643 = vector.broadcast %add3A_642 : i32 to vector<16xi32>
          %add3A_644 = arith.addi %convert_element_type3A_638, %add3A_643 : vector<16xi32>
          %mul3A_645 = arith.muli %add3A_641, %add3A_644 : vector<16xi32>
          %shift_right_arithmetic3A_646 = arith.constant 1 : i32
          %shift_right_arithmetic3A_647 = vector.broadcast %shift_right_arithmetic3A_646 : i32 to vector<16xi32>
          %shift_right_arithmetic3A_648 = arith.shrsi %mul3A_645, %shift_right_arithmetic3A_647 : vector<16xi32>
          %ge3A_649 = arith.cmpi sge, %add3A_604, %shift_right_arithmetic3A_648 : vector<16xi32>
          %select_n3A_650 = arith.select %ge3A_649, %add3A_641, %convert_element_type3A_638 : vector<16xi1>, vector<16xi32>
          %sub3A_651 = arith.subi %shift_right_arithmetic3A_648, %add3A_641 : vector<16xi32>
          %select_n3A_652 = arith.select %ge3A_649, %shift_right_arithmetic3A_648, %sub3A_651 : vector<16xi1>, vector<16xi32>
          %lt3A_653 = arith.cmpi slt, %add3A_604, %select_n3A_652 : vector<16xi32>
          %sub3A_654 = arith.constant 1 : i32
          %sub3A_655 = vector.broadcast %sub3A_654 : i32 to vector<16xi32>
          %sub3A_656 = arith.subi %select_n3A_650, %sub3A_655 : vector<16xi32>
          %select_n3A_657 = arith.select %lt3A_653, %sub3A_656, %select_n3A_650 : vector<16xi1>, vector<16xi32>
          %sub3A_658 = arith.subi %select_n3A_652, %select_n3A_650 : vector<16xi32>
          %select_n3A_659 = arith.select %lt3A_653, %sub3A_658, %select_n3A_652 : vector<16xi1>, vector<16xi32>
          %sub3A_660 = arith.subi %add3A_604, %select_n3A_659 : vector<16xi32>
          %sub3A_661 = arith.subi %select_n3A_657, %sub3A_660 : vector<16xi32>
          %add3A_662 = arith.addi %sub3A_660, %shift_left3A_288 : vector<16xi32>
          %mul3A_663 = arith.constant 16 : i32
          %mul3A_664 = arith.muli %scan3A_597, %mul3A_663 : i32
          %swap3A_665 = arith.index_cast %mul3A_664 : i32 to index
          %swap3A_666 = tpu.vector_load %arg12[%swap3A_665] {strides = array<i32>} : memref<4096xi32, #tpu.memory_space<vmem>>, vector<16xi32>,
          tpu.vector_store %arg12[%swap3A_665], %add3A_662 {strides = array<i32>} : memref<4096xi32, #tpu.memory_space<vmem>>, vector<16xi32>,
          %add3A_667 = arith.addi %sub3A_661, %shift_left3A_288 : vector<16xi32>
          %mul3A_668 = arith.constant 16 : i32
          %mul3A_669 = arith.muli %scan3A_597, %mul3A_668 : i32
          %swap3A_670 = arith.index_cast %mul3A_669 : i32 to index
          %swap3A_671 = tpu.vector_load %arg13[%swap3A_670] {strides = array<i32>} : memref<4096xi32, #tpu.memory_space<vmem>>, vector<16xi32>,
          tpu.vector_store %arg13[%swap3A_670], %add3A_667 {strides = array<i32>} : memref<4096xi32, #tpu.memory_space<vmem>>, vector<16xi32>,
          %sub3A_672 = arith.subi %add3A_289, %sub3A_660 : vector<16xi32>
          %sub3A_673 = arith.subi %add3A_289, %sub3A_661 : vector<16xi32>
          %sub3A_674 = arith.constant 256 : i32
          %sub3A_675 = arith.subi %sub3A_674, %scan3A_597 : i32
          %mul3A_676 = arith.constant 16 : i32
          %mul3A_677 = arith.muli %sub3A_675, %mul3A_676 : i32
          %broadcast_in_dim3A_678 = vector.shape_cast %and3A_315 : vector<16xi32> to vector<16x1xi32>
          %gather3A_679 = vector.shape_cast %broadcast_in_dim3A_678 : vector<16x1xi32> to vector<16xi32>
          %gather3A_680 = tpu.dynamic_gather %sub3A_672[%gather3A_679] in [0] : vector<16xi32>, vector<16xi32> -> vector<16xi32>
          %broadcast_in_dim3A_681 = vector.shape_cast %and3A_315 : vector<16xi32> to vector<16x1xi32>
          %gather3A_682 = vector.shape_cast %broadcast_in_dim3A_681 : vector<16x1xi32> to vector<16xi32>
          %gather3A_683 = tpu.dynamic_gather %scan3A_598[%gather3A_682] in [0] : vector<16xi32>, vector<16xi32> -> vector<16xi32>
          %select_n3A_684 = arith.select %lt3A_317, %gather3A_680, %gather3A_683 : vector<16xi1>, vector<16xi32>
          %swap3A_685 = arith.index_cast %mul3A_677 : i32 to index
          %swap3A_686 = tpu.vector_load %arg14[%swap3A_685] {strides = array<i32>} : memref<4096xi32, #tpu.memory_space<vmem>>, vector<16xi32>,
          tpu.vector_store %arg14[%swap3A_685], %select_n3A_684 {strides = array<i32>} : memref<4096xi32, #tpu.memory_space<vmem>>, vector<16xi32>,
          %broadcast_in_dim3A_687 = vector.shape_cast %and3A_315 : vector<16xi32> to vector<16x1xi32>
          %gather3A_688 = vector.shape_cast %broadcast_in_dim3A_687 : vector<16x1xi32> to vector<16xi32>
          %gather3A_689 = tpu.dynamic_gather %sub3A_673[%gather3A_688] in [0] : vector<16xi32>, vector<16xi32> -> vector<16xi32>
          %broadcast_in_dim3A_690 = vector.shape_cast %and3A_315 : vector<16xi32> to vector<16x1xi32>
          %gather3A_691 = vector.shape_cast %broadcast_in_dim3A_690 : vector<16x1xi32> to vector<16xi32>
          %gather3A_692 = tpu.dynamic_gather %scan3A_599[%gather3A_691] in [0] : vector<16xi32>, vector<16xi32> -> vector<16xi32>
          %select_n3A_693 = arith.select %lt3A_317, %gather3A_689, %gather3A_692 : vector<16xi1>, vector<16xi32>
          %swap3A_694 = arith.index_cast %mul3A_677 : i32 to index
          %swap3A_695 = tpu.vector_load %arg15[%swap3A_694] {strides = array<i32>} : memref<4096xi32, #tpu.memory_space<vmem>>, vector<16xi32>,
          tpu.vector_store %arg15[%swap3A_694], %select_n3A_693 {strides = array<i32>} : memref<4096xi32, #tpu.memory_space<vmem>>, vector<16xi32>,
          %scan3A_696 = arith.constant 1 : i32
          %scan3A_697 = arith.addi %scan3A_597, %scan3A_696 : i32
          %mul3A_698 = arith.constant 16 : i32
          %mul3A_699 = arith.muli %scan3A_697, %mul3A_698 : i32
          %add3A_700 = arith.addi %mul3A_235, %mul3A_699 : i32
          %broadcast_in_dim3A_701 = vector.broadcast %add3A_700 : i32 to vector<16xi32>
          %add3A_702 = arith.addi %broadcast_in_dim3A_701, %iota3A : vector<16xi32>
          %shift_left3A_703 = arith.constant 3 : i32
          %shift_left3A_704 = vector.broadcast %shift_left3A_703 : i32 to vector<16xi32>
          %shift_left3A_705 = arith.shli %add3A_702, %shift_left3A_704 : vector<16xi32>
          %add3A_706 = arith.constant 1 : i32
          %add3A_707 = vector.broadcast %add3A_706 : i32 to vector<16xi32>
          %add3A_708 = arith.addi %shift_left3A_705, %add3A_707 : vector<16xi32>
          %convert_element_type3A_709 = arith.sitofp %add3A_708 : vector<16xi32> to vector<16xf32>
          %bitcast_convert_type3A_710 = tpu.bitcast %convert_element_type3A_709 : vector<16xf32> -> vector<16xi32>
          %shift_right_arithmetic3A_711 = arith.constant 1 : i32
          %shift_right_arithmetic3A_712 = vector.broadcast %shift_right_arithmetic3A_711 : i32 to vector<16xi32>
          %shift_right_arithmetic3A_713 = arith.shrsi %bitcast_convert_type3A_710, %shift_right_arithmetic3A_712 : vector<16xi32>
          %sub3A_714 = arith.subi %broadcast_in_dim3A_17, %shift_right_arithmetic3A_713 : vector<16xi32>
          %bitcast_convert_type3A_715 = tpu.bitcast %sub3A_714 : vector<16xi32> -> vector<16xf32>
          %mul3A_716 = vector.broadcast %scan3A : f32 to vector<16xf32>
          %mul3A_717 = arith.mulf %mul3A_716, %convert_element_type3A_709 : vector<16xf32>
          %mul3A_718 = arith.mulf %mul3A_717, %bitcast_convert_type3A_715 : vector<16xf32>
          %mul3A_719 = arith.mulf %mul3A_718, %bitcast_convert_type3A_715 : vector<16xf32>
          %sub3A_720 = vector.broadcast %scan3A_18 : f32 to vector<16xf32>
          %sub3A_721 = arith.subf %sub3A_720, %mul3A_719 : vector<16xf32>
          %mul3A_722 = arith.mulf %bitcast_convert_type3A_715, %sub3A_721 : vector<16xf32>
          %mul3A_723 = vector.broadcast %scan3A : f32 to vector<16xf32>
          %mul3A_724 = arith.mulf %mul3A_723, %convert_element_type3A_709 : vector<16xf32>
          %mul3A_725 = arith.mulf %mul3A_724, %mul3A_722 : vector<16xf32>
          %mul3A_726 = arith.mulf %mul3A_725, %mul3A_722 : vector<16xf32>
          %sub3A_727 = vector.broadcast %scan3A_18 : f32 to vector<16xf32>
          %sub3A_728 = arith.subf %sub3A_727, %mul3A_726 : vector<16xf32>
          %mul3A_729 = arith.mulf %mul3A_722, %sub3A_728 : vector<16xf32>
          %mul3A_730 = arith.mulf %convert_element_type3A_709, %mul3A_729 : vector<16xf32>
          %sub3A_731 = arith.constant 1.000000e+00 : f32
          %sub3A_732 = vector.broadcast %sub3A_731 : f32 to vector<16xf32>
          %sub3A_733 = arith.subf %mul3A_730, %sub3A_732 : vector<16xf32>
          %mul3A_734 = vector.broadcast %scan3A : f32 to vector<16xf32>
          %mul3A_735 = arith.mulf %sub3A_733, %mul3A_734 : vector<16xf32>
          %convert_element_type3A_736 = arith.fptosi %mul3A_735 : vector<16xf32> to vector<16xi32>
          %add3A_737 = arith.constant 1 : i32
          %add3A_738 = vector.broadcast %add3A_737 : i32 to vector<16xi32>
          %add3A_739 = arith.addi %convert_element_type3A_736, %add3A_738 : vector<16xi32>
          %add3A_740 = arith.constant 2 : i32
          %add3A_741 = vector.broadcast %add3A_740 : i32 to vector<16xi32>
          %add3A_742 = arith.addi %convert_element_type3A_736, %add3A_741 : vector<16xi32>
          %mul3A_743 = arith.muli %add3A_739, %add3A_742 : vector<16xi32>
          %shift_right_arithmetic3A_744 = arith.constant 1 : i32
          %shift_right_arithmetic3A_745 = vector.broadcast %shift_right_arithmetic3A_744 : i32 to vector<16xi32>
          %shift_right_arithmetic3A_746 = arith.shrsi %mul3A_743, %shift_right_arithmetic3A_745 : vector<16xi32>
          %ge3A_747 = arith.cmpi sge, %add3A_702, %shift_right_arithmetic3A_746 : vector<16xi32>
          %select_n3A_748 = arith.select %ge3A_747, %add3A_739, %convert_element_type3A_736 : vector<16xi1>, vector<16xi32>
          %sub3A_749 = arith.subi %shift_right_arithmetic3A_746, %add3A_739 : vector<16xi32>
          %select_n3A_750 = arith.select %ge3A_747, %shift_right_arithmetic3A_746, %sub3A_749 : vector<16xi1>, vector<16xi32>
          %lt3A_751 = arith.cmpi slt, %add3A_702, %select_n3A_750 : vector<16xi32>
          %sub3A_752 = arith.constant 1 : i32
          %sub3A_753 = vector.broadcast %sub3A_752 : i32 to vector<16xi32>
          %sub3A_754 = arith.subi %select_n3A_748, %sub3A_753 : vector<16xi32>
          %select_n3A_755 = arith.select %lt3A_751, %sub3A_754, %select_n3A_748 : vector<16xi1>, vector<16xi32>
          %sub3A_756 = arith.subi %select_n3A_750, %select_n3A_748 : vector<16xi32>
          %select_n3A_757 = arith.select %lt3A_751, %sub3A_756, %select_n3A_750 : vector<16xi1>, vector<16xi32>
          %sub3A_758 = arith.subi %add3A_702, %select_n3A_757 : vector<16xi32>
          %sub3A_759 = arith.subi %select_n3A_755, %sub3A_758 : vector<16xi32>
          %add3A_760 = arith.addi %sub3A_758, %shift_left3A_288 : vector<16xi32>
          %mul3A_761 = arith.constant 16 : i32
          %mul3A_762 = arith.muli %scan3A_697, %mul3A_761 : i32
          %swap3A_763 = arith.index_cast %mul3A_762 : i32 to index
          %swap3A_764 = tpu.vector_load %arg12[%swap3A_763] {strides = array<i32>} : memref<4096xi32, #tpu.memory_space<vmem>>, vector<16xi32>,
          tpu.vector_store %arg12[%swap3A_763], %add3A_760 {strides = array<i32>} : memref<4096xi32, #tpu.memory_space<vmem>>, vector<16xi32>,
          %add3A_765 = arith.addi %sub3A_759, %shift_left3A_288 : vector<16xi32>
          %mul3A_766 = arith.constant 16 : i32
          %mul3A_767 = arith.muli %scan3A_697, %mul3A_766 : i32
          %swap3A_768 = arith.index_cast %mul3A_767 : i32 to index
          %swap3A_769 = tpu.vector_load %arg13[%swap3A_768] {strides = array<i32>} : memref<4096xi32, #tpu.memory_space<vmem>>, vector<16xi32>,
          tpu.vector_store %arg13[%swap3A_768], %add3A_765 {strides = array<i32>} : memref<4096xi32, #tpu.memory_space<vmem>>, vector<16xi32>,
          %sub3A_770 = arith.subi %add3A_289, %sub3A_758 : vector<16xi32>
          %sub3A_771 = arith.subi %add3A_289, %sub3A_759 : vector<16xi32>
          %sub3A_772 = arith.constant 256 : i32
          %sub3A_773 = arith.subi %sub3A_772, %scan3A_697 : i32
          %mul3A_774 = arith.constant 16 : i32
          %mul3A_775 = arith.muli %sub3A_773, %mul3A_774 : i32
          %broadcast_in_dim3A_776 = vector.shape_cast %and3A_315 : vector<16xi32> to vector<16x1xi32>
          %gather3A_777 = vector.shape_cast %broadcast_in_dim3A_776 : vector<16x1xi32> to vector<16xi32>
          %gather3A_778 = tpu.dynamic_gather %sub3A_770[%gather3A_777] in [0] : vector<16xi32>, vector<16xi32> -> vector<16xi32>
          %broadcast_in_dim3A_779 = vector.shape_cast %and3A_315 : vector<16xi32> to vector<16x1xi32>
          %gather3A_780 = vector.shape_cast %broadcast_in_dim3A_779 : vector<16x1xi32> to vector<16xi32>
          %gather3A_781 = tpu.dynamic_gather %sub3A_672[%gather3A_780] in [0] : vector<16xi32>, vector<16xi32> -> vector<16xi32>
          %select_n3A_782 = arith.select %lt3A_317, %gather3A_778, %gather3A_781 : vector<16xi1>, vector<16xi32>
          %swap3A_783 = arith.index_cast %mul3A_775 : i32 to index
          %swap3A_784 = tpu.vector_load %arg14[%swap3A_783] {strides = array<i32>} : memref<4096xi32, #tpu.memory_space<vmem>>, vector<16xi32>,
          tpu.vector_store %arg14[%swap3A_783], %select_n3A_782 {strides = array<i32>} : memref<4096xi32, #tpu.memory_space<vmem>>, vector<16xi32>,
          %broadcast_in_dim3A_785 = vector.shape_cast %and3A_315 : vector<16xi32> to vector<16x1xi32>
          %gather3A_786 = vector.shape_cast %broadcast_in_dim3A_785 : vector<16x1xi32> to vector<16xi32>
          %gather3A_787 = tpu.dynamic_gather %sub3A_771[%gather3A_786] in [0] : vector<16xi32>, vector<16xi32> -> vector<16xi32>
          %broadcast_in_dim3A_788 = vector.shape_cast %and3A_315 : vector<16xi32> to vector<16x1xi32>
          %gather3A_789 = vector.shape_cast %broadcast_in_dim3A_788 : vector<16x1xi32> to vector<16xi32>
          %gather3A_790 = tpu.dynamic_gather %sub3A_673[%gather3A_789] in [0] : vector<16xi32>, vector<16xi32> -> vector<16xi32>
          %select_n3A_791 = arith.select %lt3A_317, %gather3A_787, %gather3A_790 : vector<16xi1>, vector<16xi32>
          %swap3A_792 = arith.index_cast %mul3A_775 : i32 to index
          %swap3A_793 = tpu.vector_load %arg15[%swap3A_792] {strides = array<i32>} : memref<4096xi32, #tpu.memory_space<vmem>>, vector<16xi32>,
          tpu.vector_store %arg15[%swap3A_792], %select_n3A_791 {strides = array<i32>} : memref<4096xi32, #tpu.memory_space<vmem>>, vector<16xi32>,
          scf.yield %sub3A_770, %sub3A_771 : vector<16xi32>, vector<16xi32>
        }
        %scan3A_390 = arith.constant 254 : i32
        %scan3A_391 = arith.addi %scan3A_385, %scan3A_390 : i32
        %mul3A_392 = arith.constant 16 : i32
        %mul3A_393 = arith.muli %scan3A_391, %mul3A_392 : i32
        %add3A_394 = arith.addi %mul3A_235, %mul3A_393 : i32
        %broadcast_in_dim3A_395 = vector.broadcast %add3A_394 : i32 to vector<16xi32>
        %add3A_396 = arith.addi %broadcast_in_dim3A_395, %iota3A : vector<16xi32>
        %shift_left3A_397 = arith.constant 3 : i32
        %shift_left3A_398 = vector.broadcast %shift_left3A_397 : i32 to vector<16xi32>
        %shift_left3A_399 = arith.shli %add3A_396, %shift_left3A_398 : vector<16xi32>
        %add3A_400 = arith.constant 1 : i32
        %add3A_401 = vector.broadcast %add3A_400 : i32 to vector<16xi32>
        %add3A_402 = arith.addi %shift_left3A_399, %add3A_401 : vector<16xi32>
        %convert_element_type3A_403 = arith.sitofp %add3A_402 : vector<16xi32> to vector<16xf32>
        %bitcast_convert_type3A_404 = tpu.bitcast %convert_element_type3A_403 : vector<16xf32> -> vector<16xi32>
        %shift_right_arithmetic3A_405 = arith.constant 1 : i32
        %shift_right_arithmetic3A_406 = vector.broadcast %shift_right_arithmetic3A_405 : i32 to vector<16xi32>
        %shift_right_arithmetic3A_407 = arith.shrsi %bitcast_convert_type3A_404, %shift_right_arithmetic3A_406 : vector<16xi32>
        %sub3A_408 = arith.subi %broadcast_in_dim3A_17, %shift_right_arithmetic3A_407 : vector<16xi32>
        %bitcast_convert_type3A_409 = tpu.bitcast %sub3A_408 : vector<16xi32> -> vector<16xf32>
        %mul3A_410 = vector.broadcast %scan3A : f32 to vector<16xf32>
        %mul3A_411 = arith.mulf %mul3A_410, %convert_element_type3A_403 : vector<16xf32>
        %mul3A_412 = arith.mulf %mul3A_411, %bitcast_convert_type3A_409 : vector<16xf32>
        %mul3A_413 = arith.mulf %mul3A_412, %bitcast_convert_type3A_409 : vector<16xf32>
        %sub3A_414 = vector.broadcast %scan3A_18 : f32 to vector<16xf32>
        %sub3A_415 = arith.subf %sub3A_414, %mul3A_413 : vector<16xf32>
        %mul3A_416 = arith.mulf %bitcast_convert_type3A_409, %sub3A_415 : vector<16xf32>
        %mul3A_417 = vector.broadcast %scan3A : f32 to vector<16xf32>
        %mul3A_418 = arith.mulf %mul3A_417, %convert_element_type3A_403 : vector<16xf32>
        %mul3A_419 = arith.mulf %mul3A_418, %mul3A_416 : vector<16xf32>
        %mul3A_420 = arith.mulf %mul3A_419, %mul3A_416 : vector<16xf32>
        %sub3A_421 = vector.broadcast %scan3A_18 : f32 to vector<16xf32>
        %sub3A_422 = arith.subf %sub3A_421, %mul3A_420 : vector<16xf32>
        %mul3A_423 = arith.mulf %mul3A_416, %sub3A_422 : vector<16xf32>
        %mul3A_424 = arith.mulf %convert_element_type3A_403, %mul3A_423 : vector<16xf32>
        %sub3A_425 = arith.constant 1.000000e+00 : f32
        %sub3A_426 = vector.broadcast %sub3A_425 : f32 to vector<16xf32>
        %sub3A_427 = arith.subf %mul3A_424, %sub3A_426 : vector<16xf32>
        %mul3A_428 = vector.broadcast %scan3A : f32 to vector<16xf32>
        %mul3A_429 = arith.mulf %sub3A_427, %mul3A_428 : vector<16xf32>
        %convert_element_type3A_430 = arith.fptosi %mul3A_429 : vector<16xf32> to vector<16xi32>
        %add3A_431 = arith.constant 1 : i32
        %add3A_432 = vector.broadcast %add3A_431 : i32 to vector<16xi32>
        %add3A_433 = arith.addi %convert_element_type3A_430, %add3A_432 : vector<16xi32>
        %add3A_434 = arith.constant 2 : i32
        %add3A_435 = vector.broadcast %add3A_434 : i32 to vector<16xi32>
        %add3A_436 = arith.addi %convert_element_type3A_430, %add3A_435 : vector<16xi32>
        %mul3A_437 = arith.muli %add3A_433, %add3A_436 : vector<16xi32>
        %shift_right_arithmetic3A_438 = arith.constant 1 : i32
        %shift_right_arithmetic3A_439 = vector.broadcast %shift_right_arithmetic3A_438 : i32 to vector<16xi32>
        %shift_right_arithmetic3A_440 = arith.shrsi %mul3A_437, %shift_right_arithmetic3A_439 : vector<16xi32>
        %ge3A_441 = arith.cmpi sge, %add3A_396, %shift_right_arithmetic3A_440 : vector<16xi32>
        %select_n3A_442 = arith.select %ge3A_441, %add3A_433, %convert_element_type3A_430 : vector<16xi1>, vector<16xi32>
        %sub3A_443 = arith.subi %shift_right_arithmetic3A_440, %add3A_433 : vector<16xi32>
        %select_n3A_444 = arith.select %ge3A_441, %shift_right_arithmetic3A_440, %sub3A_443 : vector<16xi1>, vector<16xi32>
        %lt3A_445 = arith.cmpi slt, %add3A_396, %select_n3A_444 : vector<16xi32>
        %sub3A_446 = arith.constant 1 : i32
        %sub3A_447 = vector.broadcast %sub3A_446 : i32 to vector<16xi32>
        %sub3A_448 = arith.subi %select_n3A_442, %sub3A_447 : vector<16xi32>
        %select_n3A_449 = arith.select %lt3A_445, %sub3A_448, %select_n3A_442 : vector<16xi1>, vector<16xi32>
        %sub3A_450 = arith.subi %select_n3A_444, %select_n3A_442 : vector<16xi32>
        %select_n3A_451 = arith.select %lt3A_445, %sub3A_450, %select_n3A_444 : vector<16xi1>, vector<16xi32>
        %sub3A_452 = arith.subi %add3A_396, %select_n3A_451 : vector<16xi32>
        %sub3A_453 = arith.subi %select_n3A_449, %sub3A_452 : vector<16xi32>
        %add3A_454 = arith.addi %sub3A_452, %shift_left3A_288 : vector<16xi32>
        %mul3A_455 = arith.constant 16 : i32
        %mul3A_456 = arith.muli %scan3A_391, %mul3A_455 : i32
        %swap3A_457 = arith.index_cast %mul3A_456 : i32 to index
        %swap3A_458 = tpu.vector_load %arg12[%swap3A_457] {strides = array<i32>} : memref<4096xi32, #tpu.memory_space<vmem>>, vector<16xi32>,
        tpu.vector_store %arg12[%swap3A_457], %add3A_454 {strides = array<i32>} : memref<4096xi32, #tpu.memory_space<vmem>>, vector<16xi32>,
        %add3A_459 = arith.addi %sub3A_453, %shift_left3A_288 : vector<16xi32>
        %mul3A_460 = arith.constant 16 : i32
        %mul3A_461 = arith.muli %scan3A_391, %mul3A_460 : i32
        %swap3A_462 = arith.index_cast %mul3A_461 : i32 to index
        %swap3A_463 = tpu.vector_load %arg13[%swap3A_462] {strides = array<i32>} : memref<4096xi32, #tpu.memory_space<vmem>>, vector<16xi32>,
        tpu.vector_store %arg13[%swap3A_462], %add3A_459 {strides = array<i32>} : memref<4096xi32, #tpu.memory_space<vmem>>, vector<16xi32>,
        %sub3A_464 = arith.subi %add3A_289, %sub3A_452 : vector<16xi32>
        %sub3A_465 = arith.subi %add3A_289, %sub3A_453 : vector<16xi32>
        %sub3A_466 = arith.constant 256 : i32
        %sub3A_467 = arith.subi %sub3A_466, %scan3A_391 : i32
        %mul3A_468 = arith.constant 16 : i32
        %mul3A_469 = arith.muli %sub3A_467, %mul3A_468 : i32
        %broadcast_in_dim3A_470 = vector.shape_cast %and3A_315 : vector<16xi32> to vector<16x1xi32>
        %gather3A_471 = vector.shape_cast %broadcast_in_dim3A_470 : vector<16x1xi32> to vector<16xi32>
        %gather3A_472 = tpu.dynamic_gather %sub3A_464[%gather3A_471] in [0] : vector<16xi32>, vector<16xi32> -> vector<16xi32>
        %broadcast_in_dim3A_473 = vector.shape_cast %and3A_315 : vector<16xi32> to vector<16x1xi32>
        %gather3A_474 = vector.shape_cast %broadcast_in_dim3A_473 : vector<16x1xi32> to vector<16xi32>
        %gather3A_475 = tpu.dynamic_gather %scan3A_389#0[%gather3A_474] in [0] : vector<16xi32>, vector<16xi32> -> vector<16xi32>
        %select_n3A_476 = arith.select %lt3A_317, %gather3A_472, %gather3A_475 : vector<16xi1>, vector<16xi32>
        %swap3A_477 = arith.index_cast %mul3A_469 : i32 to index
        %swap3A_478 = tpu.vector_load %arg14[%swap3A_477] {strides = array<i32>} : memref<4096xi32, #tpu.memory_space<vmem>>, vector<16xi32>,
        tpu.vector_store %arg14[%swap3A_477], %select_n3A_476 {strides = array<i32>} : memref<4096xi32, #tpu.memory_space<vmem>>, vector<16xi32>,
        %broadcast_in_dim3A_479 = vector.shape_cast %and3A_315 : vector<16xi32> to vector<16x1xi32>
        %gather3A_480 = vector.shape_cast %broadcast_in_dim3A_479 : vector<16x1xi32> to vector<16xi32>
        %gather3A_481 = tpu.dynamic_gather %sub3A_465[%gather3A_480] in [0] : vector<16xi32>, vector<16xi32> -> vector<16xi32>
        %broadcast_in_dim3A_482 = vector.shape_cast %and3A_315 : vector<16xi32> to vector<16x1xi32>
        %gather3A_483 = vector.shape_cast %broadcast_in_dim3A_482 : vector<16x1xi32> to vector<16xi32>
        %gather3A_484 = tpu.dynamic_gather %scan3A_389#1[%gather3A_483] in [0] : vector<16xi32>, vector<16xi32> -> vector<16xi32>
        %select_n3A_485 = arith.select %lt3A_317, %gather3A_481, %gather3A_484 : vector<16xi1>, vector<16xi32>
        %swap3A_486 = arith.index_cast %mul3A_469 : i32 to index
        %swap3A_487 = tpu.vector_load %arg15[%swap3A_486] {strides = array<i32>} : memref<4096xi32, #tpu.memory_space<vmem>>, vector<16xi32>,
        tpu.vector_store %arg15[%swap3A_486], %select_n3A_485 {strides = array<i32>} : memref<4096xi32, #tpu.memory_space<vmem>>, vector<16xi32>,
        %scan3A_488 = arith.constant 255 : i32
        %add3A_489 = arith.constant 4096 : i32
        %add3A_490 = arith.addi %mul3A_235, %add3A_489 : i32
        %broadcast_in_dim3A_491 = vector.broadcast %add3A_490 : i32 to vector<16xi32>
        %add3A_492 = arith.addi %broadcast_in_dim3A_491, %iota3A : vector<16xi32>
        %ge3A_493 = arith.cmpi sge, %add3A_492, %shift_right_arithmetic3A_285 : vector<16xi32>
        %sub3A_494 = arith.subi %sub3A_278, %add3A_492 : vector<16xi32>
        %select_n3A_495 = arith.select %ge3A_493, %sub3A_494, %add3A_492 : vector<16xi1>, vector<16xi32>
        %shift_left3A_496 = arith.constant 3 : i32
        %shift_left3A_497 = vector.broadcast %shift_left3A_496 : i32 to vector<16xi32>
        %shift_left3A_498 = arith.shli %select_n3A_495, %shift_left3A_497 : vector<16xi32>
        %add3A_499 = arith.constant 1 : i32
        %add3A_500 = vector.broadcast %add3A_499 : i32 to vector<16xi32>
        %add3A_501 = arith.addi %shift_left3A_498, %add3A_500 : vector<16xi32>
        %convert_element_type3A_502 = arith.sitofp %add3A_501 : vector<16xi32> to vector<16xf32>
        %bitcast_convert_type3A_503 = tpu.bitcast %convert_element_type3A_502 : vector<16xf32> -> vector<16xi32>
        %shift_right_arithmetic3A_504 = arith.constant 1 : i32
        %shift_right_arithmetic3A_505 = vector.broadcast %shift_right_arithmetic3A_504 : i32 to vector<16xi32>
        %shift_right_arithmetic3A_506 = arith.shrsi %bitcast_convert_type3A_503, %shift_right_arithmetic3A_505 : vector<16xi32>
        %sub3A_507 = arith.subi %broadcast_in_dim3A_17, %shift_right_arithmetic3A_506 : vector<16xi32>
        %bitcast_convert_type3A_508 = tpu.bitcast %sub3A_507 : vector<16xi32> -> vector<16xf32>
        %mul3A_509 = vector.broadcast %scan3A : f32 to vector<16xf32>
        %mul3A_510 = arith.mulf %mul3A_509, %convert_element_type3A_502 : vector<16xf32>
        %mul3A_511 = arith.mulf %mul3A_510, %bitcast_convert_type3A_508 : vector<16xf32>
        %mul3A_512 = arith.mulf %mul3A_511, %bitcast_convert_type3A_508 : vector<16xf32>
        %sub3A_513 = vector.broadcast %scan3A_18 : f32 to vector<16xf32>
        %sub3A_514 = arith.subf %sub3A_513, %mul3A_512 : vector<16xf32>
        %mul3A_515 = arith.mulf %bitcast_convert_type3A_508, %sub3A_514 : vector<16xf32>
        %mul3A_516 = vector.broadcast %scan3A : f32 to vector<16xf32>
        %mul3A_517 = arith.mulf %mul3A_516, %convert_element_type3A_502 : vector<16xf32>
        %mul3A_518 = arith.mulf %mul3A_517, %mul3A_515 : vector<16xf32>
        %mul3A_519 = arith.mulf %mul3A_518, %mul3A_515 : vector<16xf32>
        %sub3A_520 = vector.broadcast %scan3A_18 : f32 to vector<16xf32>
        %sub3A_521 = arith.subf %sub3A_520, %mul3A_519 : vector<16xf32>
        %mul3A_522 = arith.mulf %mul3A_515, %sub3A_521 : vector<16xf32>
        %mul3A_523 = arith.mulf %convert_element_type3A_502, %mul3A_522 : vector<16xf32>
        %sub3A_524 = arith.constant 1.000000e+00 : f32
        %sub3A_525 = vector.broadcast %sub3A_524 : f32 to vector<16xf32>
        %sub3A_526 = arith.subf %mul3A_523, %sub3A_525 : vector<16xf32>
        %mul3A_527 = vector.broadcast %scan3A : f32 to vector<16xf32>
        %mul3A_528 = arith.mulf %sub3A_526, %mul3A_527 : vector<16xf32>
        %convert_element_type3A_529 = arith.fptosi %mul3A_528 : vector<16xf32> to vector<16xi32>
        %add3A_530 = arith.constant 1 : i32
        %add3A_531 = vector.broadcast %add3A_530 : i32 to vector<16xi32>
        %add3A_532 = arith.addi %convert_element_type3A_529, %add3A_531 : vector<16xi32>
        %add3A_533 = arith.constant 2 : i32
        %add3A_534 = vector.broadcast %add3A_533 : i32 to vector<16xi32>
        %add3A_535 = arith.addi %convert_element_type3A_529, %add3A_534 : vector<16xi32>
        %mul3A_536 = arith.muli %add3A_532, %add3A_535 : vector<16xi32>
        %shift_right_arithmetic3A_537 = arith.constant 1 : i32
        %shift_right_arithmetic3A_538 = vector.broadcast %shift_right_arithmetic3A_537 : i32 to vector<16xi32>
        %shift_right_arithmetic3A_539 = arith.shrsi %mul3A_536, %shift_right_arithmetic3A_538 : vector<16xi32>
        %ge3A_540 = arith.cmpi sge, %select_n3A_495, %shift_right_arithmetic3A_539 : vector<16xi32>
        %select_n3A_541 = arith.select %ge3A_540, %add3A_532, %convert_element_type3A_529 : vector<16xi1>, vector<16xi32>
        %sub3A_542 = arith.subi %shift_right_arithmetic3A_539, %add3A_532 : vector<16xi32>
        %select_n3A_543 = arith.select %ge3A_540, %shift_right_arithmetic3A_539, %sub3A_542 : vector<16xi1>, vector<16xi32>
        %lt3A_544 = arith.cmpi slt, %select_n3A_495, %select_n3A_543 : vector<16xi32>
        %sub3A_545 = arith.constant 1 : i32
        %sub3A_546 = vector.broadcast %sub3A_545 : i32 to vector<16xi32>
        %sub3A_547 = arith.subi %select_n3A_541, %sub3A_546 : vector<16xi32>
        %select_n3A_548 = arith.select %lt3A_544, %sub3A_547, %select_n3A_541 : vector<16xi1>, vector<16xi32>
        %sub3A_549 = arith.subi %select_n3A_543, %select_n3A_541 : vector<16xi32>
        %select_n3A_550 = arith.select %lt3A_544, %sub3A_549, %select_n3A_543 : vector<16xi1>, vector<16xi32>
        %sub3A_551 = arith.subi %select_n3A_495, %select_n3A_550 : vector<16xi32>
        %sub3A_552 = arith.subi %sub3A_274, %sub3A_551 : vector<16xi32>
        %select_n3A_553 = arith.select %ge3A_493, %sub3A_552, %sub3A_551 : vector<16xi1>, vector<16xi32>
        %sub3A_554 = arith.subi %sub3A_274, %select_n3A_548 : vector<16xi32>
        %add3A_555 = arith.addi %sub3A_554, %sub3A_551 : vector<16xi32>
        %sub3A_556 = arith.subi %select_n3A_548, %sub3A_551 : vector<16xi32>
        %select_n3A_557 = arith.select %ge3A_493, %add3A_555, %sub3A_556 : vector<16xi1>, vector<16xi32>
        %sub3A_558 = arith.subi %add3A_289, %select_n3A_553 : vector<16xi32>
        %sub3A_559 = arith.subi %add3A_289, %select_n3A_557 : vector<16xi32>
        %broadcast_in_dim3A_560 = vector.shape_cast %and3A_315 : vector<16xi32> to vector<16x1xi32>
        %gather3A_561 = vector.shape_cast %broadcast_in_dim3A_560 : vector<16x1xi32> to vector<16xi32>
        %gather3A_562 = tpu.dynamic_gather %sub3A_558[%gather3A_561] in [0] : vector<16xi32>, vector<16xi32> -> vector<16xi32>
        %broadcast_in_dim3A_563 = vector.shape_cast %and3A_315 : vector<16xi32> to vector<16x1xi32>
        %gather3A_564 = vector.shape_cast %broadcast_in_dim3A_563 : vector<16x1xi32> to vector<16xi32>
        %gather3A_565 = tpu.dynamic_gather %sub3A_464[%gather3A_564] in [0] : vector<16xi32>, vector<16xi32> -> vector<16xi32>
        %select_n3A_566 = arith.select %lt3A_317, %gather3A_562, %gather3A_565 : vector<16xi1>, vector<16xi32>
        %swap3A_567 = arith.constant 0 : index
        %swap3A_568 = tpu.vector_load %arg14[%swap3A_567] {strides = array<i32>} : memref<4096xi32, #tpu.memory_space<vmem>>, vector<16xi32>,
        tpu.vector_store %arg14[%swap3A_567], %select_n3A_566 {strides = array<i32>} : memref<4096xi32, #tpu.memory_space<vmem>>, vector<16xi32>,
        %broadcast_in_dim3A_569 = vector.shape_cast %and3A_315 : vector<16xi32> to vector<16x1xi32>
        %gather3A_570 = vector.shape_cast %broadcast_in_dim3A_569 : vector<16x1xi32> to vector<16xi32>
        %gather3A_571 = tpu.dynamic_gather %sub3A_559[%gather3A_570] in [0] : vector<16xi32>, vector<16xi32> -> vector<16xi32>
        %broadcast_in_dim3A_572 = vector.shape_cast %and3A_315 : vector<16xi32> to vector<16x1xi32>
        %gather3A_573 = vector.shape_cast %broadcast_in_dim3A_572 : vector<16x1xi32> to vector<16xi32>
        %gather3A_574 = tpu.dynamic_gather %sub3A_465[%gather3A_573] in [0] : vector<16xi32>, vector<16xi32> -> vector<16xi32>
        %select_n3A_575 = arith.select %lt3A_317, %gather3A_571, %gather3A_574 : vector<16xi1>, vector<16xi32>
        %swap3A_576 = arith.constant 0 : index
        %swap3A_577 = tpu.vector_load %arg15[%swap3A_576] {strides = array<i32>} : memref<4096xi32, #tpu.memory_space<vmem>>, vector<16xi32>,
        tpu.vector_store %arg15[%swap3A_576], %select_n3A_575 {strides = array<i32>} : memref<4096xi32, #tpu.memory_space<vmem>>, vector<16xi32>,
        %shift_right_arithmetic3A_578 = arith.constant 6 : i32
        %shift_right_arithmetic3A_579 = arith.shrsi %add3A_229, %shift_right_arithmetic3A_578 : i32
        %mul3A_580 = arith.constant 262144 : i32
        %mul3A_581 = arith.muli %shift_right_arithmetic3A_579, %mul3A_580 : i32
        %shift_right_arithmetic3A_582 = arith.constant 3 : i32
        %shift_right_arithmetic3A_583 = arith.shrsi %reduce_max3A_248, %shift_right_arithmetic3A_582 : i32
        %mul3A_584 = arith.constant 8 : i32
        %mul3A_585 = arith.muli %shift_right_arithmetic3A_583, %mul3A_584 : i32
        %add3A_586 = arith.addi %mul3A_581, %mul3A_585 : i32
        %add3A_587 = arith.constant 4096 : i32
        %add3A_588 = arith.addi %mul3A_235, %add3A_587 : i32
        %sub3A_589 = arith.subi %add3A_586, %add3A_588 : i32
        %dma_start3A = tpu.memref_slice %arg3[%add3A_298] : memref<4194304xi32, #tpu.memory_space<hbm>> -> memref<4096xi32, #tpu.memory_space<hbm>>
        %dma_start3A_590 = tpu.memref_slice %arg3[%add3A_298] : memref<4194304xi32, #tpu.memory_space<hbm>> -> memref<4096xi32, #tpu.memory_space<hbm>>
        tpu.enqueue_dma source(%arg12 : memref<4096xi32, #tpu.memory_space<vmem>>) target(%dma_start3A_590 : memref<4096xi32, #tpu.memory_space<hbm>>) target_semaphore(%arg20 : memref<!tpu.dma_semaphore, #tpu.memory_space<semaphore_mem>>)
        %dma_start3A_591 = tpu.memref_slice %arg4[%add3A_298] : memref<4194304xi32, #tpu.memory_space<hbm>> -> memref<4096xi32, #tpu.memory_space<hbm>>
        %dma_start3A_592 = tpu.memref_slice %arg4[%add3A_298] : memref<4194304xi32, #tpu.memory_space<hbm>> -> memref<4096xi32, #tpu.memory_space<hbm>>
        tpu.enqueue_dma source(%arg13 : memref<4096xi32, #tpu.memory_space<vmem>>) target(%dma_start3A_592 : memref<4096xi32, #tpu.memory_space<hbm>>) target_semaphore(%arg20 : memref<!tpu.dma_semaphore, #tpu.memory_space<semaphore_mem>>)
        %dma_start3A_593 = tpu.memref_slice %arg3[%sub3A_589] : memref<4194304xi32, #tpu.memory_space<hbm>> -> memref<4096xi32, #tpu.memory_space<hbm>>
        %dma_start3A_594 = tpu.memref_slice %arg3[%sub3A_589] : memref<4194304xi32, #tpu.memory_space<hbm>> -> memref<4096xi32, #tpu.memory_space<hbm>>
        tpu.enqueue_dma source(%arg14 : memref<4096xi32, #tpu.memory_space<vmem>>) target(%dma_start3A_594 : memref<4096xi32, #tpu.memory_space<hbm>>) target_semaphore(%arg21 : memref<!tpu.dma_semaphore, #tpu.memory_space<semaphore_mem>>)
        %dma_start3A_595 = tpu.memref_slice %arg4[%sub3A_589] : memref<4194304xi32, #tpu.memory_space<hbm>> -> memref<4096xi32, #tpu.memory_space<hbm>>
        %dma_start3A_596 = tpu.memref_slice %arg4[%sub3A_589] : memref<4194304xi32, #tpu.memory_space<hbm>> -> memref<4096xi32, #tpu.memory_space<hbm>>
        tpu.enqueue_dma source(%arg15 : memref<4096xi32, #tpu.memory_space<vmem>>) target(%dma_start3A_596 : memref<4096xi32, #tpu.memory_space<hbm>>) target_semaphore(%arg21 : memref<!tpu.dma_semaphore, #tpu.memory_space<semaphore_mem>>)
      } else {
      }
      %convert_element_type3A_302 = arith.extui %not3A_293 : i1 to i32
      %cond3A_303 = arith.constant 0 : i32
      %cond3A_304 = arith.cmpi ne, %convert_element_type3A_302, %cond3A_303 : i32
      scf.if %cond3A_304 {
        %scan3A_309 = arith.constant 0 : i32
        %scan3A_310 = arith.constant 0 : i32
        %scan3A_311 = arith.constant 256 : i32
        %scan3A_312 = arith.addi %scan3A_310, %scan3A_311 : i32
        %scan3A_313 = arith.constant 2 : i32
        %scan3A_314 = scf.for %scan3A_319 = %scan3A_310 to %scan3A_312 step %scan3A_313 iter_args(%scan3A_320 = %scan3A_309) -> (i32)  : i32 {
          %mul3A_321 = arith.constant 16 : i32
          %mul3A_322 = arith.muli %scan3A_319, %mul3A_321 : i32
          %add3A_323 = arith.addi %mul3A_235, %mul3A_322 : i32
          %broadcast_in_dim3A_324 = vector.broadcast %add3A_323 : i32 to vector<16xi32>
          %add3A_325 = arith.addi %broadcast_in_dim3A_324, %iota3A : vector<16xi32>
          %ge3A_326 = arith.cmpi sge, %add3A_325, %shift_right_arithmetic3A_285 : vector<16xi32>
          %mul3A_327 = arith.muli %gather3A_239, %gather3A_239 : vector<16xi32>
          %ge3A_328 = arith.cmpi sge, %add3A_325, %mul3A_327 : vector<16xi32>
          %sub3A_329 = arith.subi %sub3A_278, %add3A_325 : vector<16xi32>
          %select_n3A_330 = arith.select %ge3A_326, %sub3A_329, %add3A_325 : vector<16xi1>, vector<16xi32>
          %shift_left3A_331 = arith.constant 3 : i32
          %shift_left3A_332 = vector.broadcast %shift_left3A_331 : i32 to vector<16xi32>
          %shift_left3A_333 = arith.shli %select_n3A_330, %shift_left3A_332 : vector<16xi32>
          %add3A_334 = arith.constant 1 : i32
          %add3A_335 = vector.broadcast %add3A_334 : i32 to vector<16xi32>
          %add3A_336 = arith.addi %shift_left3A_333, %add3A_335 : vector<16xi32>
          %convert_element_type3A_337 = arith.sitofp %add3A_336 : vector<16xi32> to vector<16xf32>
          %bitcast_convert_type3A = tpu.bitcast %convert_element_type3A_337 : vector<16xf32> -> vector<16xi32>
          %shift_right_arithmetic3A_338 = arith.constant 1 : i32
          %shift_right_arithmetic3A_339 = vector.broadcast %shift_right_arithmetic3A_338 : i32 to vector<16xi32>
          %shift_right_arithmetic3A_340 = arith.shrsi %bitcast_convert_type3A, %shift_right_arithmetic3A_339 : vector<16xi32>
          %sub3A_341 = arith.subi %broadcast_in_dim3A_17, %shift_right_arithmetic3A_340 : vector<16xi32>
          %bitcast_convert_type3A_342 = tpu.bitcast %sub3A_341 : vector<16xi32> -> vector<16xf32>
          %mul3A_343 = vector.broadcast %scan3A : f32 to vector<16xf32>
          %mul3A_344 = arith.mulf %mul3A_343, %convert_element_type3A_337 : vector<16xf32>
          %mul3A_345 = arith.mulf %mul3A_344, %bitcast_convert_type3A_342 : vector<16xf32>
          %mul3A_346 = arith.mulf %mul3A_345, %bitcast_convert_type3A_342 : vector<16xf32>
          %sub3A_347 = vector.broadcast %scan3A_18 : f32 to vector<16xf32>
          %sub3A_348 = arith.subf %sub3A_347, %mul3A_346 : vector<16xf32>
          %mul3A_349 = arith.mulf %bitcast_convert_type3A_342, %sub3A_348 : vector<16xf32>
          %mul3A_350 = vector.broadcast %scan3A : f32 to vector<16xf32>
          %mul3A_351 = arith.mulf %mul3A_350, %convert_element_type3A_337 : vector<16xf32>
          %mul3A_352 = arith.mulf %mul3A_351, %mul3A_349 : vector<16xf32>
          %mul3A_353 = arith.mulf %mul3A_352, %mul3A_349 : vector<16xf32>
          %sub3A_354 = vector.broadcast %scan3A_18 : f32 to vector<16xf32>
          %sub3A_355 = arith.subf %sub3A_354, %mul3A_353 : vector<16xf32>
          %mul3A_356 = arith.mulf %mul3A_349, %sub3A_355 : vector<16xf32>
          %mul3A_357 = arith.mulf %convert_element_type3A_337, %mul3A_356 : vector<16xf32>
          %sub3A_358 = arith.constant 1.000000e+00 : f32
          %sub3A_359 = vector.broadcast %sub3A_358 : f32 to vector<16xf32>
          %sub3A_360 = arith.subf %mul3A_357, %sub3A_359 : vector<16xf32>
          %mul3A_361 = vector.broadcast %scan3A : f32 to vector<16xf32>
          %mul3A_362 = arith.mulf %sub3A_360, %mul3A_361 : vector<16xf32>
          %convert_element_type3A_363 = arith.fptosi %mul3A_362 : vector<16xf32> to vector<16xi32>
          %add3A_364 = arith.constant 1 : i32
          %add3A_365 = vector.broadcast %add3A_364 : i32 to vector<16xi32>
          %add3A_366 = arith.addi %convert_element_type3A_363, %add3A_365 : vector<16xi32>
          %add3A_367 = arith.constant 2 : i32
          %add3A_368 = vector.broadcast %add3A_367 : i32 to vector<16xi32>
          %add3A_369 = arith.addi %convert_element_type3A_363, %add3A_368 : vector<16xi32>
          %mul3A_370 = arith.muli %add3A_366, %add3A_369 : vector<16xi32>
          %shift_right_arithmetic3A_371 = arith.constant 1 : i32
          %shift_right_arithmetic3A_372 = vector.broadcast %shift_right_arithmetic3A_371 : i32 to vector<16xi32>
          %shift_right_arithmetic3A_373 = arith.shrsi %mul3A_370, %shift_right_arithmetic3A_372 : vector<16xi32>
          %ge3A_374 = arith.cmpi sge, %select_n3A_330, %shift_right_arithmetic3A_373 : vector<16xi32>
          %select_n3A_375 = arith.select %ge3A_374, %add3A_366, %convert_element_type3A_363 : vector<16xi1>, vector<16xi32>
          %sub3A_376 = arith.subi %shift_right_arithmetic3A_373, %add3A_366 : vector<16xi32>
          %select_n3A_377 = arith.select %ge3A_374, %shift_right_arithmetic3A_373, %sub3A_376 : vector<16xi1>, vector<16xi32>
          %lt3A_378 = arith.cmpi slt, %select_n3A_330, %select_n3A_377 : vector<16xi32>
          %sub3A_379 = arith.constant 1 : i32
          %sub3A_380 = vector.broadcast %sub3A_379 : i32 to vector<16xi32>
          %sub3A_381 = arith.subi %select_n3A_375, %sub3A_380 : vector<16xi32>
          %select_n3A_382 = arith.select %lt3A_378, %sub3A_381, %select_n3A_375 : vector<16xi1>, vector<16xi32>
          %sub3A_383 = arith.subi %select_n3A_377, %select_n3A_375 : vector<16xi32>
          %select_n3A_384 = arith.select %lt3A_378, %sub3A_383, %select_n3A_377 : vector<16xi1>, vector<16xi32>
          %sub3A_385 = arith.subi %select_n3A_330, %select_n3A_384 : vector<16xi32>
          %sub3A_386 = arith.subi %sub3A_274, %sub3A_385 : vector<16xi32>
          %select_n3A_387 = arith.select %ge3A_326, %sub3A_386, %sub3A_385 : vector<16xi1>, vector<16xi32>
          %sub3A_388 = arith.subi %sub3A_274, %select_n3A_382 : vector<16xi32>
          %add3A_389 = arith.addi %sub3A_388, %sub3A_385 : vector<16xi32>
          %sub3A_390 = arith.subi %select_n3A_382, %sub3A_385 : vector<16xi32>
          %select_n3A_391 = arith.select %ge3A_326, %add3A_389, %sub3A_390 : vector<16xi1>, vector<16xi32>
          %select_n3A_392 = arith.select %ge3A_328, %gather3A_239, %select_n3A_387 : vector<16xi1>, vector<16xi32>
          %add3A_393 = arith.addi %select_n3A_392, %shift_left3A_288 : vector<16xi32>
          %mul3A_394 = arith.constant 16 : i32
          %mul3A_395 = arith.muli %scan3A_319, %mul3A_394 : i32
          %swap3A = arith.index_cast %mul3A_395 : i32 to index
          %swap3A_396 = tpu.vector_load %arg12[%swap3A] {strides = array<i32>} : memref<4096xi32, #tpu.memory_space<vmem>>, vector<16xi32>,
          tpu.vector_store %arg12[%swap3A], %add3A_393 {strides = array<i32>} : memref<4096xi32, #tpu.memory_space<vmem>>, vector<16xi32>,
          %select_n3A_397 = arith.select %ge3A_328, %gather3A_239, %select_n3A_391 : vector<16xi1>, vector<16xi32>
          %add3A_398 = arith.addi %select_n3A_397, %shift_left3A_288 : vector<16xi32>
          %mul3A_399 = arith.constant 16 : i32
          %mul3A_400 = arith.muli %scan3A_319, %mul3A_399 : i32
          %swap3A_401 = arith.index_cast %mul3A_400 : i32 to index
          %swap3A_402 = tpu.vector_load %arg13[%swap3A_401] {strides = array<i32>} : memref<4096xi32, #tpu.memory_space<vmem>>, vector<16xi32>,
          tpu.vector_store %arg13[%swap3A_401], %add3A_398 {strides = array<i32>} : memref<4096xi32, #tpu.memory_space<vmem>>, vector<16xi32>,
          %scan3A_403 = arith.constant 0 : i32
          %scan3A_404 = arith.constant 1 : i32
          %scan3A_405 = arith.addi %scan3A_319, %scan3A_404 : i32
          %mul3A_406 = arith.constant 16 : i32
          %mul3A_407 = arith.muli %scan3A_405, %mul3A_406 : i32
          %add3A_408 = arith.addi %mul3A_235, %mul3A_407 : i32
          %broadcast_in_dim3A_409 = vector.broadcast %add3A_408 : i32 to vector<16xi32>
          %add3A_410 = arith.addi %broadcast_in_dim3A_409, %iota3A : vector<16xi32>
          %ge3A_411 = arith.cmpi sge, %add3A_410, %shift_right_arithmetic3A_285 : vector<16xi32>
          %mul3A_412 = arith.muli %gather3A_239, %gather3A_239 : vector<16xi32>
          %ge3A_413 = arith.cmpi sge, %add3A_410, %mul3A_412 : vector<16xi32>
          %sub3A_414 = arith.subi %sub3A_278, %add3A_410 : vector<16xi32>
          %select_n3A_415 = arith.select %ge3A_411, %sub3A_414, %add3A_410 : vector<16xi1>, vector<16xi32>
          %shift_left3A_416 = arith.constant 3 : i32
          %shift_left3A_417 = vector.broadcast %shift_left3A_416 : i32 to vector<16xi32>
          %shift_left3A_418 = arith.shli %select_n3A_415, %shift_left3A_417 : vector<16xi32>
          %add3A_419 = arith.constant 1 : i32
          %add3A_420 = vector.broadcast %add3A_419 : i32 to vector<16xi32>
          %add3A_421 = arith.addi %shift_left3A_418, %add3A_420 : vector<16xi32>
          %convert_element_type3A_422 = arith.sitofp %add3A_421 : vector<16xi32> to vector<16xf32>
          %bitcast_convert_type3A_423 = tpu.bitcast %convert_element_type3A_422 : vector<16xf32> -> vector<16xi32>
          %shift_right_arithmetic3A_424 = arith.constant 1 : i32
          %shift_right_arithmetic3A_425 = vector.broadcast %shift_right_arithmetic3A_424 : i32 to vector<16xi32>
          %shift_right_arithmetic3A_426 = arith.shrsi %bitcast_convert_type3A_423, %shift_right_arithmetic3A_425 : vector<16xi32>
          %sub3A_427 = arith.subi %broadcast_in_dim3A_17, %shift_right_arithmetic3A_426 : vector<16xi32>
          %bitcast_convert_type3A_428 = tpu.bitcast %sub3A_427 : vector<16xi32> -> vector<16xf32>
          %mul3A_429 = vector.broadcast %scan3A : f32 to vector<16xf32>
          %mul3A_430 = arith.mulf %mul3A_429, %convert_element_type3A_422 : vector<16xf32>
          %mul3A_431 = arith.mulf %mul3A_430, %bitcast_convert_type3A_428 : vector<16xf32>
          %mul3A_432 = arith.mulf %mul3A_431, %bitcast_convert_type3A_428 : vector<16xf32>
          %sub3A_433 = vector.broadcast %scan3A_18 : f32 to vector<16xf32>
          %sub3A_434 = arith.subf %sub3A_433, %mul3A_432 : vector<16xf32>
          %mul3A_435 = arith.mulf %bitcast_convert_type3A_428, %sub3A_434 : vector<16xf32>
          %mul3A_436 = vector.broadcast %scan3A : f32 to vector<16xf32>
          %mul3A_437 = arith.mulf %mul3A_436, %convert_element_type3A_422 : vector<16xf32>
          %mul3A_438 = arith.mulf %mul3A_437, %mul3A_435 : vector<16xf32>
          %mul3A_439 = arith.mulf %mul3A_438, %mul3A_435 : vector<16xf32>
          %sub3A_440 = vector.broadcast %scan3A_18 : f32 to vector<16xf32>
          %sub3A_441 = arith.subf %sub3A_440, %mul3A_439 : vector<16xf32>
          %mul3A_442 = arith.mulf %mul3A_435, %sub3A_441 : vector<16xf32>
          %mul3A_443 = arith.mulf %convert_element_type3A_422, %mul3A_442 : vector<16xf32>
          %sub3A_444 = arith.constant 1.000000e+00 : f32
          %sub3A_445 = vector.broadcast %sub3A_444 : f32 to vector<16xf32>
          %sub3A_446 = arith.subf %mul3A_443, %sub3A_445 : vector<16xf32>
          %mul3A_447 = vector.broadcast %scan3A : f32 to vector<16xf32>
          %mul3A_448 = arith.mulf %sub3A_446, %mul3A_447 : vector<16xf32>
          %convert_element_type3A_449 = arith.fptosi %mul3A_448 : vector<16xf32> to vector<16xi32>
          %add3A_450 = arith.constant 1 : i32
          %add3A_451 = vector.broadcast %add3A_450 : i32 to vector<16xi32>
          %add3A_452 = arith.addi %convert_element_type3A_449, %add3A_451 : vector<16xi32>
          %add3A_453 = arith.constant 2 : i32
          %add3A_454 = vector.broadcast %add3A_453 : i32 to vector<16xi32>
          %add3A_455 = arith.addi %convert_element_type3A_449, %add3A_454 : vector<16xi32>
          %mul3A_456 = arith.muli %add3A_452, %add3A_455 : vector<16xi32>
          %shift_right_arithmetic3A_457 = arith.constant 1 : i32
          %shift_right_arithmetic3A_458 = vector.broadcast %shift_right_arithmetic3A_457 : i32 to vector<16xi32>
          %shift_right_arithmetic3A_459 = arith.shrsi %mul3A_456, %shift_right_arithmetic3A_458 : vector<16xi32>
          %ge3A_460 = arith.cmpi sge, %select_n3A_415, %shift_right_arithmetic3A_459 : vector<16xi32>
          %select_n3A_461 = arith.select %ge3A_460, %add3A_452, %convert_element_type3A_449 : vector<16xi1>, vector<16xi32>
          %sub3A_462 = arith.subi %shift_right_arithmetic3A_459, %add3A_452 : vector<16xi32>
          %select_n3A_463 = arith.select %ge3A_460, %shift_right_arithmetic3A_459, %sub3A_462 : vector<16xi1>, vector<16xi32>
          %lt3A_464 = arith.cmpi slt, %select_n3A_415, %select_n3A_463 : vector<16xi32>
          %sub3A_465 = arith.constant 1 : i32
          %sub3A_466 = vector.broadcast %sub3A_465 : i32 to vector<16xi32>
          %sub3A_467 = arith.subi %select_n3A_461, %sub3A_466 : vector<16xi32>
          %select_n3A_468 = arith.select %lt3A_464, %sub3A_467, %select_n3A_461 : vector<16xi1>, vector<16xi32>
          %sub3A_469 = arith.subi %select_n3A_463, %select_n3A_461 : vector<16xi32>
          %select_n3A_470 = arith.select %lt3A_464, %sub3A_469, %select_n3A_463 : vector<16xi1>, vector<16xi32>
          %sub3A_471 = arith.subi %select_n3A_415, %select_n3A_470 : vector<16xi32>
          %sub3A_472 = arith.subi %sub3A_274, %sub3A_471 : vector<16xi32>
          %select_n3A_473 = arith.select %ge3A_411, %sub3A_472, %sub3A_471 : vector<16xi1>, vector<16xi32>
          %sub3A_474 = arith.subi %sub3A_274, %select_n3A_468 : vector<16xi32>
          %add3A_475 = arith.addi %sub3A_474, %sub3A_471 : vector<16xi32>
          %sub3A_476 = arith.subi %select_n3A_468, %sub3A_471 : vector<16xi32>
          %select_n3A_477 = arith.select %ge3A_411, %add3A_475, %sub3A_476 : vector<16xi1>, vector<16xi32>
          %select_n3A_478 = arith.select %ge3A_413, %gather3A_239, %select_n3A_473 : vector<16xi1>, vector<16xi32>
          %add3A_479 = arith.addi %select_n3A_478, %shift_left3A_288 : vector<16xi32>
          %mul3A_480 = arith.constant 16 : i32
          %mul3A_481 = arith.muli %scan3A_405, %mul3A_480 : i32
          %swap3A_482 = arith.index_cast %mul3A_481 : i32 to index
          %swap3A_483 = tpu.vector_load %arg12[%swap3A_482] {strides = array<i32>} : memref<4096xi32, #tpu.memory_space<vmem>>, vector<16xi32>,
          tpu.vector_store %arg12[%swap3A_482], %add3A_479 {strides = array<i32>} : memref<4096xi32, #tpu.memory_space<vmem>>, vector<16xi32>,
          %select_n3A_484 = arith.select %ge3A_413, %gather3A_239, %select_n3A_477 : vector<16xi1>, vector<16xi32>
          %add3A_485 = arith.addi %select_n3A_484, %shift_left3A_288 : vector<16xi32>
          %mul3A_486 = arith.constant 16 : i32
          %mul3A_487 = arith.muli %scan3A_405, %mul3A_486 : i32
          %swap3A_488 = arith.index_cast %mul3A_487 : i32 to index
          %swap3A_489 = tpu.vector_load %arg13[%swap3A_488] {strides = array<i32>} : memref<4096xi32, #tpu.memory_space<vmem>>, vector<16xi32>,
          tpu.vector_store %arg13[%swap3A_488], %add3A_485 {strides = array<i32>} : memref<4096xi32, #tpu.memory_space<vmem>>, vector<16xi32>,
          %scan3A_490 = arith.constant 0 : i32
          scf.yield %scan3A_490 : i32
        }
        %scan3A_315 = arith.constant 256 : i32
        %dma_start3A = tpu.memref_slice %arg3[%add3A_298] : memref<4194304xi32, #tpu.memory_space<hbm>> -> memref<4096xi32, #tpu.memory_space<hbm>>
        %dma_start3A_316 = tpu.memref_slice %arg3[%add3A_298] : memref<4194304xi32, #tpu.memory_space<hbm>> -> memref<4096xi32, #tpu.memory_space<hbm>>
        tpu.enqueue_dma source(%arg12 : memref<4096xi32, #tpu.memory_space<vmem>>) target(%dma_start3A_316 : memref<4096xi32, #tpu.memory_space<hbm>>) target_semaphore(%arg20 : memref<!tpu.dma_semaphore, #tpu.memory_space<semaphore_mem>>)
        %dma_start3A_317 = tpu.memref_slice %arg4[%add3A_298] : memref<4194304xi32, #tpu.memory_space<hbm>> -> memref<4096xi32, #tpu.memory_space<hbm>>
        %dma_start3A_318 = tpu.memref_slice %arg4[%add3A_298] : memref<4194304xi32, #tpu.memory_space<hbm>> -> memref<4096xi32, #tpu.memory_space<hbm>>
        tpu.enqueue_dma source(%arg13 : memref<4096xi32, #tpu.memory_space<vmem>>) target(%dma_start3A_318 : memref<4096xi32, #tpu.memory_space<hbm>>) target_semaphore(%arg20 : memref<!tpu.dma_semaphore, #tpu.memory_space<semaphore_mem>>)
      } else {
      }
      %convert_element_type3A_305 = arith.extui %ge3A_260 : i1 to i32
      %cond3A_306 = arith.constant 0 : i32
      %cond3A_307 = arith.cmpi ne, %convert_element_type3A_305, %cond3A_306 : i32
      scf.if %cond3A_307 {
        %add3A_309 = arith.addi %gather3A_239, %shift_left3A_288 : vector<16xi32>
        %scan3A_310 = arith.constant 0 : i32
        %scan3A_311 = arith.constant 0 : i32
        %scan3A_312 = arith.constant 256 : i32
        %scan3A_313 = arith.addi %scan3A_311, %scan3A_312 : i32
        %scan3A_314 = arith.constant 2 : i32
        %scan3A_315 = scf.for %scan3A_320 = %scan3A_311 to %scan3A_313 step %scan3A_314 iter_args(%scan3A_321 = %scan3A_310) -> (i32)  : i32 {
          %mul3A_322 = arith.constant 16 : i32
          %mul3A_323 = arith.muli %scan3A_320, %mul3A_322 : i32
          %swap3A = arith.index_cast %mul3A_323 : i32 to index
          %swap3A_324 = tpu.vector_load %arg12[%swap3A] {strides = array<i32>} : memref<4096xi32, #tpu.memory_space<vmem>>, vector<16xi32>,
          tpu.vector_store %arg12[%swap3A], %add3A_309 {strides = array<i32>} : memref<4096xi32, #tpu.memory_space<vmem>>, vector<16xi32>,
          %scan3A_325 = arith.constant 0 : i32
          %scan3A_326 = arith.constant 1 : i32
          %scan3A_327 = arith.addi %scan3A_320, %scan3A_326 : i32
          %mul3A_328 = arith.constant 16 : i32
          %mul3A_329 = arith.muli %scan3A_327, %mul3A_328 : i32
          %swap3A_330 = arith.index_cast %mul3A_329 : i32 to index
          %swap3A_331 = tpu.vector_load %arg12[%swap3A_330] {strides = array<i32>} : memref<4096xi32, #tpu.memory_space<vmem>>, vector<16xi32>,
          tpu.vector_store %arg12[%swap3A_330], %add3A_309 {strides = array<i32>} : memref<4096xi32, #tpu.memory_space<vmem>>, vector<16xi32>,
          %scan3A_332 = arith.constant 0 : i32
          scf.yield %scan3A_332 : i32
        }
        %scan3A_316 = arith.constant 256 : i32
        %dma_start3A = tpu.memref_slice %arg3[%add3A_298] : memref<4194304xi32, #tpu.memory_space<hbm>> -> memref<4096xi32, #tpu.memory_space<hbm>>
        %dma_start3A_317 = tpu.memref_slice %arg3[%add3A_298] : memref<4194304xi32, #tpu.memory_space<hbm>> -> memref<4096xi32, #tpu.memory_space<hbm>>
        tpu.enqueue_dma source(%arg12 : memref<4096xi32, #tpu.memory_space<vmem>>) target(%dma_start3A_317 : memref<4096xi32, #tpu.memory_space<hbm>>) target_semaphore(%arg20 : memref<!tpu.dma_semaphore, #tpu.memory_space<semaphore_mem>>)
        %dma_start3A_318 = tpu.memref_slice %arg4[%add3A_298] : memref<4194304xi32, #tpu.memory_space<hbm>> -> memref<4096xi32, #tpu.memory_space<hbm>>
        %dma_start3A_319 = tpu.memref_slice %arg4[%add3A_298] : memref<4194304xi32, #tpu.memory_space<hbm>> -> memref<4096xi32, #tpu.memory_space<hbm>>
        tpu.enqueue_dma source(%arg12 : memref<4096xi32, #tpu.memory_space<vmem>>) target(%dma_start3A_319 : memref<4096xi32, #tpu.memory_space<hbm>>) target_semaphore(%arg20 : memref<!tpu.dma_semaphore, #tpu.memory_space<semaphore_mem>>)
      } else {
      }
      %scan3A_308 = arith.constant 0 : i32
      scf.yield %scan3A_308 : i32
    }
    %scan3A_25 = arith.constant 16 : i32
    %add3A_26 = arith.constant 75 : i32
    %add3A_27 = arith.addi %add3A, %add3A_26 : i32
    %and3A_28 = arith.constant 31 : i32
    %and3A_29 = arith.andi %add3A_27, %and3A_28 : i32
    %or3A = arith.constant 960 : i32
    %or3A_30 = arith.ori %or3A, %and3A_29 : i32
    %shift_right_arithmetic3A = arith.constant 6 : i32
    %shift_right_arithmetic3A_31 = arith.shrsi %or3A_30, %shift_right_arithmetic3A : i32
    %and3A_32 = arith.constant 63 : i32
    %and3A_33 = arith.andi %or3A_30, %and3A_32 : i32
    %mul3A_34 = arith.constant 4096 : i32
    %mul3A_35 = arith.muli %and3A_33, %mul3A_34 : i32
    %broadcast_in_dim3A_36 = vector.broadcast %shift_right_arithmetic3A_31 : i32 to vector<16xi32>
    %broadcast_in_dim3A_37 = vector.shape_cast %broadcast_in_dim3A_36 : vector<16xi32> to vector<16x1xi32>
    %gather3A_38 = vector.shape_cast %broadcast_in_dim3A_37 : vector<16x1xi32> to vector<16xi32>
    %gather3A_39 = tpu.dynamic_gather %select_n3A[%gather3A_38] in [0] : vector<16xi32>, vector<16xi32> -> vector<16xi32>
    %mul3A_40 = arith.muli %gather3A_39, %gather3A_39 : vector<16xi32>
    %reduce_max3A = arith.constant true
    %reduce_max3A_41 = vector.broadcast %reduce_max3A : i1 to vector<16xi1>
    %reduce_max3A_42 = arith.constant -2147483648 : i32
    %reduce_max3A_43 = vector.broadcast %reduce_max3A_42 : i32 to vector<16xi32>
    %reduce_max3A_44 = arith.xori %mul3A_40, %reduce_max3A_43 : vector<16xi32>
    %reduce_max3A_45 = tpu.scan <max>, %reduce_max3A_44 masked %reduce_max3A_41 : vector<16xi32>, vector<16xi1> -> vector<16xi32>
    %reduce_max3A_46 = arith.xori %reduce_max3A_45, %reduce_max3A_43 : vector<16xi32>
    %reduce_max3A_47 = vector.extract %reduce_max3A_46[15] : i32 from vector<16xi32>
    %shift_right_arithmetic3A_48 = arith.constant 1 : i32
    %shift_right_arithmetic3A_49 = arith.shrsi %reduce_max3A_47, %shift_right_arithmetic3A_48 : i32
    %shift_right_arithmetic3A_50 = arith.constant 12 : i32
    %shift_right_arithmetic3A_51 = arith.shrsi %shift_right_arithmetic3A_49, %shift_right_arithmetic3A_50 : i32
    %shift_left3A_52 = arith.constant 12 : i32
    %shift_left3A_53 = arith.shli %shift_right_arithmetic3A_51, %shift_left3A_52 : i32
    %and3A_54 = arith.constant 7 : i32
    %and3A_55 = arith.andi %reduce_max3A_47, %and3A_54 : i32
    %add3A_56 = arith.constant 4096 : i32
    %add3A_57 = arith.addi %mul3A_35, %add3A_56 : i32
    %le3A = arith.cmpi sle, %add3A_57, %shift_left3A_53 : i32
    %ge3A = arith.cmpi sge, %mul3A_35, %reduce_max3A_47 : i32
    %not3A = arith.constant true
    %not3A_58 = arith.xori %le3A, %not3A : i1
    %sub3A_59 = arith.subi %reduce_max3A_47, %shift_left3A_53 : i32
    %sub3A_60 = arith.subi %sub3A_59, %and3A_55 : i32
    %ge3A_61 = arith.cmpi sge, %mul3A_35, %sub3A_60 : i32
    %add3A_62 = arith.constant 4096 : i32
    %add3A_63 = arith.addi %mul3A_35, %add3A_62 : i32
    %sub3A_64 = arith.subi %reduce_max3A_47, %and3A_55 : i32
    %le3A_65 = arith.cmpi sle, %add3A_63, %sub3A_64 : i32
    %and3A_66 = arith.andi %ge3A_61, %le3A_65 : i1
    %and3A_67 = arith.andi %not3A_58, %and3A_66 : i1
    %not3A_68 = arith.constant true
    %not3A_69 = arith.xori %and3A_67, %not3A_68 : i1
    %convert_element_type3A = arith.extui %not3A_69 : i1 to i32
    %cond3A = arith.constant 0 : i32
    %cond3A_70 = arith.cmpi ne, %convert_element_type3A, %cond3A : i32
    scf.if %cond3A_70 {
      %dma_wait3A = arith.constant 0 : i32
      %dma_wait3A_131 = tpu.memref_slice %arg3[%dma_wait3A] : memref<4194304xi32, #tpu.memory_space<hbm>> -> memref<4096xi32, #tpu.memory_space<hbm>>
      %dma_wait3A_132 = arith.constant 0 : i32
      %dma_wait3A_133 = tpu.memref_slice %arg3[%dma_wait3A_132] : memref<4194304xi32, #tpu.memory_space<hbm>> -> memref<4096xi32, #tpu.memory_space<hbm>>
      tpu.wait_dma2 semaphore(%arg18 : memref<!tpu.dma_semaphore, #tpu.memory_space<semaphore_mem>>) src(%arg8 : memref<4096xi32, #tpu.memory_space<vmem>>) dst(%dma_wait3A_133 : memref<4096xi32, #tpu.memory_space<hbm>>)
      %dma_wait3A_134 = arith.constant 0 : i32
      %dma_wait3A_135 = tpu.memref_slice %arg4[%dma_wait3A_134] : memref<4194304xi32, #tpu.memory_space<hbm>> -> memref<4096xi32, #tpu.memory_space<hbm>>
      %dma_wait3A_136 = arith.constant 0 : i32
      %dma_wait3A_137 = tpu.memref_slice %arg4[%dma_wait3A_136] : memref<4194304xi32, #tpu.memory_space<hbm>> -> memref<4096xi32, #tpu.memory_space<hbm>>
      tpu.wait_dma2 semaphore(%arg18 : memref<!tpu.dma_semaphore, #tpu.memory_space<semaphore_mem>>) src(%arg9 : memref<4096xi32, #tpu.memory_space<vmem>>) dst(%dma_wait3A_137 : memref<4096xi32, #tpu.memory_space<hbm>>)
    } else {
    }
    %convert_element_type3A_71 = arith.extui %le3A : i1 to i32
    %cond3A_72 = arith.constant 0 : i32
    %cond3A_73 = arith.cmpi ne, %convert_element_type3A_71, %cond3A_72 : i32
    scf.if %cond3A_73 {
      %dma_wait3A = arith.constant 0 : i32
      %dma_wait3A_131 = tpu.memref_slice %arg3[%dma_wait3A] : memref<4194304xi32, #tpu.memory_space<hbm>> -> memref<4096xi32, #tpu.memory_space<hbm>>
      %dma_wait3A_132 = arith.constant 0 : i32
      %dma_wait3A_133 = tpu.memref_slice %arg3[%dma_wait3A_132] : memref<4194304xi32, #tpu.memory_space<hbm>> -> memref<4096xi32, #tpu.memory_space<hbm>>
      tpu.wait_dma2 semaphore(%arg19 : memref<!tpu.dma_semaphore, #tpu.memory_space<semaphore_mem>>) src(%arg10 : memref<4096xi32, #tpu.memory_space<vmem>>) dst(%dma_wait3A_133 : memref<4096xi32, #tpu.memory_space<hbm>>)
      %dma_wait3A_134 = arith.constant 0 : i32
      %dma_wait3A_135 = tpu.memref_slice %arg4[%dma_wait3A_134] : memref<4194304xi32, #tpu.memory_space<hbm>> -> memref<4096xi32, #tpu.memory_space<hbm>>
      %dma_wait3A_136 = arith.constant 0 : i32
      %dma_wait3A_137 = tpu.memref_slice %arg4[%dma_wait3A_136] : memref<4194304xi32, #tpu.memory_space<hbm>> -> memref<4096xi32, #tpu.memory_space<hbm>>
      tpu.wait_dma2 semaphore(%arg19 : memref<!tpu.dma_semaphore, #tpu.memory_space<semaphore_mem>>) src(%arg11 : memref<4096xi32, #tpu.memory_space<vmem>>) dst(%dma_wait3A_137 : memref<4096xi32, #tpu.memory_space<hbm>>)
    } else {
    }
    %add3A_74 = arith.constant 32 : i32
    %add3A_75 = arith.addi %or3A_30, %add3A_74 : i32
    %shift_right_arithmetic3A_76 = arith.constant 6 : i32
    %shift_right_arithmetic3A_77 = arith.shrsi %add3A_75, %shift_right_arithmetic3A_76 : i32
    %and3A_78 = arith.constant 63 : i32
    %and3A_79 = arith.andi %add3A_75, %and3A_78 : i32
    %mul3A_80 = arith.constant 4096 : i32
    %mul3A_81 = arith.muli %and3A_79, %mul3A_80 : i32
    %broadcast_in_dim3A_82 = vector.broadcast %shift_right_arithmetic3A_77 : i32 to vector<16xi32>
    %broadcast_in_dim3A_83 = vector.shape_cast %broadcast_in_dim3A_82 : vector<16xi32> to vector<16x1xi32>
    %gather3A_84 = vector.shape_cast %broadcast_in_dim3A_83 : vector<16x1xi32> to vector<16xi32>
    %gather3A_85 = tpu.dynamic_gather %select_n3A[%gather3A_84] in [0] : vector<16xi32>, vector<16xi32> -> vector<16xi32>
    %mul3A_86 = arith.muli %gather3A_85, %gather3A_85 : vector<16xi32>
    %reduce_max3A_87 = arith.constant true
    %reduce_max3A_88 = vector.broadcast %reduce_max3A_87 : i1 to vector<16xi1>
    %reduce_max3A_89 = arith.constant -2147483648 : i32
    %reduce_max3A_90 = vector.broadcast %reduce_max3A_89 : i32 to vector<16xi32>
    %reduce_max3A_91 = arith.xori %mul3A_86, %reduce_max3A_90 : vector<16xi32>
    %reduce_max3A_92 = tpu.scan <max>, %reduce_max3A_91 masked %reduce_max3A_88 : vector<16xi32>, vector<16xi1> -> vector<16xi32>
    %reduce_max3A_93 = arith.xori %reduce_max3A_92, %reduce_max3A_90 : vector<16xi32>
    %reduce_max3A_94 = vector.extract %reduce_max3A_93[15] : i32 from vector<16xi32>
    %shift_right_arithmetic3A_95 = arith.constant 1 : i32
    %shift_right_arithmetic3A_96 = arith.shrsi %reduce_max3A_94, %shift_right_arithmetic3A_95 : i32
    %shift_right_arithmetic3A_97 = arith.constant 12 : i32
    %shift_right_arithmetic3A_98 = arith.shrsi %shift_right_arithmetic3A_96, %shift_right_arithmetic3A_97 : i32
    %shift_left3A_99 = arith.constant 12 : i32
    %shift_left3A_100 = arith.shli %shift_right_arithmetic3A_98, %shift_left3A_99 : i32
    %and3A_101 = arith.constant 7 : i32
    %and3A_102 = arith.andi %reduce_max3A_94, %and3A_101 : i32
    %add3A_103 = arith.constant 4096 : i32
    %add3A_104 = arith.addi %mul3A_81, %add3A_103 : i32
    %le3A_105 = arith.cmpi sle, %add3A_104, %shift_left3A_100 : i32
    %ge3A_106 = arith.cmpi sge, %mul3A_81, %reduce_max3A_94 : i32
    %not3A_107 = arith.constant true
    %not3A_108 = arith.xori %le3A_105, %not3A_107 : i1
    %sub3A_109 = arith.subi %reduce_max3A_94, %shift_left3A_100 : i32
    %sub3A_110 = arith.subi %sub3A_109, %and3A_102 : i32
    %ge3A_111 = arith.cmpi sge, %mul3A_81, %sub3A_110 : i32
    %add3A_112 = arith.constant 4096 : i32
    %add3A_113 = arith.addi %mul3A_81, %add3A_112 : i32
    %sub3A_114 = arith.subi %reduce_max3A_94, %and3A_102 : i32
    %le3A_115 = arith.cmpi sle, %add3A_113, %sub3A_114 : i32
    %and3A_116 = arith.andi %ge3A_111, %le3A_115 : i1
    %and3A_117 = arith.andi %not3A_108, %and3A_116 : i1
    %not3A_118 = arith.constant true
    %not3A_119 = arith.xori %and3A_117, %not3A_118 : i1
    %convert_element_type3A_120 = arith.extui %not3A_119 : i1 to i32
    %cond3A_121 = arith.constant 0 : i32
    %cond3A_122 = arith.cmpi ne, %convert_element_type3A_120, %cond3A_121 : i32
    scf.if %cond3A_122 {
      %dma_wait3A = arith.constant 0 : i32
      %dma_wait3A_131 = tpu.memref_slice %arg3[%dma_wait3A] : memref<4194304xi32, #tpu.memory_space<hbm>> -> memref<4096xi32, #tpu.memory_space<hbm>>
      %dma_wait3A_132 = arith.constant 0 : i32
      %dma_wait3A_133 = tpu.memref_slice %arg3[%dma_wait3A_132] : memref<4194304xi32, #tpu.memory_space<hbm>> -> memref<4096xi32, #tpu.memory_space<hbm>>
      tpu.wait_dma2 semaphore(%arg20 : memref<!tpu.dma_semaphore, #tpu.memory_space<semaphore_mem>>) src(%arg12 : memref<4096xi32, #tpu.memory_space<vmem>>) dst(%dma_wait3A_133 : memref<4096xi32, #tpu.memory_space<hbm>>)
      %dma_wait3A_134 = arith.constant 0 : i32
      %dma_wait3A_135 = tpu.memref_slice %arg4[%dma_wait3A_134] : memref<4194304xi32, #tpu.memory_space<hbm>> -> memref<4096xi32, #tpu.memory_space<hbm>>
      %dma_wait3A_136 = arith.constant 0 : i32
      %dma_wait3A_137 = tpu.memref_slice %arg4[%dma_wait3A_136] : memref<4194304xi32, #tpu.memory_space<hbm>> -> memref<4096xi32, #tpu.memory_space<hbm>>
      tpu.wait_dma2 semaphore(%arg20 : memref<!tpu.dma_semaphore, #tpu.memory_space<semaphore_mem>>) src(%arg13 : memref<4096xi32, #tpu.memory_space<vmem>>) dst(%dma_wait3A_137 : memref<4096xi32, #tpu.memory_space<hbm>>)
    } else {
    }
    %convert_element_type3A_123 = arith.extui %le3A_105 : i1 to i32
    %cond3A_124 = arith.constant 0 : i32
    %cond3A_125 = arith.cmpi ne, %convert_element_type3A_123, %cond3A_124 : i32
    scf.if %cond3A_125 {
      %dma_wait3A = arith.constant 0 : i32
      %dma_wait3A_131 = tpu.memref_slice %arg3[%dma_wait3A] : memref<4194304xi32, #tpu.memory_space<hbm>> -> memref<4096xi32, #tpu.memory_space<hbm>>
      %dma_wait3A_132 = arith.constant 0 : i32
      %dma_wait3A_133 = tpu.memref_slice %arg3[%dma_wait3A_132] : memref<4194304xi32, #tpu.memory_space<hbm>> -> memref<4096xi32, #tpu.memory_space<hbm>>
      tpu.wait_dma2 semaphore(%arg21 : memref<!tpu.dma_semaphore, #tpu.memory_space<semaphore_mem>>) src(%arg14 : memref<4096xi32, #tpu.memory_space<vmem>>) dst(%dma_wait3A_133 : memref<4096xi32, #tpu.memory_space<hbm>>)
      %dma_wait3A_134 = arith.constant 0 : i32
      %dma_wait3A_135 = tpu.memref_slice %arg4[%dma_wait3A_134] : memref<4194304xi32, #tpu.memory_space<hbm>> -> memref<4096xi32, #tpu.memory_space<hbm>>
      %dma_wait3A_136 = arith.constant 0 : i32
      %dma_wait3A_137 = tpu.memref_slice %arg4[%dma_wait3A_136] : memref<4194304xi32, #tpu.memory_space<hbm>> -> memref<4096xi32, #tpu.memory_space<hbm>>
      tpu.wait_dma2 semaphore(%arg21 : memref<!tpu.dma_semaphore, #tpu.memory_space<semaphore_mem>>) src(%arg15 : memref<4096xi32, #tpu.memory_space<vmem>>) dst(%dma_wait3A_137 : memref<4096xi32, #tpu.memory_space<hbm>>)
    } else {
    }
    %lt3A_126 = arith.constant 2 : i32
    %lt3A_127 = arith.cmpi slt, %add3A, %lt3A_126 : i32
    %convert_element_type3A_128 = arith.extui %lt3A_127 : i1 to i32
    %cond3A_129 = arith.constant 0 : i32
    %cond3A_130 = arith.cmpi ne, %convert_element_type3A_128, %cond3A_129 : i32
    scf.if %cond3A_130 {
      %broadcast_in_dim3A_131 = vector.broadcast %add3A : i32 to vector<16xi32>
      %eq3A = arith.constant 0 : i32
      %eq3A_132 = vector.broadcast %eq3A : i32 to vector<16xi32>
      %eq3A_133 = arith.cmpi eq, %broadcast_in_dim3A_131, %eq3A_132 : vector<16xi32>
      %select_n3A_134 = arith.select %eq3A_133, %get3A_3, %get3A_5 : vector<16xi1>, vector<16xi32>
      %shift_right_arithmetic3A_135 = arith.constant 1 : i32
      %shift_right_arithmetic3A_136 = vector.broadcast %shift_right_arithmetic3A_135 : i32 to vector<16xi32>
      %shift_right_arithmetic3A_137 = arith.shrsi %iota3A, %shift_right_arithmetic3A_136 : vector<16xi32>
      %shift_left3A_138 = arith.constant 1 : i32
      %shift_left3A_139 = vector.broadcast %shift_left3A_138 : i32 to vector<16xi32>
      %shift_left3A_140 = arith.shli %shift_right_arithmetic3A_137, %shift_left3A_139 : vector<16xi32>
      %broadcast_in_dim3A_141 = vector.shape_cast %shift_left3A_140 : vector<16xi32> to vector<16x1xi32>
      %gather3A_142 = vector.shape_cast %broadcast_in_dim3A_141 : vector<16x1xi32> to vector<16xi32>
      %gather3A_143 = tpu.dynamic_gather %select_n3A_134[%gather3A_142] in [0] : vector<16xi32>, vector<16xi32> -> vector<16xi32>
      %and3A_144 = arith.constant 1 : i32
      %and3A_145 = vector.broadcast %and3A_144 : i32 to vector<16xi32>
      %and3A_146 = arith.andi %iota3A, %and3A_145 : vector<16xi32>
      %eq3A_147 = arith.constant 0 : i32
      %eq3A_148 = vector.broadcast %eq3A_147 : i32 to vector<16xi32>
      %eq3A_149 = arith.cmpi eq, %and3A_146, %eq3A_148 : vector<16xi32>
      %sub3A_150 = arith.constant 512 : i32
      %sub3A_151 = vector.broadcast %sub3A_150 : i32 to vector<16xi32>
      %sub3A_152 = arith.subi %sub3A_151, %gather3A_143 : vector<16xi32>
      %select_n3A_153 = arith.select %eq3A_149, %gather3A_143, %sub3A_152 : vector<16xi1>, vector<16xi32>
      %swap3A = arith.constant 0 : index
      %swap3A_154 = tpu.vector_load %arg16[%swap3A] {strides = array<i32>} : memref<16xi32, #tpu.memory_space<vmem>>, vector<16xi32>,
      tpu.vector_store %arg16[%swap3A], %select_n3A_153 {strides = array<i32>} : memref<16xi32, #tpu.memory_space<vmem>>, vector<16xi32>,
      %mul3A_155 = arith.muli %gather3A_143, %gather3A_143 : vector<16xi32>
      %mul3A_156 = arith.muli %gather3A_143, %gather3A_143 : vector<16xi32>
      %sub3A_157 = arith.constant 262144 : i32
      %sub3A_158 = vector.broadcast %sub3A_157 : i32 to vector<16xi32>
      %sub3A_159 = arith.subi %sub3A_158, %mul3A_156 : vector<16xi32>
      %select_n3A_160 = arith.select %eq3A_149, %mul3A_155, %sub3A_159 : vector<16xi1>, vector<16xi32>
      %swap3A_161 = arith.constant 0 : index
      %swap3A_162 = tpu.vector_load %arg17[%swap3A_161] {strides = array<i32>} : memref<16xi32, #tpu.memory_space<vmem>>, vector<16xi32>,
      tpu.vector_store %arg17[%swap3A_161], %select_n3A_160 {strides = array<i32>} : memref<16xi32, #tpu.memory_space<vmem>>, vector<16xi32>,
      %mul3A_163 = arith.constant 16 : i32
      %mul3A_164 = arith.muli %add3A, %mul3A_163 : i32
      "tpu.region"() ({
        %run_scoped3A = tpu.sem_alloc : memref<!tpu.dma_semaphore, #tpu.memory_space<semaphore_mem>>
        %dma_start3A = tpu.memref_slice %arg6[%mul3A_164] : memref<32xi32, #tpu.memory_space<hbm>> -> memref<16xi32, #tpu.memory_space<hbm>>
        %dma_start3A_167 = tpu.memref_slice %arg6[%mul3A_164] : memref<32xi32, #tpu.memory_space<hbm>> -> memref<16xi32, #tpu.memory_space<hbm>>
        tpu.enqueue_dma source(%arg16 : memref<16xi32, #tpu.memory_space<vmem>>) target(%dma_start3A_167 : memref<16xi32, #tpu.memory_space<hbm>>) target_semaphore(%run_scoped3A : memref<!tpu.dma_semaphore, #tpu.memory_space<semaphore_mem>>)
        %dma_wait3A = tpu.memref_slice %arg6[%mul3A_164] : memref<32xi32, #tpu.memory_space<hbm>> -> memref<16xi32, #tpu.memory_space<hbm>>
        %dma_wait3A_168 = tpu.memref_slice %arg6[%mul3A_164] : memref<32xi32, #tpu.memory_space<hbm>> -> memref<16xi32, #tpu.memory_space<hbm>>
        tpu.wait_dma2 semaphore(%run_scoped3A : memref<!tpu.dma_semaphore, #tpu.memory_space<semaphore_mem>>) src(%arg16 : memref<16xi32, #tpu.memory_space<vmem>>) dst(%dma_wait3A_168 : memref<16xi32, #tpu.memory_space<hbm>>)
        tpu.yield
      }) : () -> ()
      %mul3A_165 = arith.constant 16 : i32
      %mul3A_166 = arith.muli %add3A, %mul3A_165 : i32
      "tpu.region"() ({
        %run_scoped3A = tpu.sem_alloc : memref<!tpu.dma_semaphore, #tpu.memory_space<semaphore_mem>>
        %dma_start3A = tpu.memref_slice %arg5[%mul3A_166] : memref<32xi32, #tpu.memory_space<hbm>> -> memref<16xi32, #tpu.memory_space<hbm>>
        %dma_start3A_167 = tpu.memref_slice %arg5[%mul3A_166] : memref<32xi32, #tpu.memory_space<hbm>> -> memref<16xi32, #tpu.memory_space<hbm>>
        tpu.enqueue_dma source(%arg17 : memref<16xi32, #tpu.memory_space<vmem>>) target(%dma_start3A_167 : memref<16xi32, #tpu.memory_space<hbm>>) target_semaphore(%run_scoped3A : memref<!tpu.dma_semaphore, #tpu.memory_space<semaphore_mem>>)
        %dma_wait3A = tpu.memref_slice %arg5[%mul3A_166] : memref<32xi32, #tpu.memory_space<hbm>> -> memref<16xi32, #tpu.memory_space<hbm>>
        %dma_wait3A_168 = tpu.memref_slice %arg5[%mul3A_166] : memref<32xi32, #tpu.memory_space<hbm>> -> memref<16xi32, #tpu.memory_space<hbm>>
        tpu.wait_dma2 semaphore(%run_scoped3A : memref<!tpu.dma_semaphore, #tpu.memory_space<semaphore_mem>>) src(%arg17 : memref<16xi32, #tpu.memory_space<vmem>>) dst(%dma_wait3A_168 : memref<16xi32, #tpu.memory_space<hbm>>)
        tpu.yield
      }) : () -> ()
    } else {
    }
    return
  }
}

</mosaic_0001>

<sc_bundles>
// kernel: kernel.3.cloned.1.call-start
scs
__scs_entry_jumppad:
0x0: {  	(pc) =	sbr.rel $0x88, $3  }
0x1: {  	(tag) =	ssettag $0x0;
	lr =	simm.s32 $0x1  }
0x2: {  	[smem:$0x3FA0] =	sst lr;
	_ =	strace $0xD0000000  }
0x3: {  	_ = 	snop  }
0x4: {  	_ = 	snop  }
0x5: {  	_ = 	snop  }
0x6: {  	_ = 	snop  }
0x7: {  	_ = 	snop  }
__scs_overlays_trampoline_lowered:
0x8: {  	[smem:$0x3FAF] =	sst s0  }
0x9: {  	[smem:$0x3FB0] =	sst s1  }
0xa: {  	[smem:$0x3FB1] =	sst s2  }
0xb: {  	[smem:$0x3FB2] =	sst s3  }
0xc: {  	[smem:$0x3FB3] =	sst s4  }
0xd: {  	[smem:$0x3FB4] =	sst s5  }
0xe: {  	[smem:$0x3FB5] =	sst s6  }
0xf: {  	[smem:$0x3FB6] =	sst s7  }
0x10: {  	[smem:$0x3FB7] =	sst s8  }
0x11: {  	[smem:$0x3FB8] =	sst s9;
	s0 =	simm.s32 @!p0 $0x0  }
0x12: {  	s1 =	sld [smem:$0x3F9E];
	s0 =	simm.s32 @p0 $0x1  }
0x13: {  	[smem:$0x3FB9] =	sst s0;
	s0 =	simm.s32 @!p1 $0x0  }
0x14: {  	s2 =	sld [smem:$0x3F9D];
	s0 =	simm.s32 @p1 $0x1  }
0x15: {  	[smem:$0x3FBA] =	sst s0;
	s0 =	simm.s32 @!p2 $0x0  }
0x16: {  	s3 =	sld [smem:$0x3FDB];
	s0 =	simm.s32 @p2 $0x1  }
0x17: {  	s4 =	simm.s32 $0x1BF5;
	[smem:$0x3FBC] =	sst s0  }
0x18: {  	s0 =	sld [smem:$0x3F9F];
	_ =	swait.ge [sflag:s4], $0x0  }
0x19: {  	s7 =	sld [smem:$0x3FA0]  }
0x1a: {  	s8 =	sadd.s32 $0xFFFFE003, lr  }
0x1b: {  	s9 =	sadd.s32 $0xFFFFFEF7, lr;
	s5 =	simm.s32 $0xFFFFFFFF;
	p2 =	slt.u32 s8, $0xFFFFF086  }
0x1c: {  	p1 =	slt.u32 s9, $0xF7A;
	s5 =	simm.s32 @!p2 $0x0  }
0x1d: {  	s5 =	simm.s32 @p1 $0x1;
	p0 =	seq.s32 s7, s2  }
0x1e: {  	s7 =	smul.u32 @!p0 $0xF7A, s2;
	p2 =	seq.s32 @!p0 s5, $0x0  }
0x1f: {  	s9 =	smul.u32 $0xF7A, s1;
	s8 =	simm.s32 @!p0 $0x1BF5;
	p2 =	por !p2, p0  }
0x20: {  	[sflag:s8] =	ssyncset.s32 @!p0 $0xFFFFF086;
	s6 =	sadd.s32 @!p0 s3, s7;
	s7 =	simm.s32 @!p0 $0x108  }
0x21: {  	s3 =	sadd.s32 s3, s9;
	s6 =	sadd.s32 @!p0 $0x88, s6;
	s7 =	simm.s32 @p2 $0x1082  }
0x22: {  	[simem:s7], [sflag:s8] =	dma.local @!p0 [hbm:s6], $0xF7A  }
0x23: {  	s9 =	sor.u32 $0xD0000000, s2;
	s6 =	simm.s32 $0x108;
	_ =	swait.ge @!p0 [sflag:s8], $0x0  }
0x24: {  	s3 =	sadd.s32 $0x88, s3;
	s6 =	simm.s32 @!p1 $0x1082;
	[sflag:s4] =	ssyncset.s32 $0xFFFFF086  }
0x25: {  	[simem:s6], [sflag:s4] =	dma.local [hbm:s3], $0xF7A  }
0x26: {  	[smem:$0x3FA0] =	sst s1;
	(tag) =	ssettag s2;
	_ =	strace s9  }
0x27: {  	s1 =	sld [smem:$0x3FB0]  }
0x28: {  	s2 =	sld [smem:$0x3FB1]  }
0x29: {  	s4 =	sld [smem:$0x3FB3]  }
0x2a: {  	p0 =	seq.s32 s5, $0x0;
	s5 =	sld [smem:$0x3FB4]  }
0x2b: {  	s6 =	sld [smem:$0x3FB5]  }
0x2c: {  	s7 =	sld [smem:$0x3FB6]  }
0x2d: {  	s3 =	simm.s32 $0x108;
	s8 =	sld [smem:$0x3FB7]  }
0x2e: {  	s3 =	simm.s32 @!p0 $0x1082;
	s9 =	sld [smem:$0x3FB8]  }
0x2f: {  	lr =	sadd.s32 s0, s3;
	s0 =	sld [smem:$0x3FAF]  }
0x30: {  	s3 =	sld [smem:$0x3FB2]  }
0x31: {  	[smem:$0x3FBB] =	sst s10  }
0x32: {  	s10 =	sld [smem:$0x3FB9];
	_ =	sdelay $0x3  }
0x33: {  	p0 =	seq.s32 s10, $0x1;
	s10 =	sld [smem:$0x3FBB];
	_ =	sdelay $0x3  }
0x34: {  	[smem:$0x3FBB] =	sst s10  }
0x35: {  	s10 =	sld [smem:$0x3FBA];
	_ =	sdelay $0x3  }
0x36: {  	p1 =	seq.s32 s10, $0x1;
	s10 =	sld [smem:$0x3FBB];
	_ =	sdelay $0x3  }
0x37: {  	[smem:$0x3FBB] =	sst s10  }
0x38: {  	s10 =	sld [smem:$0x3FBC]  }
0x39: {  	_ = 	snop;
	(pc) =	sbr.ind lr, $3  }
0x3a: {  	_ = 	snop  }
0x3b: {  	_ = 	snop  }
0x3c: {  	p2 =	seq.s32 s10, $0x1;
	s10 =	sld [smem:$0x3FBB]  }
0x3d: {  	_ =	shalt  }
0x3e: {  	_ =	shalt  }
0x3f: {  	_ =	shalt  }
0x40: {  	_ =	shalt  }
0x41: {  	_ =	shalt  }
0x42: {  	_ =	shalt  }
0x43: {  	_ =	shalt  }
0x44: {  	_ =	shalt  }
0x45: {  	_ =	shalt  }
0x46: {  	_ =	shalt  }
0x47: {  	_ =	shalt  }
0x48: {  	_ =	shalt  }
0x49: {  	_ =	shalt  }
0x4a: {  	_ =	shalt  }
0x4b: {  	_ =	shalt  }
0x4c: {  	_ =	shalt  }
0x4d: {  	_ =	shalt  }
0x4e: {  	_ =	shalt  }
0x4f: {  	_ =	shalt  }
0x50: {  	_ =	shalt  }
0x51: {  	_ =	shalt  }
0x52: {  	_ =	shalt  }
0x53: {  	_ =	shalt  }
0x54: {  	_ =	shalt  }
0x55: {  	_ =	shalt  }
0x56: {  	_ =	shalt  }
0x57: {  	_ =	shalt  }
0x58: {  	_ =	shalt  }
0x59: {  	_ =	shalt  }
0x5a: {  	_ =	shalt  }
0x5b: {  	_ =	shalt  }
0x5c: {  	_ =	shalt  }
0x5d: {  	_ =	shalt  }
0x5e: {  	_ =	shalt  }
0x5f: {  	_ =	shalt  }
0x60: {  	_ =	shalt  }
0x61: {  	_ =	shalt  }
0x62: {  	_ =	shalt  }
0x63: {  	_ =	shalt  }
0x64: {  	_ =	shalt  }
0x65: {  	_ =	shalt  }
0x66: {  	_ =	shalt  }
0x67: {  	_ =	shalt  }
0x68: {  	_ =	shalt  }
0x69: {  	_ =	shalt  }
0x6a: {  	_ =	shalt  }
0x6b: {  	_ =	shalt  }
0x6c: {  	_ =	shalt  }
0x6d: {  	_ =	shalt  }
0x6e: {  	_ =	shalt  }
0x6f: {  	_ =	shalt  }
0x70: {  	_ =	shalt  }
0x71: {  	_ =	shalt  }
0x72: {  	_ =	shalt  }
0x73: {  	_ =	shalt  }
0x74: {  	_ =	shalt  }
0x75: {  	_ =	shalt  }
0x76: {  	_ =	shalt  }
0x77: {  	_ =	shalt  }
0x78: {  	_ =	shalt  }
0x79: {  	_ =	shalt  }
0x7a: {  	_ =	shalt  }
0x7b: {  	_ =	shalt  }
0x7c: {  	_ =	shalt  }
0x7d: {  	_ =	shalt  }
0x7e: {  	_ =	shalt  }
0x7f: {  	_ =	shalt  }
0x80: {  	_ =	shalt  }
0x81: {  	_ =	shalt  }
0x82: {  	_ =	shalt  }
0x83: {  	_ =	shalt  }
0x84: {  	_ =	shalt  }
0x85: {  	_ =	shalt  }
0x86: {  	_ =	shalt  }
0x87: {  	_ =	shalt  }
.Lfunc_end0:
.L_simem_size_0:
called_computation_lowered:
.L_overlay_start_0:
0x88: {  	s2 =	sld [smem:$0x3FD9]  }
0x89: {  	s3 =	sld [smem:$0x3FFE];
	_ =	sdelay $0x1  }
0x8a: {  	s1 =	srdreg.scid  }
0x8b: {  	s0 =	sand.u32 $0x1, s1  }
0x8c: {  	s14 =	sshll.u32 s0, $0xA;
	s2 =	sadd.s32 s3, s2  }
0x8d: {  	s2 =	sadd.s32 s2, s14  }
0x8e: {  	[smem:$0x3FC7] =	sst s2  }
0x8f: {  	_ = 	snop  }
0x90: {  	s2 =	sld [smem:$0x3FD0];
	_ =	sdelay $0x2  }
0x91: {  	s15 =	simm.s32 $0xA;
	s4 =	simm.s32 $0x10  }
0x92: {  	[smem:s4], [sflag:s15] =	dma.local [hbm:s2], $0x1  }
0x93: {  	_ =	swait.eq [sflag:s15], $0x1  }
0x94: {  	s16 =	sld [smem:$0x10]  }
0x95: {  	s17 =	sld [smem:$0x11];
	[sflag:s15] =	ssyncset.done $0x0  }
0x96: {  	s5 =	sld [smem:$0x12];
	[sflag:s15] =	ssyncadd.s32 $0xFFFFFFFF  }
0x97: {  	s18 =	sld [smem:$0x13];
	(tm) =	ssettm $0x1  }
0x98: {  	s6 =	sld [smem:$0x3FFB];
	_ =	sdelay $0x3  }
0x99: {  	_ =	strace s6  }
0x9a: {  	s6 =	sld [smem:$0x3FFC];
	_ =	sdelay $0x3  }
0x9b: {  	_ =	strace s6  }
0x9c: {  	s6 =	sld [smem:$0x3FFD];
	_ =	sdelay $0x3  }
0x9d: {  	_ =	strace s6  }
0x9e: {  	_ =	strace $0x8FFFFFFF  }
0x9f: {  	s19 =	sld [smem:$0x3FDB];
	_ =	sdelay $0x1  }
0xa0: {  	s7 =	simm.s32 $_scs_section_size  }
0xa1: {  	s8 =	simm.s32 $_size__tile_overlayer_lowered;
	s9 =	simm.s32 $_tile_overlayer_lowered  }
0xa2: {  	s22 =	simm.s32 $0x1BFF;
	s21 =	sshll.u32 s9, $0x1;
	s6 =	sadd.s32 s7, s19  }
0xa3: {  	s10 =	simm.s32 $0x0;
	s20 =	sshll.u32 s8, $0x1;
	s8 =	sadd.s32 s21, s6  }
0xa4: {  	[timem:s10], [sflag:s22] =	dma.local [hbm:s8], s20  }
0xa5: {  	_ =	swait.ge [sflag:s22], s20  }
0xa6: {  	s7 =	ssub.s32 $0x0, s20;
	[sflag:s22] =	ssyncset.done $0x0  }
0xa7: {  	[sflag:s22] =	ssyncadd.s32 s7;
	_ =	sdelay $0x1  }
0xa8: {  	s23 =	simm.s32 $0x1B8B  }
0xa9: {  	_ =	swait.ge [sflag:s23], $0x1  }
0xaa: {  	[sflag:s23] =	ssyncset.done $0x0  }
0xab: {  	s25 =	simm.s32 $0x1B8E;
	s24 =	sld [smem:$0x3FFE];
	[sflag:s23] =	ssyncadd.s32 $0xFFFFFFFF  }
0xac: {  	s26 =	simm.s32 $execute0_lowered;
	[smem:$0x3FD2] =	sst s25  }
0xad: {  	s8 =	sshll.u32 s26, $0x1;
	_ =	strace $0x80000046;
	[dreg:$0x1] =	wrdreg $0xFFFFFFFF  }
0xae: {  	s28 =	simm.s32 $_size_execute0_lowered;
	s6 =	sadd.s32 s6, s8;
	[dreg:$0x0] =	wrdreg $0x0  }
0xaf: {  	s8 =	sshll.u32 s28, $0x1;
	[dreg:$0x2] =	wrdreg s6  }
0xb0: {  	[dreg:$0x3] =	wrdreg s8  }
0xb1: {  	[dreg:$0x4] =	wrdreg $0xC0  }
0xb2: {  	_ =	task [dreg:s10], $0x5FFFF  }
0xb3: {  	[dreg:$0x1] =	wrdreg $0xFFFFFFFF  }
0xb4: {  	[dreg:$0x0] =	wrdreg $0x60  }
0xb5: {  	[dreg:$0x2] =	wrdreg s24  }
0xb6: {  	[dreg:$0x3] =	wrdreg s16  }
0xb7: {  	[dreg:$0x4] =	wrdreg s17  }
0xb8: {  	[dreg:$0x5] =	wrdreg s5  }
0xb9: {  	[dreg:$0x6] =	wrdreg s18  }
0xba: {  	[dreg:$0x7] =	wrdreg $0x9  }
0xbb: {  	_ =	task.clear_ibuf [dreg:s10], $0x8FFFF;
	_ =	strace $0x90000046  }
0xbc: {  	s29 =	simm.s32 $0x9;
	_ =	strace $0x80000048  }
0xbd: {  	_ =	swait.ge [sflag:s29], $0x1  }
0xbe: {  	[sflag:s29] =	ssyncadd.s32 $0xFFFFFFFF  }
0xbf: {  	_ =	strace $0x90000048  }
0xc0: {  	_ =	sfence  }
0xc1: {  	s30 =	sld [smem:$0x0];
	_ =	sdelay $0x2  }
0xc2: {  	s31 =	sshll.u32 s1, $0xD;
	s1 =	sshrl.u32 s1, $0x2  }
0xc3: {  	s3 =	sand.u32 $0x4000, s31;
	s1 =	sadd.s32 s1, s30  }
0xc4: {  	s0 =	sor.u32 s3, s0;
	s1 =	sshll.u32 s1, $0x11  }
0xc5: {  	s0 =	sor.u32 s1, s0  }
0xc6: {  	s0 =	sadd.s32 $0x8F2B, s0  }
0xc7: {  	[sflag:s0] =	ssyncadd.remote.s32 $0x1  }
0xc8: {  	_ =	sfence.sel $0xFFFF  }
0xc9: {  	[dreg:$0x0] =	wrdreg $0xFFFFFFFF;
	(pc) =	sbr.abs _section_cstart, $3  }
0xca: {  	[dreg:$0x1] =	wrdreg $0xFFFFFFFF  }
0xcb: {  	_ =	task.clear_ibuf [dreg:s10], $0x2FFFF;
	_ =	strace $0x9FFFFFFF  }
0xcc: {  	(tm) =	ssettm $0x7FFFFFFF  }
0xcd: {  	_ =	shalt  }
tec
execute0_lowered:
.L_overlay_start_1:
0x0: {  	(tag) =	ssettag $0x1  }
0x1: {  	s2 =	rddreg [dreg:$0x0]  }
0x2: {  	s0 =	rddreg [dreg:$0x1]  }
0x3: {  	s1 =	rddreg [dreg:$0x2]  }
0x4: {  	s5 =	rddreg [dreg:$0x3];
	s3 =	srdreg.scid  }
0x5: {  	s6 =	stileid.u32;
	s7 =	rddreg [dreg:$0x4];
	s15 =	simm.s32 $0x80  }
0x6: {  	s16 =	simm.s32 $0x1080;
	s19 =	simm.s32 $0x4080;
	s20 =	simm.s32 $0x5080  }
0x7: {  	s22 =	simm.s32 $0x3;
	s8 =	sand.u32 $0x1, s3;
	s4 =	sshll.u32 s6, $0x1  }
0x8: {  	s3 =	simm.s32 $0x0;
	s2 =	sadd.s32 $0x600, s2;
	s30 =	sshll.u32 s6, $0xD  }
0x9: {  	s4 =	sor.u32 s8, s4;
	[smem:$0x7FF] =	sst s3;
	s10 =	ssub.s32 $0x2, s8  }
0xa: {  	s29 =	sshll.u32 s8, $0x1;
	s9 =	sshll.u32 s4, $0xC;
	_ =	strace $0x80000047  }
0xb: {  	[dreg:$0x6] =	wrdreg s2;
	s25 =	sshrl.u32 s10, $0x1;
	s7 =	sadd.s32 s7, s29  }
0xc: {  	s5 =	sadd.s32 s5, s29;
	s2 =	ssub.s32 s10, s25;
	[dreg:$0xb] =	wrdreg s7  }
0xd: {  	s9 =	sadd.s32 $0xB000, s9;
	[dreg:$0xc] =	wrdreg s5;
	s2 =	smax.u32 s2, $0x1  }
0xe: {  	s8 =	sshll.u32 s8, $0xC;
	s11 =	sand.u32 $0x1F000, s9;
	[dreg:$0xd] =	wrdreg s2  }
.Ltmp0:
0xf: {  	s9 =	sadd.s32 $0x1000, s11;
	[dreg:$0x7] =	wrdreg s11;
	(pc) =	sbr.rel .LBB2_1-.Ltmp0, $4  }
0x10: {  	s31 =	sor.u32 s8, s30;
	s26 =	sor.u32 $0x20000, s11;
	[dreg:$0x8] =	wrdreg s9  }
0x11: {  	v0 =	vlaneseq.u32;
	p0 =	sne.s32 s6, $0x0;
	s2 =	sshrl.u32 s31, $0xC;
	[dreg:$0x9] =	wrdreg s26  }
0x12: {  	vm0 =	vmmov $0xff;
	v3 =	vimm.s32 $0x0;
	v1 =	vand.u32 $0x7, v0;
	p1 =	seq.s32 s4, $0x0;
	s28 =	sadd.s32 $0x21000, s11;
	[dreg:$0xe] =	wrdreg s2  }
0x13: {  	v4 =	vimm.s32 $0xF;
	v2 =	vmul.u32 $0xFFFFFFFF, v0;
	v1 =	vmul.u32 $0x2, v1;
	s8 =	simm.s32 $0x0;
	p1 =	por !p1, p0;
	[dreg:$0xa] =	wrdreg s28  }
.LBB2_31:
0x14: {  	v7 =	vperm.xlane v7, v4;
	_ =	sdelay $0x1  }
0x15: {  	v7 =	vmul.u32 v7, v7;
	_ =	sdelay $0x1  }
0x16: {  	v7 =	vxor.u32 $0x80000000, v7  }
0x17: {  	(xrf0) =	vmax.scan.msk.u32 $0xffff, v7;
	_ =	sdelay $0x5  }
0x18: {  	v7, _, _ =	vpop (xrf0)  }
0x19: {  	(v2sf) =	vpush v7, $0xF;
	_ =	sdelay $0xe  }
0x1a: {  	s5 =	spop (v2sf)  }
0x1b: {  	s7 =	sxor.u32 $0x80000000, s5  }
0x1c: {  	s2 =	sshra.s32 s7, $0x1  }
0x1d: {  	s11 =	rddreg [dreg:$0x7];
	s5 =	sand.u32 $0x7, s5;
	s2 =	sand.u32 $0xFFFFF000, s2  }
0x1e: {  	s8 =	rddreg [dreg:$0x8];
	s6 =	ssub.s32 s7, s5;
	p2 =	slt.s32 s11, s2  }
0x1f: {  	s5 =	sor.u32 s5, s2;
	p3 =	sgt.s32 @!p2 s8, s6  }
0x20: {  	s5 =	ssub.s32 s7, s5;
	p2 =	por p2, p3  }
0x21: {  	p3 =	sge.s32 @!p2 s11, s5  }
0x22: {  	p2 =	por p2, !p3  }
0x23: {  	s7 =	simm.s32 @p2 $0x1  }
0x24: {  	_ =	swait.ge @p2 [sflag:s7], $0x1000  }
0x25: {  	[sflag:s7] =	ssyncset.done @p2 $0x0  }
0x26: {  	[sflag:s7] =	ssyncadd.s32 @p2 $0xFFFFF000  }
0x27: {  	_ =	swait.ge @p2 [sflag:s7], $0x1000  }
0x28: {  	[sflag:s7] =	ssyncset.done @p2 $0x0  }
0x29: {  	[sflag:s7] =	ssyncadd.s32 @p2 $0xFFFFF000;
	p2 =	sge.s32 s11, s2  }
0x2a: {  	s7 =	simm.s32 @!p2 $0x2  }
0x2b: {  	_ =	swait.ge @!p2 [sflag:s7], $0x1000  }
0x2c: {  	s10 =	rddreg [dreg:$0xa];
	[sflag:s7] =	ssyncset.done @!p2 $0x0  }
0x2d: {  	p3 =	sle.s32 s10, s2;
	[sflag:s7] =	ssyncadd.s32 @!p2 $0xFFFFF000  }
0x2e: {  	p4 =	sgt.s32 @!p3 s10, s6;
	_ =	swait.ge @!p2 [sflag:s7], $0x1000  }
0x2f: {  	p3 =	por p3, p4;
	s6 =	rddreg [dreg:$0x9]  }
0x30: {  	[sflag:s7] =	ssyncset.done @!p2 $0x0;
	p4 =	sge.s32 @!p3 s6, s5  }
0x31: {  	[sflag:s7] =	ssyncadd.s32 @!p2 $0xFFFFF000;
	p3 =	por p3, !p4  }
0x32: {  	s30 =	rddreg [dreg:$0xf];
	_ =	swait.ge @p3 [sflag:s22], $0x1000  }
0x33: {  	[sflag:s22] =	ssyncset.done @p3 $0x0  }
0x34: {  	[sflag:s22] =	ssyncadd.s32 @p3 $0xFFFFF000  }
0x35: {  	vm1 =	vcmask @!p0 $0xB08;
	vm2 =	vcmask @!p0 $0x300;
	v7 =	vlaneseq.u32 @!p0;
	_ =	swait.ge @p3 [sflag:s22], $0x1000  }
0x36: {  	vm1 =	vmor @!p0 vm2, vm1;
	vm2 =	vcmask @!p0 $0x1310;
	v7 =	vshrl.u32 @!p0 v7, $0x1;
	p2 =	sgt.s32 s10, s2;
	[sflag:s22] =	ssyncset.done @p3 $0x0  }
0x37: {  	vm1 =	vmor @!p0 vm1, vm2;
	vm2 =	vcmask @!p0 $0x1B18;
	v7 =	vmul.u32 @!p0 $0x2, v7;
	s2 =	simm.s32 @!p2 $0x4;
	[sflag:s22] =	ssyncadd.s32 @p3 $0xFFFFF000  }
0x38: {  	v5 =	vpsel p1, v6, v5;
	vm1 =	vmor @!p0 vm1, vm2;
	vm2 =	vcmask @!p0 $0x2320;
	_ =	swait.ge @!p2 [sflag:s2], $0x1000  }
0x39: {  	vm1 =	vmor @!p0 vm1, vm2;
	vm2 =	vcmask @!p0 $0x2B28;
	v5 =	vperm.xlane @!p0 v5, v7;
	[sflag:s2] =	ssyncset.done @!p2 $0x0  }
0x3a: {  	vm1 =	vmor @!p0 vm1, vm2;
	vm2 =	vcmask @!p0 $0x3330;
	[sflag:s2] =	ssyncadd.s32 @!p2 $0xFFFFF000  }
0x3b: {  	vm1 =	vmor @!p0 vm1, vm2;
	vm2 =	vcmask @!p0 $0x3B38;
	v6 =	vmul.u32 @!p0 v5, v5;
	_ =	swait.ge @!p2 [sflag:s2], $0x1000  }
0x3c: {  	vm1 =	vmor @!p0 vm1, vm2;
	v7 =	vsub.s32 @!p0 $0x200, v5;
	[sflag:s2] =	ssyncset.done @!p2 $0x0  }
0x3d: {  	v5 =	vsel @!p0 vm1, v5, v7;
	v7 =	vsub.s32 @!p0 $0x40000, v6;
	[sflag:s2] =	ssyncadd.s32 @!p2 $0xFFFFF000  }
0x3e: {  	[tilespmem:$0x8080] =	vst @!p0 v5;
	v5 =	vsel @!p0 vm1, v6, v7  }
0x3f: {  	s5 =	simm.s32 @!p0 $0x8080;
	s6 =	rddreg [dreg:$0xb];
	s2 =	simm.s32 @!p0 $0x0;
	[tilespmem:$0x8100] =	vst @!p0 v5  }
0x40: {  	[hbm4b:s6+s2] =	stream.linear.scatter @!p0 [tilespmem:s5], [sflag:$0x5], $0x10, $0x38;
	[tilespmem:$0x8180] =	vst v63  }
0x41: {  	s5 =	simm.s32 @!p0 $0x5  }
0x42: {  	_ =	swait.ge @!p0 [sflag:s5], $0x10  }
0x43: {  	[sflag:s5] =	ssyncset.done @!p0 $0x0  }
0x44: {  	s6 =	simm.s32 @!p0 $0x8100;
	s7 =	rddreg [dreg:$0xc];
	[sflag:s5] =	ssyncadd.s32 @!p0 $0xFFFFFFF0  }
0x45: {  	[hbm4b:s7+s2] =	stream.linear.scatter @!p0 [tilespmem:s6], [sflag:$0x5], $0x10, $0x38;
	[tilespmem:$0x8180] =	vst v63  }
0x46: {  	_ =	swait.ge @!p0 [sflag:s5], $0x10  }
0x47: {  	s8 =	sadd.s32 $0x1, s30;
	s31 =	rddreg [dreg:$0xd]  }
0x48: {  	p2 =	sne.s32 s8, s31  }
.Ltmp1:
0x49: {  	_ = 	snop;
	(pc) =	sbr.rel @!p2 .LBB2_32-.Ltmp1, $3  }
0x4a: {  	_ =	sdelay $0x1  }
0x4b: {  	[sflag:s5] =	ssyncset.done @!p0 $0x0  }
0x4c: {  	[sflag:s5] =	ssyncadd.s32 @!p0 $0xFFFFFFF0  }
.LBB2_1:
0x4d: {  	[dreg:$0xf] =	wrdreg s8  }
0x4e: {  	s2 =	rddreg [dreg:$0x6];
	s31 =	simm.s32 $0x5  }
0x4f: {  	[tilespmem:s3], [sflag:$0x5] =	stream.linear.gather [hbm4b:s2+s3], $0x80, $0x38;
	[tilespmem:$0x8180] =	vst v63  }
0x50: {  	_ =	swait.ge [sflag:s31], $0x80  }
0x51: {  	[sflag:s31] =	ssyncset.done $0x0  }
0x52: {  	[sflag:s31] =	ssyncadd.s32 $0xFFFFFF80  }
0x53: {  	v5 =	vld [tilespmem:$0x0]  }
0x54: {  	v6 =	vld [tilespmem:$0x10];
	_ =	sdelay $0x2  }
.Ltmp2:
0x55: {  	_ = 	snop;
	(pc) =	sbr.rel .LBB2_2-.Ltmp2, $3  }
0x56: {  	_ = 	snop  }
0x57: {  	v7 =	vperm.xlane v5, v1;
	v8 =	vperm.xlane v6, v1;
	_ =	sdelay $0x1  }
0x58: {  	s28 =	simm.s32 $0x0;
	s26 =	rddreg [dreg:$0xe];
	v7 =	vsel vm0, v7, v8  }
.LBB2_29:
0x59: {  	s2 =	sshrl.u32 s2, $0x3  }
0x5a: {  	[tilespmem:s5+$0x0] =	vst v17;
	s31 =	sadd.s32 s0, s2  }
0x5b: {  	[hbm4b:s31+s3] =	stream.linear.scatter [tilespmem:s19], [sflag:$0x3], $0x1000, $0x38;
	[tilespmem:$0x8180] =	vst v63  }
0x5c: {  	s2 =	sadd.s32 s1, s2  }
0x5d: {  	[hbm4b:s2+s3] =	stream.linear.scatter [tilespmem:s19], [sflag:$0x3], $0x1000, $0x38;
	[tilespmem:$0x8180] =	vst v63  }
.LBB2_30:
0x5e: {  	s28 =	sadd.s32 $0x1, s28  }
0x5f: {  	p2 =	sne.s32 s28, $0x10  }
.Ltmp3:
0x60: {  	_ = 	snop;
	(pc) =	sbr.rel @!p2 .LBB2_31-.Ltmp3, $2  }
0x61: {  	_ =	sdelay $0x2  }
0x62: {  	s26 =	sadd.s32 $0x5, s26  }
.LBB2_2:
0x63: {  	p2 =	seq.s32 s28, $0x0  }
.Ltmp4:
0x64: {  	_ = 	snop;
	(pc) =	sbr.rel @p2 .LBB2_4-.Ltmp4, $1  }
0x65: {  	_ =	sdelay $0x3  }
0x66: {  	s2 =	sadd.s32 $0xFFFFFFFF, s28  }
0x67: {  	v8 =	vmov s2  }
0x68: {  	v8 =	vperm.xlane v7, v8;
	_ =	sdelay $0x1  }
0x69: {  	v8 =	vmul.u32 v8, v8;
	_ =	sdelay $0x1  }
0x6a: {  	v8 =	vxor.u32 $0x80000000, v8  }
0x6b: {  	(xrf0) =	vmax.scan.msk.u32 $0xffff, v8;
	_ =	sdelay $0x5  }
0x6c: {  	v8, _, _ =	vpop (xrf0)  }
0x6d: {  	(v2sf) =	vpush v8, $0xF;
	_ =	sdelay $0xd  }
0x6e: {  	s2 =	smul.u32 $0x5, s2  }
0x6f: {  	s6 =	spop (v2sf)  }
0x70: {  	s2 =	sadd.s32 s4, s2;
	s7 =	sxor.u32 $0x80000000, s6  }
0x71: {  	s2 =	sshll.u32 s2, $0xC;
	s5 =	sshra.s32 s7, $0x1  }
0x72: {  	s2 =	sand.u32 $0x1F000, s2;
	s6 =	sand.u32 $0x7, s6;
	s5 =	sand.u32 $0xFFFFF000, s5  }
0x73: {  	s8 =	sadd.s32 $0x1000, s2;
	s9 =	ssub.s32 s7, s6;
	p3 =	slt.s32 s2, s5  }
0x74: {  	s6 =	sor.u32 s5, s6;
	p4 =	sgt.s32 @!p3 s8, s9  }
0x75: {  	s6 =	ssub.s32 s7, s6;
	p3 =	por p3, p4  }
0x76: {  	p4 =	sge.s32 @!p3 s2, s6  }
0x77: {  	p3 =	por p3, !p4  }
0x78: {  	s6 =	simm.s32 @p3 $0x1  }
0x79: {  	_ =	swait.ge @p3 [sflag:s6], $0x1000  }
0x7a: {  	[sflag:s6] =	ssyncset.done @p3 $0x0  }
0x7b: {  	[sflag:s6] =	ssyncadd.s32 @p3 $0xFFFFF000  }
0x7c: {  	_ =	swait.ge @p3 [sflag:s6], $0x1000  }
0x7d: {  	[sflag:s6] =	ssyncset.done @p3 $0x0  }
0x7e: {  	[sflag:s6] =	ssyncadd.s32 @p3 $0xFFFFF000;
	p3 =	sge.s32 s2, s5  }
0x7f: {  	s2 =	simm.s32 @!p3 $0x2  }
0x80: {  	_ =	swait.ge @!p3 [sflag:s2], $0x1000  }
0x81: {  	[sflag:s2] =	ssyncset.done @!p3 $0x0  }
0x82: {  	[sflag:s2] =	ssyncadd.s32 @!p3 $0xFFFFF000  }
0x83: {  	_ =	swait.ge @!p3 [sflag:s2], $0x1000  }
0x84: {  	[sflag:s2] =	ssyncset.done @!p3 $0x0  }
0x85: {  	[sflag:s2] =	ssyncadd.s32 @!p3 $0xFFFFF000  }
.LBB2_4:
0x86: {  	v9 =	vmov s28  }
0x87: {  	v13 =	vperm.xlane v7, v9;
	_ =	sdelay $0x1  }
0x88: {  	v14 =	vmul.u32 v13, v13;
	_ =	sdelay $0x1  }
0x89: {  	v8 =	vxor.u32 $0x80000000, v14  }
0x8a: {  	(xrf0) =	vmax.scan.msk.u32 $0xffff, v8;
	_ =	sdelay $0x5  }
0x8b: {  	v8, _, _ =	vpop (xrf0)  }
0x8c: {  	(v2sf) =	vpush v8, $0xF;
	_ =	sdelay $0xd  }
0x8d: {  	s2 =	smul.u32 $0x5, s28  }
0x8e: {  	s7 =	spop (v2sf)  }
0x8f: {  	s6 =	sadd.s32 s4, s2;
	s29 =	sxor.u32 $0x80000000, s7  }
0x90: {  	s5 =	sshll.u32 s26, $0xC;
	s25 =	sshll.u32 s6, $0xC;
	s8 =	sshra.s32 s29, $0x1  }
0x91: {  	s2 =	sand.u32 $0x1F000, s5;
	s30 =	sand.u32 $0x1F000, s25;
	s5 =	sand.u32 $0xFFFFF000, s8  }
0x92: {  	p3 =	sge.s32 s30, s5  }
.Ltmp5:
0x93: {  	_ = 	snop;
	(pc) =	sbr.rel @p3 .LBB2_8-.Ltmp5, $4  }
0x94: {  	_ = 	snop  }
0x95: {  	s31 =	sshll.u32 s28, $0x12;
	v9 =	vshll.u32 v9, $0x9;
	s6 =	sor.u32 $0x10, s2;
	v11 =	vadd.s32 $0x1, v14;
	s9 =	sand.u32 $0x7, s7  }
0x96: {  	s11 =	sadd.s32 $0x1000, s30;
	v10 =	vadd.s32 $0xFFFFFFFF, v14;
	v11 =	vshra.s32 v11, $0x1;
	v8 =	vadd.s32 $0xFFFFFFFF, v13;
	s12 =	sadd.s32 $0xFFFFFFFF, s9;
	s7 =	sor.u32 s9, s5  }
0x97: {  	s10 =	sor.u32 s31, s30;
	v12 =	vadd.s32 v9, v8;
	v15 =	vmov s9;
	s8 =	ssub.s32 s29, s9;
	v16 =	vadd.s32 s12, v2;
	s7 =	ssub.s32 s29, s7  }
0x98: {  	v17 =	vor.u32 s30, v0  }
0x99: {  	v18 =	vshll.u32 v17, $0x3  }
0x9a: {  	v18 =	vor.u32 $0x1, v18  }
0x9b: {  	v18 =	vcvt.s32.f32 v18;
	_ =	sdelay $0x1  }
0x9c: {  	v19 =	vshrl.u32 v18, $0x1;
	v20 =	vmul.f32 $5.000000000e-01, v18  }
0x9d: {  	v19 =	vsub.s32 $0x5F3759DF, v19  }
0x9e: {  	v21 =	vmul.f32 v19, v20;
	_ =	sdelay $0x1  }
0x9f: {  	v21 =	vmul.f32 v19, v21;
	_ =	sdelay $0x1  }
0xa0: {  	v21 =	vsub.f32 $1.500000000e+00, v21;
	_ =	sdelay $0x1  }
0xa1: {  	v19 =	vmul.f32 v19, v21;
	_ =	sdelay $0x1  }
0xa2: {  	v20 =	vmul.f32 v19, v20;
	_ =	sdelay $0x1  }
0xa3: {  	v20 =	vmul.f32 v20, v19;
	_ =	sdelay $0x1  }
0xa4: {  	v20 =	vsub.f32 $1.500000000e+00, v20;
	_ =	sdelay $0x1  }
0xa5: {  	v21 =	vor.u32 s6, v0;
	v19 =	vmul.f32 v20, v19  }
0xa6: {  	v20 =	vshll.u32 v21, $0x3  }
0xa7: {  	s9 =	sadd.s32 $0x10, s6;
	v20 =	vor.u32 $0x1, v20;
	v19 =	vmul.f32 v18, v19  }
0xa8: {  	v18 =	vor.u32 s9, v0;
	v20 =	vcvt.s32.f32 v20  }
0xa9: {  	v22 =	vshll.u32 v18, $0x3;
	v19 =	vadd.f32 $-1.000000000e+00, v19  }
0xaa: {  	v22 =	vor.u32 $0x1, v22;
	v23 =	vshrl.u32 v20, $0x1;
	v24 =	vmul.f32 $5.000000000e-01, v20  }
0xab: {  	v22 =	vcvt.s32.f32 v22;
	v23 =	vsub.s32 $0x5F3759DF, v23;
	v19 =	vmul.f32 $5.000000000e-01, v19  }
0xac: {  	v27 =	vmul.f32 v23, v24  }
0xad: {  	v25 =	vshrl.u32 v22, $0x1;
	v26 =	vmul.f32 $5.000000000e-01, v22;
	v19 =	vtrunc.f32 v19  }
0xae: {  	v25 =	vsub.s32 $0x5F3759DF, v25;
	v27 =	vmul.f32 v23, v27;
	v19 =	vcvt.f32.s32 v19  }
0xaf: {  	v28 =	vmul.f32 v25, v26  }
0xb0: {  	v27 =	vsub.f32 $1.500000000e+00, v27;
	v29 =	vadd.s32 $0x1, v19;
	v30 =	vadd.s32 $0x2, v19  }
0xb1: {  	v28 =	vmul.f32 v25, v28;
	v30 =	vmul.u32 v30, v29  }
0xb2: {  	v23 =	vmul.f32 v23, v27  }
0xb3: {  	v28 =	vsub.f32 $1.500000000e+00, v28;
	v27 =	vshra.s32 v30, $0x1  }
0xb4: {  	v24 =	vmul.f32 v23, v24;
	vm1 =	vlt.s32 v17, v27  }
0xb5: {  	v25 =	vmul.f32 v25, v28;
	v28 =	vnsel vm1, $0x0, v29  }
0xb6: {  	v24 =	vmul.f32 v24, v23;
	v27 =	vsub.s32 v27, v28  }
0xb7: {  	v19 =	vsel vm1, v19, v29;
	v26 =	vmul.f32 v25, v26;
	vm1 =	vlt.s32 v17, v27  }
0xb8: {  	s24 =	sadd.s32 $0x20, s6;
	v24 =	vsub.f32 $1.500000000e+00, v24;
	v29 =	vnsel vm1, $0x0, v19  }
0xb9: {  	s6 =	sadd.s32 $0x10, s24;
	v26 =	vmul.f32 v26, v25;
	v28 =	vsel vm1, $0xFFFFFFFF, v3;
	v27 =	vsub.s32 v29, v27  }
0xba: {  	v23 =	vmul.f32 v24, v23;
	v24 =	vadd.s32 v28, v19;
	v19 =	vor.u32 s6, v0  }
0xbb: {  	v26 =	vsub.f32 $1.500000000e+00, v26;
	v27 =	vadd.s32 v17, v27;
	v17 =	vand.u32 $0xF, v16  }
0xbc: {  	v20 =	vmul.f32 v20, v23;
	v23 =	vsub.s32 v24, v27;
	v24 =	vshll.u32 v19, $0x3  }
0xbd: {  	v25 =	vmul.f32 v26, v25;
	v24 =	vor.u32 $0x1, v24;
	v26 =	vadd.s32 v9, v23  }
0xbe: {  	v23 =	vsub.s32 v12, v23;
	v20 =	vadd.f32 $-1.000000000e+00, v20;
	v24 =	vcvt.s32.f32 v24  }
0xbf: {  	v38 =	vperm.xlane v23, v17;
	v22 =	vmul.f32 v22, v25  }
0xc0: {  	v25 =	vadd.s32 v9, v27;
	v28 =	vmul.f32 $5.000000000e-01, v20;
	v29 =	vshrl.u32 v24, $0x1  }
0xc1: {  	v30 =	vmul.f32 $5.000000000e-01, v24;
	v20 =	vor.u32 s24, v0;
	v22 =	vadd.f32 $-1.000000000e+00, v22  }
0xc2: {  	v29 =	vsub.s32 $0x5F3759DF, v29;
	v31 =	vshll.u32 v20, $0x3;
	v28 =	vtrunc.f32 v28  }
0xc3: {  	v32 =	vmul.f32 v29, v30;
	v31 =	vor.u32 $0x1, v31;
	v28 =	vcvt.f32.s32 v28  }
0xc4: {  	v27 =	vsub.s32 v12, v27;
	v33 =	vmul.f32 $5.000000000e-01, v22;
	v22 =	vcvt.s32.f32 v31  }
0xc5: {  	v32 =	vmul.f32 v29, v32;
	v31 =	vadd.s32 $0x1, v28;
	v34 =	vadd.s32 $0x2, v28  }
0xc6: {  	v35 =	vshrl.u32 v22, $0x1;
	v36 =	vmul.f32 $5.000000000e-01, v22;
	v34 =	vmul.u32 v34, v31  }
0xc7: {  	v33 =	vtrunc.f32 v33;
	v35 =	vsub.s32 $0x5F3759DF, v35;
	v32 =	vsub.f32 $1.500000000e+00, v32  }
0xc8: {  	v33 =	vcvt.f32.s32 v33;
	v37 =	vmul.f32 v35, v36;
	v34 =	vshra.s32 v34, $0x1  }
0xc9: {  	v59 =	vperm.xlane v27, v17;
	v29 =	vmul.f32 v29, v32;
	vm2 =	vlt.s32 v21, v34  }
0xca: {  	v58 =	vadd.s32 $0x1, v33;
	v37 =	vmul.f32 v35, v37;
	v57 =	vnsel vm2, $0x0, v31  }
0xcb: {  	v28 =	vsel vm2, v28, v31;
	v31 =	vadd.s32 $0x2, v33;
	v27 =	vmul.f32 v29, v30  }
0xcc: {  	v32 =	vsub.s32 v34, v57;
	v23 =	vmul.u32 v31, v58;
	v31 =	vsub.f32 $1.500000000e+00, v37  }
0xcd: {  	vm2 =	vlt.s32 v21, v32;
	v27 =	vmul.f32 v27, v29  }
0xce: {  	v23 =	vshra.s32 v23, $0x1;
	v30 =	vmul.f32 v35, v31;
	v31 =	vnsel vm2, $0x0, v28  }
0xcf: {  	v60 =	vsel vm2, $0xFFFFFFFF, v3;
	v31 =	vsub.s32 v31, v32;
	vm3 =	vlt.s32 v18, v23  }
0xd0: {  	v28 =	vadd.s32 v60, v28;
	v27 =	vsub.f32 $1.500000000e+00, v27;
	v34 =	vnsel vm3, $0x0, v58  }
0xd1: {  	v33 =	vsel vm3, v33, v58;
	v21 =	vadd.s32 v21, v31;
	v31 =	vsub.s32 v23, v34  }
0xd2: {  	v23 =	vmul.f32 v30, v36;
	v28 =	vsub.s32 v28, v21;
	v61 =	vadd.s32 v9, v21  }
0xd3: {  	[tilespmem:$0x80] =	vst v25;
	v62 =	vsub.s32 v12, v21;
	v25 =	vmul.f32 v27, v29;
	vm2 =	vlt.s32 v18, v31  }
0xd4: {  	v21 =	vsub.s32 v12, v28;
	v28 =	vadd.s32 v9, v28;
	v23 =	vmul.f32 v23, v30  }
0xd5: {  	s17 =	simm.s32 $0xA0;
	[tilespmem:$0x1080] =	vst v26;
	v63 =	vnsel vm2, $0x0, v33;
	v21 =	vperm.xlane v21, v17;
	v29 =	vmul.f32 v24, v25  }
0xd6: {  	s12 =	simm.s32 $0x4070;
	s25 =	simm.s32 $0x10A0;
	s23 =	simm.s32 $0x3;
	[tilespmem:s17+$0xFFFFFFF0] =	vst v61;
	v25 =	vsel vm2, $0xFFFFFFFF, v3;
	v26 =	vsub.f32 $1.500000000e+00, v23;
	v23 =	vperm.xlane v62, v17  }
0xd7: {  	s13 =	simm.s32 $0x3050;
	s14 =	simm.s32 $0x10C0;
	s18 =	simm.s32 $0x4070;
	vm1 =	vgt.u32 v15, v0;
	[tilespmem:s25+$0xFFFFFFF0] =	vst v28;
	v27 =	vsub.s32 v63, v31;
	v28 =	vadd.s32 v25, v33  }
0xd8: {  	s9 =	simm.s32 $0xC0;
	s6 =	simm.s32 $0x3070;
	s24 =	sadd.s32 $0x20, s24;
	v24 =	vsel vm1, v21, v38;
	v30 =	vmul.f32 v26, v30;
	v26 =	vsel vm1, v23, v59  }
.LBB2_6:
0xd9: {  	s21 =	sadd.s32 $0x10, s24;
	s23 =	sadd.s32 $0x2, s23;
	v25 =	vadd.f32 $-1.000000000e+00, v29;
	[tilespmem:s6+$0x0] =	vst v26;
	v26 =	vadd.s32 v18, v27;
	s12 =	sadd.s32 $0xFFFFFFE0, s12;
	v18 =	vmov v19  }
0xda: {  	v19 =	vor.u32 s21, v0;
	p3 =	slt.u32 s23, $0xFD;
	v22 =	vmul.f32 v22, v30;
	[tilespmem:s18+$0x0] =	vst v24;
	v24 =	vsub.s32 v28, v26  }
0xdb: {  	v28 =	vsub.s32 v12, v26;
	v27 =	vshll.u32 v19, $0x3;
	v29 =	vsub.s32 v12, v24  }
0xdc: {  	v27 =	vor.u32 $0x1, v27;
	v22 =	vadd.f32 $-1.000000000e+00, v22;
	v30 =	vperm.xlane v29, v17  }
0xdd: {  	v26 =	vadd.s32 v9, v26;
	v29 =	vcvt.s32.f32 v27  }
0xde: {  	v24 =	vadd.s32 v9, v24;
	v22 =	vmul.f32 $5.000000000e-01, v22;
	[tilespmem:s17+$0x0] =	vst v26;
	v26 =	vperm.xlane v28, v17;
	s17 =	smov.u32 s9  }
0xdf: {  	v21 =	vsel vm1, v30, v21;
	v27 =	vshrl.u32 v29, $0x1;
	v28 =	vmul.f32 $5.000000000e-01, v29;
	[tilespmem:s25+$0x0] =	vst v24;
	s25 =	smov.u32 s14  }
0xe0: {  	v24 =	vsub.s32 $0x5F3759DF, v27;
	v22 =	vtrunc.f32 v22;
	v23 =	vsel vm1, v26, v23  }
0xe1: {  	v27 =	vor.u32 s24, v0;
	v31 =	vmul.f32 v24, v28;
	v32 =	vcvt.f32.s32 v22;
	[tilespmem:s6+$0xFFFFFFF0] =	vst v23;
	s6 =	smov.u32 s13  }
0xe2: {  	v22 =	vshll.u32 v27, $0x3;
	v23 =	vmul.f32 $5.000000000e-01, v25;
	[tilespmem:s18+$0xFFFFFFF0] =	vst v21;
	s18 =	smov.u32 s12  }
0xe3: {  	v21 =	vor.u32 $0x1, v22;
	v25 =	vadd.s32 $0x1, v32;
	v33 =	vadd.s32 $0x2, v32  }
0xe4: {  	v22 =	vcvt.s32.f32 v21;
	v23 =	vtrunc.f32 v23;
	v21 =	vmul.u32 v33, v25  }
0xe5: {  	v31 =	vmul.f32 v24, v31;
	v23 =	vcvt.f32.s32 v23  }
0xe6: {  	v33 =	vshrl.u32 v22, $0x1;
	v34 =	vmul.f32 $5.000000000e-01, v22;
	v21 =	vshra.s32 v21, $0x1  }
0xe7: {  	v31 =	vsub.f32 $1.500000000e+00, v31;
	v33 =	vsub.s32 $0x5F3759DF, v33;
	v35 =	vadd.s32 $0x2, v23  }
0xe8: {  	v37 =	vadd.s32 $0x1, v23;
	v36 =	vmul.f32 v33, v34;
	vm2 =	vlt.s32 v20, v21  }
0xe9: {  	v24 =	vmul.f32 v24, v31;
	v35 =	vmul.u32 v35, v37;
	v31 =	vnsel vm2, $0x0, v25  }
0xea: {  	v25 =	vsel vm2, v32, v25;
	v36 =	vmul.f32 v33, v36;
	v21 =	vsub.s32 v21, v31  }
0xeb: {  	v28 =	vmul.f32 v24, v28;
	v31 =	vshra.s32 v35, $0x1;
	vm2 =	vlt.s32 v20, v21  }
0xec: {  	vm3 =	vlt.s32 v18, v31;
	v32 =	vsub.f32 $1.500000000e+00, v36;
	v35 =	vnsel vm2, $0x0, v25  }
0xed: {  	v28 =	vmul.f32 v28, v24;
	v36 =	vsel vm2, $0xFFFFFFFF, v3;
	v38 =	vsel vm3, v23, v37  }
0xee: {  	v23 =	vnsel vm3, $0x0, v37;
	v21 =	vsub.s32 v35, v21;
	v32 =	vmul.f32 v33, v32  }
0xef: {  	v25 =	vadd.s32 v36, v25;
	v31 =	vsub.s32 v31, v23;
	v21 =	vadd.s32 v20, v21;
	v20 =	vmovc v27  }
0xf0: {  	v25 =	vsub.s32 v25, v21;
	v33 =	vadd.s32 v9, v21;
	v23 =	vmul.f32 v32, v34  }
0xf1: {  	v27 =	vsub.f32 $1.500000000e+00, v28;
	vm2 =	vlt.s32 v18, v31;
	v28 =	vsub.s32 v12, v21  }
.Ltmp6:
0xf2: {  	v21 =	vsub.s32 v12, v25;
	v34 =	vnsel vm2, $0x0, v38;
	v23 =	vmul.f32 v23, v32;
	(pc) =	sbr.rel @p3 .LBB2_6-.Ltmp6, $4  }
0xf3: {  	v24 =	vmul.f32 v27, v24;
	v25 =	vadd.s32 v9, v25;
	v21 =	vperm.xlane v21, v17  }
0xf4: {  	v27 =	vsub.s32 v34, v31;
	v35 =	vsub.f32 $1.500000000e+00, v23;
	v23 =	vperm.xlane v28, v17  }
0xf5: {  	s13 =	sadd.s32 $0xFFFFFFE0, s13;
	v29 =	vmul.f32 v29, v24;
	v24 =	vsel vm1, v21, v30;
	v28 =	vsel vm2, $0xFFFFFFFF, v3;
	[tilespmem:s9+$0xFFFFFFF0] =	vst v33  }
0xf6: {  	s14 =	sadd.s32 $0x20, s14;
	s24 =	sadd.s32 $0x20, s24;
	v28 =	vadd.s32 v28, v38;
	v30 =	vmul.f32 v35, v32;
	v26 =	vsel vm1, v23, v26;
	s9 =	sadd.s32 $0x20, s9;
	[tilespmem:s25+$0xFFFFFFF0] =	vst v25  }
0xf7: {  	s21 =	sor.u32 $0xFF0, s30  }
0xf8: {  	v31 =	vor.u32 s21, v0  }
0xf9: {  	v25 =	vshll.u32 v31, $0x3  }
0xfa: {  	v43 =	vor.u32 s11, v0;
	v25 =	vor.u32 $0x1, v25  }
0xfb: {  	vm2 =	vlt.s32 v43, v11;
	v33 =	vsub.s32 v10, v43;
	v32 =	vcvt.s32.f32 v25  }
0xfc: {  	v25 =	vsel vm2, v43, v33  }
0xfd: {  	v45 =	vshll.u32 v25, $0x3;
	v34 =	vshrl.u32 v32, $0x1;
	v35 =	vmul.f32 $5.000000000e-01, v32  }
0xfe: {  	v44 =	vsub.s32 $0x5F3759DF, v34;
	v34 =	vor.u32 $0x1, v45  }
0xff: {  	v36 =	vmul.f32 v44, v35;
	v34 =	vcvt.s32.f32 v34  }
0x100: {  	v22 =	vmul.f32 v22, v30  }
0x101: {  	v36 =	vmul.f32 v44, v36;
	v46 =	vshra.s32 v34, $0x1;
	v37 =	vmul.f32 $5.000000000e-01, v34  }
0x102: {  	v29 =	vadd.f32 $-1.000000000e+00, v29;
	v22 =	vadd.f32 $-1.000000000e+00, v22;
	v30 =	vsub.s32 $0x5F3759DF, v46  }
0x103: {  	v36 =	vsub.f32 $1.500000000e+00, v36;
	v38 =	vmul.f32 v30, v37  }
0x104: {  	v29 =	vmul.f32 $5.000000000e-01, v29;
	v22 =	vmul.f32 $5.000000000e-01, v22  }
0x105: {  	v33 =	vmul.f32 v44, v36;
	v47 =	vmul.f32 v30, v38  }
0x106: {  	v18 =	vadd.s32 v18, v27;
	v29 =	vtrunc.f32 v29  }
0x107: {  	v22 =	vtrunc.f32 v22;
	v35 =	vmul.f32 v33, v35;
	v36 =	vsub.f32 $1.500000000e+00, v47  }
0x108: {  	v28 =	vsub.s32 v28, v18;
	v29 =	vcvt.f32.s32 v29;
	v22 =	vcvt.f32.s32 v22  }
0x109: {  	v41 =	vsub.s32 v12, v18;
	v35 =	vmul.f32 v35, v33;
	v30 =	vmul.f32 v30, v36  }
0x10a: {  	v51 =	vadd.s32 $0x2, v29;
	v52 =	vadd.s32 $0x1, v29;
	v48 =	vadd.s32 $0x1, v22  }
0x10b: {  	v49 =	vadd.s32 $0x2, v22;
	v35 =	vsub.f32 $1.500000000e+00, v35;
	v37 =	vmul.f32 v30, v37  }
0x10c: {  	v18 =	vadd.s32 v9, v18;
	v50 =	vmul.u32 v49, v48;
	v38 =	vmul.u32 v51, v52  }
0x10d: {  	v43 =	vsub.s32 v12, v28;
	v33 =	vmul.f32 v35, v33;
	v37 =	vmul.f32 v37, v30  }
0x10e: {  	v28 =	vadd.s32 v9, v28;
	v53 =	vshra.s32 v38, $0x1;
	v35 =	vshra.s32 v50, $0x1  }
0x10f: {  	vm3 =	vlt.s32 v20, v35;
	v32 =	vmul.f32 v32, v33;
	v37 =	vsub.f32 $1.500000000e+00, v37  }
0x110: {  	v22 =	vsel vm3, v22, v48;
	v36 =	vnsel vm3, $0x0, v48;
	vm3 =	vlt.s32 v19, v53  }
0x111: {  	v35 =	vsub.s32 v35, v36;
	v29 =	vsel vm3, v29, v52;
	v32 =	vadd.f32 $-1.000000000e+00, v32  }
0x112: {  	v33 =	vnsel vm3, $0x0, v52;
	v36 =	vperm.xlane v41, v17;
	v30 =	vmul.f32 v37, v30  }
0x113: {  	vm3 =	vlt.s32 v20, v35;
	v33 =	vsub.s32 v53, v33;
	v32 =	vmul.f32 $5.000000000e-01, v32  }
0x114: {  	v54 =	vnsel vm3, $0x0, v22;
	v57 =	vsel vm3, $0xFFFFFFFF, v3;
	vm3 =	vlt.s32 v19, v33  }
0x115: {  	v23 =	vsel vm1, v36, v23;
	v30 =	vmul.f32 v34, v30;
	v32 =	vtrunc.f32 v32  }
0x116: {  	v27 =	vsub.s32 v54, v35;
	v22 =	vadd.s32 v57, v22;
	v32 =	vcvt.f32.s32 v32  }
0x117: {  	v59 =	vnsel vm3, $0x0, v29;
	v60 =	vsel vm3, $0xFFFFFFFF, v3;
	v30 =	vadd.f32 $-1.000000000e+00, v30  }
0x118: {  	v58 =	vadd.s32 v20, v27;
	v55 =	vadd.s32 $0x1, v32;
	v56 =	vadd.s32 $0x2, v32  }
0x119: {  	[tilespmem:s6+$0x0] =	vst v26;
	v27 =	vsub.s32 v59, v33;
	v30 =	vmul.f32 $5.000000000e-01, v30;
	v35 =	vmul.u32 v56, v55  }
0x11a: {  	[tilespmem:s18+$0x0] =	vst v24;
	v29 =	vadd.s32 v60, v29;
	v19 =	vadd.s32 v19, v27;
	v22 =	vsub.s32 v22, v58  }
0x11b: {  	[tilespmem:s17+$0x0] =	vst v18;
	v18 =	vadd.s32 v9, v58;
	v30 =	vtrunc.f32 v30;
	v35 =	vshra.s32 v35, $0x1  }
0x11c: {  	v20 =	vsub.s32 v12, v58;
	v30 =	vcvt.f32.s32 v30;
	vm3 =	vlt.s32 v31, v35  }
0x11d: {  	v46 =	vsub.s32 v12, v22;
	v22 =	vadd.s32 v9, v22;
	v61 =	vnsel vm3, $0x0, v55  }
0x11e: {  	v20 =	vperm.xlane v20, v17;
	v62 =	vadd.s32 $0x1, v30;
	v33 =	vsub.s32 v35, v61  }
0x11f: {  	v63 =	vadd.s32 $0x2, v30;
	v32 =	vsel vm3, v32, v55;
	vm3 =	vlt.s32 v31, v33  }
0x120: {  	v47 =	vsub.s32 v29, v19;
	v40 =	vmul.u32 v63, v62;
	v42 =	vsel vm3, $0xFFFFFFFF, v3  }
0x121: {  	v48 =	vsub.s32 v12, v19;
	v27 =	vadd.s32 v42, v32;
	v32 =	vnsel vm3, $0x0, v32  }
0x122: {  	v34 =	vshra.s32 v40, $0x1;
	v32 =	vsub.s32 v32, v33;
	v33 =	vperm.xlane v43, v17  }
0x123: {  	[tilespmem:s25+$0x0] =	vst v28;
	v19 =	vadd.s32 v9, v19;
	v26 =	vperm.xlane v46, v17;
	vm3 =	vlt.s32 v25, v34  }
0x124: {  	[tilespmem:s6+$0xFFFFFFF0] =	vst v23;
	v52 =	vsub.s32 v12, v47;
	v44 =	vnsel vm3, $0x0, v62;
	v21 =	vsel vm1, v33, v21  }
0x125: {  	v23 =	vadd.s32 v9, v47;
	v53 =	vsel vm1, v20, v36;
	v45 =	vsub.s32 v34, v44;
	[tilespmem:s18+$0xFFFFFFF0] =	vst v21  }
0x126: {  	v30 =	vsel vm3, v30, v62;
	v49 =	vadd.s32 v31, v32;
	vm3 =	vlt.s32 v25, v45;
	[tilespmem:s9+$0xFFFFFFF0] =	vst v18  }
0x127: {  	v54 =	vsel vm1, v26, v33;
	v56 =	vsub.s32 v27, v49;
	v57 =	vsub.s32 v12, v49;
	[tilespmem:s14+$0xFFFFFFF0] =	vst v22  }
0x128: {  	s12 =	sadd.s32 $0xFFFFFFE0, s12;
	v50 =	vsel vm3, $0xFFFFFFFF, v3;
	v51 =	vnsel vm3, $0x0, v30;
	v21 =	vperm.xlane v48, v17;
	[tilespmem:s13+$0x0] =	vst v53  }
0x129: {  	v27 =	vadd.s32 v9, v56;
	v58 =	vperm.xlane v57, v17;
	v24 =	vsub.s32 v51, v45;
	[tilespmem:s12+$0x0] =	vst v54  }
0x12a: {  	v18 =	vadd.s32 v50, v30;
	v30 =	vperm.xlane v52, v17;
	v24 =	vadd.s32 v25, v24;
	[tilespmem:s9+$0x0] =	vst v19  }
0x12b: {  	v20 =	vsel vm1, v21, v20;
	v60 =	vsub.s32 v8, v18;
	v59 =	vsub.s32 v8, v24;
	[tilespmem:s14+$0x0] =	vst v23  }
0x12c: {  	v55 =	vsel vm1, v30, v26;
	v62 =	vadd.s32 v24, v60;
	v61 =	vsel vm2, v24, v59;
	[tilespmem:s13+$0xFFFFFFF0] =	vst v20  }
0x12d: {  	v18 =	vsub.s32 v18, v24;
	v19 =	vadd.s32 v9, v49;
	v22 =	vsub.s32 v12, v61;
	[tilespmem:s12+$0xFFFFFFF0] =	vst v55  }
0x12e: {  	v26 =	vsub.s32 v12, v56;
	v18 =	vsel vm2, v18, v62;
	v22 =	vperm.xlane v22, v17;
	[tilespmem:$0x1070] =	vst v19  }
0x12f: {  	v21 =	vsel vm1, v58, v21;
	v18 =	vsub.s32 v12, v18;
	v19 =	vperm.xlane v26, v17;
	[tilespmem:$0x2070] =	vst v27  }
0x130: {  	[tilespmem:$0x2090] =	vst v21;
	v17 =	vperm.xlane v18, v17;
	v18 =	vsel vm1, v22, v58  }
0x131: {  	[tilespmem:$0x2080] =	vst v18;
	v63 =	vsel vm1, v19, v30  }
0x132: {  	s17 =	sshrl.u32 s10, $0x3;
	s14 =	ssub.s32 s31, s30;
	s13 =	sand.u32 $0xFFFFFFF8, s29;
	v17 =	vsel vm1, v17, v19;
	[tilespmem:$0x3090] =	vst v63  }
0x133: {  	s18 =	sadd.s32 s0, s17;
	s6 =	sadd.s32 s13, s14;
	[tilespmem:$0x3080] =	vst v17  }
0x134: {  	[hbm4b:s18+s3] =	stream.linear.scatter [tilespmem:s15], [sflag:$0x1], $0x1000, $0x38;
	[tilespmem:$0x8180] =	vst v63  }
0x135: {  	s21 =	sadd.s32 s1, s17;
	s6 =	sadd.s32 $0xFFFFF000, s6  }
0x136: {  	[hbm4b:s21+s3] =	stream.linear.scatter [tilespmem:s16], [sflag:$0x1], $0x1000, $0x38;
	[tilespmem:$0x8180] =	vst v63  }
.Ltmp7:
0x137: {  	s6 =	sshrl.u32 s6, $0x3;
	(pc) =	sbr.rel .LBB2_12-.Ltmp7, $4  }
0x138: {  	s24 =	simm.s32 $0x2080;
	s23 =	sadd.s32 s0, s6  }
0x139: {  	[hbm4b:s23+s3] =	stream.linear.scatter [tilespmem:s24], [sflag:$0x2], $0x1000, $0x38;
	[tilespmem:$0x8180] =	vst v63  }
0x13a: {  	s25 =	simm.s32 $0x3080;
	s6 =	sadd.s32 s1, s6  }
0x13b: {  	[hbm4b:s6+s3] =	stream.linear.scatter [tilespmem:s25], [sflag:$0x2], $0x1000, $0x38;
	[tilespmem:$0x8180] =	vst v63  }
.LBB2_8:
0x13c: {  	p3 =	sle.s32 s11, s8;
	p4 =	sge.s32 s30, s7  }
0x13d: {  	p3 =	por !p3, !p4  }
0x13e: {  	p6 =	sge.s32 s30, s29;
	p3 =	por !p3, !p3  }
0x13f: {  	p3 =	por p6, p3  }
.Ltmp8:
0x140: {  	_ = 	snop;
	(pc) =	sbr.rel @p3 .LBB2_12-.Ltmp8, $1  }
0x141: {  	_ =	sdelay $0x3  }
0x142: {  	s9 =	sadd.s32 $0xFFFFFFF0, s6  }
0x143: {  	v20 =	vor.u32 s9, v0  }
0x144: {  	vm1 =	vlt.s32 v20, v11;
	v17 =	vsub.s32 v10, v20  }
0x145: {  	v23 =	vsel vm1, v20, v17  }
0x146: {  	v17 =	vshll.u32 v23, $0x3  }
0x147: {  	v17 =	vor.u32 $0x1, v17  }
0x148: {  	v21 =	vor.u32 s6, v0;
	v22 =	vcvt.s32.f32 v17  }
0x149: {  	vm2 =	vlt.s32 v21, v11;
	v17 =	vsub.s32 v10, v21  }
0x14a: {  	v19 =	vsel vm2, v21, v17;
	v17 =	vshra.s32 v22, $0x1;
	v18 =	vmul.f32 $5.000000000e-01, v22  }
0x14b: {  	v24 =	vshll.u32 v19, $0x3;
	v17 =	vsub.s32 $0x5F3759DF, v17  }
0x14c: {  	v24 =	vor.u32 $0x1, v24;
	v25 =	vmul.f32 v17, v18  }
0x14d: {  	v24 =	vcvt.s32.f32 v24  }
0x14e: {  	v25 =	vmul.f32 v17, v25  }
0x14f: {  	v26 =	vshra.s32 v24, $0x1;
	v27 =	vmul.f32 $5.000000000e-01, v24  }
0x150: {  	v26 =	vsub.s32 $0x5F3759DF, v26;
	v25 =	vsub.f32 $1.500000000e+00, v25  }
0x151: {  	v28 =	vmul.f32 v26, v27  }
0x152: {  	v17 =	vmul.f32 v17, v25  }
0x153: {  	v25 =	vmul.f32 v26, v28  }
0x154: {  	v18 =	vmul.f32 v17, v18  }
0x155: {  	v25 =	vsub.f32 $1.500000000e+00, v25  }
0x156: {  	s24 =	sadd.s32 $0x20, s6;
	v18 =	vmul.f32 v18, v17  }
0x157: {  	s25 =	sadd.s32 $0xFFFFFFF0, s24;
	v25 =	vmul.f32 v26, v25  }
0x158: {  	v26 =	vsub.f32 $1.500000000e+00, v18;
	v18 =	vor.u32 s25, v0  }
0x159: {  	v27 =	vmul.f32 v25, v27;
	vm4 =	vlt.s32 v18, v11;
	v28 =	vsub.s32 v10, v18  }
0x15a: {  	v26 =	vmul.f32 v26, v17;
	v17 =	vsel vm4, v18, v28  }
0x15b: {  	v27 =	vmul.f32 v27, v25;
	v28 =	vshll.u32 v17, $0x3  }
0x15c: {  	v22 =	vmul.f32 v22, v26;
	v26 =	vor.u32 $0x1, v28  }
0x15d: {  	v27 =	vsub.f32 $1.500000000e+00, v27;
	v26 =	vcvt.s32.f32 v26  }
0x15e: {  	v22 =	vadd.f32 $-1.000000000e+00, v22  }
0x15f: {  	v25 =	vmul.f32 v27, v25;
	v27 =	vshra.s32 v26, $0x1;
	v28 =	vmul.f32 $5.000000000e-01, v26  }
0x160: {  	v22 =	vmul.f32 $5.000000000e-01, v22;
	v27 =	vsub.s32 $0x5F3759DF, v27  }
0x161: {  	v24 =	vmul.f32 v24, v25;
	v25 =	vmul.f32 v27, v28  }
0x162: {  	vm6 =	vlt.s32 v20, v14;
	vm1 =	vmmov vm1;
	v20 =	vor.u32 s24, v0  }
0x163: {  	v22 =	vtrunc.f32 v22;
	v24 =	vadd.f32 $-1.000000000e+00, v24;
	v25 =	vmul.f32 v27, v25  }
0x164: {  	vm3 =	vmmov vm1;
	vm5 =	vlt.s32 v20, v11;
	v29 =	vcvt.f32.s32 v22  }
0x165: {  	vm1 =	vmmov vm4;
	v22 =	vmul.f32 $5.000000000e-01, v24;
	v24 =	vsub.f32 $1.500000000e+00, v25  }
0x166: {  	vm4 =	vlt.s32 v21, v14;
	v25 =	vadd.s32 $0x1, v29;
	v21 =	vadd.s32 $0x2, v29  }
0x167: {  	v22 =	vtrunc.f32 v22;
	v27 =	vmul.f32 v27, v24;
	v24 =	vmul.u32 v21, v25  }
0x168: {  	vm2 =	vmmov vm2;
	v21 =	vsub.s32 v10, v20;
	v30 =	vcvt.f32.s32 v22  }
0x169: {  	v21 =	vsel vm5, v20, v21;
	v22 =	vmul.f32 v27, v28;
	v24 =	vshra.s32 v24, $0x1  }
0x16a: {  	v28 =	vshll.u32 v21, $0x3;
	v31 =	vadd.s32 $0x1, v30;
	vm7 =	vlt.s32 v23, v24  }
0x16b: {  	v32 =	vmul.f32 v22, v27;
	v22 =	vor.u32 $0x1, v28;
	v28 =	vnsel vm7, $0x0, v25  }
0x16c: {  	v60 =	vadd.s32 $0x2, v30;
	v22 =	vcvt.s32.f32 v22;
	v28 =	vsub.s32 v24, v28  }
0x16d: {  	v25 =	vsel vm7, v29, v25;
	v29 =	vsub.f32 $1.500000000e+00, v32;
	vm7 =	vlt.s32 v23, v28  }
0x16e: {  	v32 =	vmul.u32 v60, v31;
	v33 =	vshra.s32 v22, $0x1;
	v24 =	vmul.f32 $5.000000000e-01, v22  }
0x16f: {  	v61 =	vsel vm7, $0xFFFFFFFF, v3;
	v27 =	vmul.f32 v29, v27;
	v29 =	vsub.s32 $0x5F3759DF, v33  }
0x170: {  	v33 =	vadd.s32 v61, v25;
	v32 =	vshra.s32 v32, $0x1;
	v34 =	vmul.f32 v29, v24  }
0x171: {  	v25 =	vnsel vm7, $0x0, v25;
	vm7 =	vlt.s32 v19, v32;
	v26 =	vmul.f32 v26, v27  }
0x172: {  	v25 =	vsub.s32 v25, v28;
	v28 =	vnsel vm7, $0x0, v31;
	v27 =	vmul.f32 v29, v34  }
0x173: {  	v30 =	vsel vm7, v30, v31;
	v31 =	vsub.s32 v32, v28;
	v26 =	vadd.f32 $-1.000000000e+00, v26  }
0x174: {  	v25 =	vadd.s32 v23, v25;
	vm7 =	vlt.s32 v19, v31;
	v27 =	vsub.f32 $1.500000000e+00, v27  }
0x175: {  	v28 =	vsub.s32 v8, v33;
	v63 =	vsel vm7, $0xFFFFFFFF, v3;
	v62 =	vmul.f32 $5.000000000e-01, v26  }
0x176: {  	s11 =	simm.s32 $0x1090;
	s13 =	simm.s32 $0x2;
	s6 =	simm.s32 $0x10B0;
	v35 =	vnsel vm7, $0x0, v30;
	v26 =	vmul.f32 v29, v27;
	v27 =	vadd.s32 v63, v30  }
0x177: {  	s12 =	simm.s32 $0x90;
	s9 =	simm.s32 $0x90;
	s14 =	sadd.s32 $0x20, s24;
	v29 =	vsub.s32 v33, v25;
	v30 =	vsub.s32 v35, v31;
	v23 =	vtrunc.f32 v62  }
.LBB2_10:
0x178: {  	s17 =	sadd.s32 $0xFFFFFFF0, s14;
	s13 =	sadd.s32 $0x2, s13;
	v24 =	vmul.f32 v26, v24;
	v28 =	vadd.s32 v25, v28;
	v30 =	vadd.s32 v19, v30;
	s9 =	sadd.s32 $0x20, s9;
	v19 =	vmovc v21  }
0x179: {  	v21 =	vor.u32 s17, v0;
	p3 =	slt.u32 s13, $0xFE;
	v28 =	vsel vm3, v29, v28;
	v29 =	vsub.s32 v27, v30  }
0x17a: {  	v32 =	vsub.s32 v8, v30;
	vm7 =	vlt.s32 v21, v11;
	v31 =	vsub.s32 v10, v21  }
0x17b: {  	v27 =	vsub.s32 v8, v27;
	v24 =	vmul.f32 v24, v26;
	v31 =	vsel vm7, v21, v31  }
0x17c: {  	v28 =	vsel vm6, v28, v13;
	v32 =	vsel vm2, v30, v32;
	v33 =	vshll.u32 v31, $0x3  }
0x17d: {  	v32 =	vsel vm4, v32, v13;
	v24 =	vsub.f32 $1.500000000e+00, v24;
	v33 =	vor.u32 $0x1, v33  }
0x17e: {  	v34 =	vsub.s32 v8, v25;
	v28 =	vadd.s32 v9, v28;
	v33 =	vcvt.s32.f32 v33  }
0x17f: {  	v25 =	vsel vm3, v25, v34;
	v24 =	vmul.f32 v24, v26;
	v26 =	vadd.s32 v30, v27  }
0x180: {  	v25 =	vsel vm6, v25, v13;
	v27 =	vshra.s32 v33, $0x1;
	v30 =	vmul.f32 $5.000000000e-01, v33  }
0x181: {  	v22 =	vmul.f32 v22, v24;
	v24 =	vsel vm2, v29, v26;
	v27 =	vsub.s32 $0x5F3759DF, v27  }
0x182: {  	v25 =	vadd.s32 v9, v25;
	v24 =	vsel vm4, v24, v13;
	v26 =	vmul.f32 v27, v30  }
0x183: {  	vm3 =	vmmov vm1;
	vm1 =	vmmov vm7;
	v22 =	vadd.f32 $-1.000000000e+00, v22;
	[tilespmem:s12+$0xFFFFFFF0] =	vst v25  }
0x184: {  	vm2 =	vmmov vm5;
	v25 =	vmul.f32 v27, v26;
	[tilespmem:s11+$0xFFFFFFF0] =	vst v28;
	v26 =	vadd.s32 v9, v32  }
0x185: {  	v23 =	vcvt.f32.s32 v23;
	v24 =	vadd.s32 v9, v24;
	v22 =	vmul.f32 $5.000000000e-01, v22;
	[tilespmem:s12+$0x0] =	vst v26;
	s12 =	smov.u32 s9  }
0x186: {  	vm6 =	vlt.s32 v18, v14;
	v18 =	vmovc v21;
	vm4 =	vlt.s32 v20, v14;
	v25 =	vsub.f32 $1.500000000e+00, v25;
	[tilespmem:s11+$0x0] =	vst v24;
	s11 =	smov.u32 s6  }
0x187: {  	v21 =	vadd.s32 $0x2, v23;
	v24 =	vadd.s32 $0x1, v23;
	v22 =	vtrunc.f32 v22  }
0x188: {  	v20 =	vor.u32 s14, v0;
	v26 =	vmul.u32 v21, v24;
	v25 =	vmul.f32 v27, v25  }
0x189: {  	vm5 =	vlt.s32 v20, v11;
	v21 =	vsub.s32 v10, v20;
	v27 =	vcvt.f32.s32 v22  }
0x18a: {  	v21 =	vsel vm5, v20, v21;
	v26 =	vshra.s32 v26, $0x1;
	v22 =	vmul.f32 v25, v30  }
0x18b: {  	v28 =	vshll.u32 v21, $0x3;
	vm7 =	vlt.s32 v17, v26;
	v29 =	vadd.s32 $0x1, v27  }
0x18c: {  	v30 =	vmul.f32 v22, v25;
	v22 =	vor.u32 $0x1, v28;
	v28 =	vnsel vm7, $0x0, v24  }
0x18d: {  	v23 =	vsel vm7, v23, v24;
	v22 =	vcvt.s32.f32 v22;
	v26 =	vsub.s32 v26, v28  }
0x18e: {  	v28 =	vsub.f32 $1.500000000e+00, v30;
	vm7 =	vlt.s32 v17, v26;
	v30 =	vadd.s32 $0x2, v27  }
0x18f: {  	v32 =	vshra.s32 v22, $0x1;
	v24 =	vmul.f32 $5.000000000e-01, v22;
	v30 =	vmul.u32 v30, v29  }
0x190: {  	v25 =	vmul.f32 v28, v25;
	v32 =	vsub.s32 $0x5F3759DF, v32;
	v28 =	vsel vm7, $0xFFFFFFFF, v3  }
0x191: {  	v34 =	vmul.f32 v32, v24;
	v35 =	vadd.s32 v28, v23;
	v28 =	vshra.s32 v30, $0x1  }
0x192: {  	v23 =	vnsel vm7, $0x0, v23;
	v25 =	vmul.f32 v33, v25;
	vm7 =	vlt.s32 v19, v28  }
0x193: {  	v23 =	vsub.s32 v23, v26;
	v30 =	vmul.f32 v32, v34;
	v26 =	vnsel vm7, $0x0, v29  }
.Ltmp9:
0x194: {  	v27 =	vsel vm7, v27, v29;
	v25 =	vadd.f32 $-1.000000000e+00, v25;
	v33 =	vsub.s32 v28, v26;
	(pc) =	sbr.rel @p3 .LBB2_10-.Ltmp9, $4  }
0x195: {  	v28 =	vsub.s32 v8, v35;
	v26 =	vsub.f32 $1.500000000e+00, v30;
	vm7 =	vlt.s32 v19, v33  }
0x196: {  	v29 =	vmul.f32 $5.000000000e-01, v25;
	v30 =	vsel vm7, $0xFFFFFFFF, v3;
	v34 =	vnsel vm7, $0x0, v27  }
0x197: {  	v25 =	vadd.s32 v17, v23;
	v17 =	vmovc v31;
	v26 =	vmul.f32 v32, v26;
	v27 =	vadd.s32 v30, v27  }
0x198: {  	s14 =	sadd.s32 $0x20, s14;
	s6 =	sadd.s32 $0x20, s6;
	v30 =	vsub.s32 v34, v33;
	v23 =	vtrunc.f32 v29;
	v29 =	vsub.s32 v35, v25  }
0x199: {  	v24 =	vmul.f32 v26, v24;
	_ =	sdelay $0x1  }
0x19a: {  	v24 =	vmul.f32 v24, v26;
	_ =	sdelay $0x1  }
0x19b: {  	v24 =	vsub.f32 $1.500000000e+00, v24;
	_ =	sdelay $0x1  }
0x19c: {  	v43 =	vadd.s32 v25, v28;
	v19 =	vadd.s32 v19, v30;
	v24 =	vmul.f32 v24, v26  }
0x19d: {  	v47 =	vsub.s32 v8, v27;
	v48 =	vsub.s32 v8, v25;
	v23 =	vcvt.f32.s32 v23  }
0x19e: {  	vm12 =	vlt.s32 v18, v14;
	v44 =	vsel vm3, v29, v43;
	v22 =	vmul.f32 v22, v24  }
0x19f: {  	v45 =	vsub.s32 v8, v19;
	v46 =	vsub.s32 v27, v19;
	v25 =	vsel vm3, v25, v48  }
0x1a0: {  	v49 =	vadd.s32 $0x1, v23;
	v50 =	vadd.s32 $0x2, v23;
	v22 =	vadd.f32 $-1.000000000e+00, v22  }
0x1a1: {  	vm3 =	vmmov vm1;
	v25 =	vsel vm6, v25, v13;
	v28 =	vmul.u32 v50, v49  }
0x1a2: {  	vm1 =	vmmov vm5;
	v25 =	vadd.s32 v9, v25;
	v22 =	vmul.f32 $5.000000000e-01, v22  }
0x1a3: {  	v28 =	vshra.s32 v28, $0x1;
	v26 =	vsel vm2, v19, v45;
	v19 =	vadd.s32 v19, v47  }
0x1a4: {  	vm11 =	vlt.s32 v17, v28;
	v26 =	vsel vm4, v26, v13;
	v22 =	vtrunc.f32 v22  }
0x1a5: {  	v19 =	vsel vm2, v46, v19;
	v18 =	vnsel vm11, $0x0, v49;
	v22 =	vcvt.f32.s32 v22  }
0x1a6: {  	vm2 =	vlt.s32 v20, v14;
	v53 =	vsel vm11, v23, v49;
	v24 =	vsel vm6, v44, v13  }
0x1a7: {  	v19 =	vsel vm4, v19, v13;
	v51 =	vadd.s32 $0x1, v22;
	v52 =	vadd.s32 $0x2, v22  }
0x1a8: {  	v26 =	vadd.s32 v9, v26;
	v18 =	vsub.s32 v28, v18;
	v30 =	vmul.u32 v52, v51  }
0x1a9: {  	v24 =	vadd.s32 v9, v24;
	v19 =	vadd.s32 v9, v19;
	vm14 =	vlt.s32 v17, v18  }
0x1aa: {  	v55 =	vsel vm14, $0xFFFFFFFF, v3;
	v56 =	vnsel vm14, $0x0, v53;
	v30 =	vshra.s32 v30, $0x1  }
0x1ab: {  	v20 =	vadd.s32 v55, v53;
	v18 =	vsub.s32 v56, v18;
	vm13 =	vlt.s32 v21, v30  }
0x1ac: {  	v27 =	vsub.s32 v8, v20;
	v17 =	vadd.s32 v17, v18;
	v54 =	vnsel vm13, $0x0, v51  }
0x1ad: {  	v20 =	vsub.s32 v20, v17;
	v59 =	vadd.s32 v17, v27;
	v23 =	vsub.s32 v30, v54  }
0x1ae: {  	v61 =	vsub.s32 v8, v17;
	v22 =	vsel vm13, v22, v51;
	vm15 =	vlt.s32 v21, v23  }
0x1af: {  	v20 =	vsel vm3, v20, v59;
	v17 =	vsel vm3, v17, v61;
	v29 =	vnsel vm15, $0x0, v22  }
0x1b0: {  	[tilespmem:s12+$0xFFFFFFF0] =	vst v25;
	v20 =	vsel vm12, v20, v13;
	v57 =	vsel vm15, $0xFFFFFFFF, v3;
	v58 =	vsub.s32 v29, v23  }
0x1b1: {  	[tilespmem:s11+$0xFFFFFFF0] =	vst v24;
	v17 =	vsel vm12, v17, v13;
	v18 =	vadd.s32 v57, v22;
	v60 =	vadd.s32 v21, v58  }
0x1b2: {  	[tilespmem:s12+$0x0] =	vst v26;
	v62 =	vsub.s32 v18, v60;
	v63 =	vsub.s32 v8, v60;
	v18 =	vsub.s32 v8, v18  }
0x1b3: {  	s9 =	sadd.s32 $0x20, s9;
	[tilespmem:s11+$0x0] =	vst v19;
	v17 =	vadd.s32 v9, v17;
	v19 =	vsel vm1, v60, v63;
	v18 =	vadd.s32 v60, v18  }
0x1b4: {  	v20 =	vadd.s32 v9, v20;
	[tilespmem:s9+$0xFFFFFFF0] =	vst v17;
	v19 =	vsel vm2, v19, v13;
	v18 =	vsel vm1, v62, v18  }
0x1b5: {  	[tilespmem:s6+$0xFFFFFFF0] =	vst v20;
	v17 =	vsel vm2, v18, v13;
	v18 =	vadd.s32 v9, v19  }
0x1b6: {  	s23 =	sshrl.u32 s10, $0x3;
	[tilespmem:s9+$0x0] =	vst v18;
	v17 =	vadd.s32 v9, v17  }
0x1b7: {  	s24 =	sadd.s32 s0, s23;
	[tilespmem:s6+$0x0] =	vst v17  }
0x1b8: {  	[hbm4b:s24+s3] =	stream.linear.scatter [tilespmem:s15], [sflag:$0x1], $0x1000, $0x38;
	[tilespmem:$0x8180] =	vst v63  }
0x1b9: {  	s25 =	sadd.s32 s1, s23  }
0x1ba: {  	[hbm4b:s25+s3] =	stream.linear.scatter [tilespmem:s16], [sflag:$0x1], $0x1000, $0x38;
	[tilespmem:$0x8180] =	vst v63  }
.LBB2_12:
0x1bb: {  	p3 =	slt.s32 s30, s29  }
.Ltmp10:
0x1bc: {  	_ = 	snop;
	(pc) =	sbr.rel @p3 .LBB2_16-.Ltmp10, $2  }
0x1bd: {  	_ =	sdelay $0x2  }
0x1be: {  	v17 =	vadd.s32 v9, v13  }
0x1bf: {  	s6 =	simm.s32 $0x90  }
0x1c0: {  	s9 =	simm.s32 $0x0;
	[tilespmem:s6+$0xFFFFFFF0] =	vst v17  }
.LBB2_14:
0x1c1: {  	s9 =	sadd.s32 $0x2, s9  }
0x1c2: {  	p3 =	slt.u32 s9, $0xFE  }
.Ltmp11:
0x1c3: {  	_ = 	snop;
	(pc) =	sbr.rel @p3 .LBB2_14-.Ltmp11, $3  }
0x1c4: {  	_ =	sdelay $0x1  }
0x1c5: {  	[tilespmem:s6+$0x0] =	vst v17;
	s6 =	sadd.s32 $0x20, s6  }
0x1c6: {  	[tilespmem:s6+$0xFFFFFFF0] =	vst v17  }
0x1c7: {  	s9 =	sshrl.u32 s10, $0x3  }
0x1c8: {  	[tilespmem:s6+$0x0] =	vst v17;
	s24 =	sadd.s32 s0, s9  }
0x1c9: {  	[hbm4b:s24+s3] =	stream.linear.scatter [tilespmem:s15], [sflag:$0x1], $0x1000, $0x38;
	[tilespmem:$0x8180] =	vst v63  }
0x1ca: {  	s25 =	sadd.s32 s1, s9  }
0x1cb: {  	[hbm4b:s25+s3] =	stream.linear.scatter [tilespmem:s15], [sflag:$0x1], $0x1000, $0x38;
	[tilespmem:$0x8180] =	vst v63  }
.LBB2_16:
.Ltmp12:
0x1cc: {  	(pc) =	sbr.rel @p2 .LBB2_18-.Ltmp12, $1  }
0x1cd: {  	_ =	sdelay $0x3  }
0x1ce: {  	s6 =	sadd.s32 $0xFFFFFFFF, s28  }
0x1cf: {  	v18 =	vmov s6  }
0x1d0: {  	v18 =	vperm.xlane v7, v18;
	_ =	sdelay $0x1  }
0x1d1: {  	v18 =	vmul.u32 v18, v18;
	_ =	sdelay $0x1  }
0x1d2: {  	v18 =	vxor.u32 $0x80000000, v18  }
0x1d3: {  	(xrf0) =	vmax.scan.msk.u32 $0xffff, v18;
	_ =	sdelay $0x5  }
0x1d4: {  	v18, _, _ =	vpop (xrf0)  }
0x1d5: {  	(v2sf) =	vpush v18, $0xF;
	_ =	sdelay $0xc  }
0x1d6: {  	s6 =	smul.u32 $0x5, s6;
	_ =	sdelay $0x1  }
0x1d7: {  	s6 =	sadd.s32 s4, s6;
	s9 =	spop (v2sf)  }
0x1d8: {  	s6 =	sshll.u32 s6, $0xC;
	s10 =	sxor.u32 $0x80000000, s9  }
0x1d9: {  	s11 =	sand.u32 $0x1F000, s6;
	s25 =	sshra.s32 s10, $0x1  }
0x1da: {  	s12 =	sand.u32 $0x7, s9;
	s9 =	sadd.s32 $0x21000, s11;
	s6 =	sand.u32 $0xFFFFF000, s25  }
0x1db: {  	s13 =	ssub.s32 s10, s12;
	p2 =	sle.s32 s9, s6  }
0x1dc: {  	s12 =	sor.u32 s6, s12;
	p3 =	sgt.s32 @!p2 s9, s13  }
0x1dd: {  	s11 =	sor.u32 $0x20000, s11;
	s10 =	ssub.s32 s10, s12;
	p2 =	por p2, p3  }
0x1de: {  	p3 =	sge.s32 @!p2 s11, s10  }
0x1df: {  	p2 =	por p2, !p3  }
0x1e0: {  	_ =	swait.ge @p2 [sflag:s22], $0x1000  }
0x1e1: {  	[sflag:s22] =	ssyncset.done @p2 $0x0  }
0x1e2: {  	[sflag:s22] =	ssyncadd.s32 @p2 $0xFFFFF000  }
0x1e3: {  	_ =	swait.ge @p2 [sflag:s22], $0x1000  }
0x1e4: {  	[sflag:s22] =	ssyncset.done @p2 $0x0  }
0x1e5: {  	[sflag:s22] =	ssyncadd.s32 @p2 $0xFFFFF000;
	p2 =	sgt.s32 s9, s6  }
0x1e6: {  	s6 =	simm.s32 @!p2 $0x4  }
0x1e7: {  	_ =	swait.ge @!p2 [sflag:s6], $0x1000  }
0x1e8: {  	[sflag:s6] =	ssyncset.done @!p2 $0x0  }
0x1e9: {  	[sflag:s6] =	ssyncadd.s32 @!p2 $0xFFFFF000  }
0x1ea: {  	_ =	swait.ge @!p2 [sflag:s6], $0x1000  }
0x1eb: {  	[sflag:s6] =	ssyncset.done @!p2 $0x0  }
0x1ec: {  	[sflag:s6] =	ssyncadd.s32 @!p2 $0xFFFFF000  }
.LBB2_18:
0x1ed: {  	s11 =	sadd.s32 $0x21000, s30  }
0x1ee: {  	p2 =	sgt.s32 s11, s5  }
.Ltmp13:
0x1ef: {  	_ = 	snop;
	(pc) =	sbr.rel @!p2 .LBB2_19-.Ltmp13, $3  }
0x1f0: {  	_ =	sdelay $0x1  }
0x1f1: {  	s10 =	sor.u32 $0x20000, s30  }
0x1f2: {  	s5 =	sor.u32 $0x20010, s2;
	s2 =	sor.u32 s31, s10  }
0x1f3: {  	p2 =	sle.s32 s11, s8;
	p3 =	sge.s32 s10, s7  }
0x1f4: {  	p2 =	por !p2, !p3  }
0x1f5: {  	p6 =	sge.s32 s10, s29;
	p2 =	por !p2, !p2  }
0x1f6: {  	p2 =	por p6, p2  }
.Ltmp14:
0x1f7: {  	_ = 	snop;
	(pc) =	sbr.rel @p2 .LBB2_26-.Ltmp14, $1  }
0x1f8: {  	_ =	sdelay $0x3  }
0x1f9: {  	s6 =	sadd.s32 $0xFFFFFFF0, s5  }
0x1fa: {  	v18 =	vor.u32 s6, v0  }
0x1fb: {  	vm1 =	vlt.s32 v18, v11;
	v12 =	vsub.s32 v10, v18  }
0x1fc: {  	v21 =	vsel vm1, v18, v12  }
0x1fd: {  	v12 =	vshll.u32 v21, $0x3  }
0x1fe: {  	v12 =	vor.u32 $0x1, v12  }
0x1ff: {  	v19 =	vor.u32 s5, v0;
	v20 =	vcvt.s32.f32 v12  }
0x200: {  	vm2 =	vlt.s32 v19, v11;
	v12 =	vsub.s32 v10, v19  }
0x201: {  	v16 =	vsel vm2, v19, v12;
	v12 =	vshra.s32 v20, $0x1;
	v15 =	vmul.f32 $5.000000000e-01, v20  }
0x202: {  	v22 =	vshll.u32 v16, $0x3;
	v12 =	vsub.s32 $0x5F3759DF, v12  }
0x203: {  	v22 =	vor.u32 $0x1, v22;
	v23 =	vmul.f32 v12, v15  }
0x204: {  	v22 =	vcvt.s32.f32 v22  }
0x205: {  	v23 =	vmul.f32 v12, v23  }
0x206: {  	v24 =	vshra.s32 v22, $0x1;
	v25 =	vmul.f32 $5.000000000e-01, v22  }
0x207: {  	v24 =	vsub.s32 $0x5F3759DF, v24;
	v23 =	vsub.f32 $1.500000000e+00, v23  }
0x208: {  	v26 =	vmul.f32 v24, v25  }
0x209: {  	v12 =	vmul.f32 v12, v23  }
0x20a: {  	v23 =	vmul.f32 v24, v26  }
0x20b: {  	v15 =	vmul.f32 v12, v15  }
0x20c: {  	v23 =	vsub.f32 $1.500000000e+00, v23  }
0x20d: {  	s30 =	sadd.s32 $0x20, s5;
	v15 =	vmul.f32 v15, v12  }
0x20e: {  	s31 =	sadd.s32 $0xFFFFFFF0, s30;
	v23 =	vmul.f32 v24, v23  }
0x20f: {  	v24 =	vsub.f32 $1.500000000e+00, v15;
	v15 =	vor.u32 s31, v0  }
0x210: {  	v25 =	vmul.f32 v23, v25;
	vm4 =	vlt.s32 v15, v11;
	v26 =	vsub.s32 v10, v15  }
0x211: {  	v24 =	vmul.f32 v24, v12;
	v12 =	vsel vm4, v15, v26  }
0x212: {  	v25 =	vmul.f32 v25, v23;
	v26 =	vshll.u32 v12, $0x3  }
0x213: {  	v20 =	vmul.f32 v20, v24;
	v24 =	vor.u32 $0x1, v26  }
0x214: {  	v25 =	vsub.f32 $1.500000000e+00, v25;
	v24 =	vcvt.s32.f32 v24  }
0x215: {  	v20 =	vadd.f32 $-1.000000000e+00, v20  }
0x216: {  	v23 =	vmul.f32 v25, v23;
	v25 =	vshra.s32 v24, $0x1;
	v26 =	vmul.f32 $5.000000000e-01, v24  }
0x217: {  	v20 =	vmul.f32 $5.000000000e-01, v20;
	v25 =	vsub.s32 $0x5F3759DF, v25  }
0x218: {  	v22 =	vmul.f32 v22, v23;
	v23 =	vmul.f32 v25, v26  }
0x219: {  	vm6 =	vlt.s32 v18, v14;
	vm1 =	vmmov vm1;
	v18 =	vor.u32 s30, v0  }
0x21a: {  	v20 =	vtrunc.f32 v20;
	v22 =	vadd.f32 $-1.000000000e+00, v22;
	v23 =	vmul.f32 v25, v23  }
0x21b: {  	vm3 =	vmmov vm1;
	vm5 =	vlt.s32 v18, v11;
	v27 =	vcvt.f32.s32 v20  }
0x21c: {  	vm1 =	vmmov vm4;
	v20 =	vmul.f32 $5.000000000e-01, v22;
	v22 =	vsub.f32 $1.500000000e+00, v23  }
0x21d: {  	vm4 =	vlt.s32 v19, v14;
	v23 =	vadd.s32 $0x1, v27;
	v19 =	vadd.s32 $0x2, v27  }
0x21e: {  	v20 =	vtrunc.f32 v20;
	v25 =	vmul.f32 v25, v22;
	v22 =	vmul.u32 v19, v23  }
0x21f: {  	vm2 =	vmmov vm2;
	v19 =	vsub.s32 v10, v18;
	v28 =	vcvt.f32.s32 v20  }
0x220: {  	v19 =	vsel vm5, v18, v19;
	v20 =	vmul.f32 v25, v26;
	v22 =	vshra.s32 v22, $0x1  }
0x221: {  	v26 =	vshll.u32 v19, $0x3;
	v29 =	vadd.s32 $0x1, v28;
	vm7 =	vlt.s32 v21, v22  }
0x222: {  	v30 =	vmul.f32 v20, v25;
	v20 =	vor.u32 $0x1, v26;
	v26 =	vnsel vm7, $0x0, v23  }
0x223: {  	v23 =	vsel vm7, v27, v23;
	v20 =	vcvt.s32.f32 v20;
	v26 =	vsub.s32 v22, v26  }
0x224: {  	v27 =	vsub.f32 $1.500000000e+00, v30;
	vm7 =	vlt.s32 v21, v26;
	v30 =	vadd.s32 $0x2, v28  }
0x225: {  	v31 =	vshra.s32 v20, $0x1;
	v22 =	vmul.f32 $5.000000000e-01, v20;
	v30 =	vmul.u32 v30, v29  }
0x226: {  	v25 =	vmul.f32 v27, v25;
	v27 =	vsub.s32 $0x5F3759DF, v31;
	v31 =	vsel vm7, $0xFFFFFFFF, v3  }
0x227: {  	v32 =	vmul.f32 v27, v22;
	v31 =	vadd.s32 v31, v23;
	v30 =	vshra.s32 v30, $0x1  }
0x228: {  	v23 =	vnsel vm7, $0x0, v23;
	v24 =	vmul.f32 v24, v25;
	vm7 =	vlt.s32 v16, v30  }
0x229: {  	v23 =	vsub.s32 v23, v26;
	v25 =	vmul.f32 v27, v32;
	v26 =	vnsel vm7, $0x0, v29  }
0x22a: {  	v28 =	vsel vm7, v28, v29;
	v24 =	vadd.f32 $-1.000000000e+00, v24;
	v29 =	vsub.s32 v30, v26  }
0x22b: {  	v23 =	vadd.s32 v21, v23;
	v25 =	vsub.f32 $1.500000000e+00, v25;
	vm7 =	vlt.s32 v16, v29  }
0x22c: {  	v26 =	vsub.s32 v8, v31;
	v30 =	vmul.f32 $5.000000000e-01, v24;
	v63 =	vsel vm7, $0xFFFFFFFF, v3  }
0x22d: {  	s7 =	simm.s32 $0x5090;
	s9 =	simm.s32 $0x2;
	s5 =	simm.s32 $0x50B0;
	v33 =	vnsel vm7, $0x0, v28;
	v24 =	vmul.f32 v27, v25;
	v25 =	vadd.s32 v63, v28  }
0x22e: {  	s8 =	simm.s32 $0x4090;
	s6 =	simm.s32 $0x4090;
	s11 =	sadd.s32 $0x20, s30;
	v27 =	vsub.s32 v31, v23;
	v28 =	vsub.s32 v33, v29;
	v21 =	vtrunc.f32 v30  }
.LBB2_24:
0x22f: {  	s12 =	sadd.s32 $0xFFFFFFF0, s11;
	s9 =	sadd.s32 $0x2, s9;
	v22 =	vmul.f32 v24, v22;
	v26 =	vadd.s32 v23, v26;
	v28 =	vadd.s32 v16, v28;
	s6 =	sadd.s32 $0x20, s6;
	v16 =	vmovc v19  }
0x230: {  	v19 =	vor.u32 s12, v0;
	p2 =	slt.u32 s9, $0xFE;
	v26 =	vsel vm3, v27, v26;
	v27 =	vsub.s32 v25, v28  }
0x231: {  	v30 =	vsub.s32 v8, v28;
	vm7 =	vlt.s32 v19, v11;
	v29 =	vsub.s32 v10, v19  }
0x232: {  	v25 =	vsub.s32 v8, v25;
	v22 =	vmul.f32 v22, v24;
	v29 =	vsel vm7, v19, v29  }
0x233: {  	v26 =	vsel vm6, v26, v13;
	v30 =	vsel vm2, v28, v30;
	v31 =	vshll.u32 v29, $0x3  }
0x234: {  	v30 =	vsel vm4, v30, v13;
	v22 =	vsub.f32 $1.500000000e+00, v22;
	v31 =	vor.u32 $0x1, v31  }
0x235: {  	v32 =	vsub.s32 v8, v23;
	v26 =	vadd.s32 v9, v26;
	v31 =	vcvt.s32.f32 v31  }
0x236: {  	v23 =	vsel vm3, v23, v32;
	v22 =	vmul.f32 v22, v24;
	v24 =	vadd.s32 v28, v25  }
0x237: {  	v23 =	vsel vm6, v23, v13;
	v25 =	vshra.s32 v31, $0x1;
	v28 =	vmul.f32 $5.000000000e-01, v31  }
0x238: {  	v20 =	vmul.f32 v20, v22;
	v22 =	vsel vm2, v27, v24;
	v25 =	vsub.s32 $0x5F3759DF, v25  }
0x239: {  	v23 =	vadd.s32 v9, v23;
	v22 =	vsel vm4, v22, v13;
	v24 =	vmul.f32 v25, v28  }
0x23a: {  	vm3 =	vmmov vm1;
	vm1 =	vmmov vm7;
	v20 =	vadd.f32 $-1.000000000e+00, v20;
	[tilespmem:s8+$0xFFFFFFF0] =	vst v23  }
0x23b: {  	vm2 =	vmmov vm5;
	v23 =	vmul.f32 v25, v24;
	[tilespmem:s7+$0xFFFFFFF0] =	vst v26;
	v24 =	vadd.s32 v9, v30  }
0x23c: {  	v21 =	vcvt.f32.s32 v21;
	v22 =	vadd.s32 v9, v22;
	v20 =	vmul.f32 $5.000000000e-01, v20;
	[tilespmem:s8+$0x0] =	vst v24;
	s8 =	smov.u32 s6  }
0x23d: {  	vm6 =	vlt.s32 v15, v14;
	v15 =	vmovc v19;
	vm4 =	vlt.s32 v18, v14;
	v23 =	vsub.f32 $1.500000000e+00, v23;
	[tilespmem:s7+$0x0] =	vst v22;
	s7 =	smov.u32 s5  }
0x23e: {  	v19 =	vadd.s32 $0x2, v21;
	v22 =	vadd.s32 $0x1, v21;
	v20 =	vtrunc.f32 v20  }
0x23f: {  	v18 =	vor.u32 s11, v0;
	v24 =	vmul.u32 v19, v22;
	v23 =	vmul.f32 v25, v23  }
0x240: {  	vm5 =	vlt.s32 v18, v11;
	v19 =	vsub.s32 v10, v18;
	v25 =	vcvt.f32.s32 v20  }
0x241: {  	v19 =	vsel vm5, v18, v19;
	v24 =	vshra.s32 v24, $0x1;
	v20 =	vmul.f32 v23, v28  }
0x242: {  	v26 =	vshll.u32 v19, $0x3;
	vm7 =	vlt.s32 v12, v24;
	v27 =	vadd.s32 $0x1, v25  }
0x243: {  	v28 =	vmul.f32 v20, v23;
	v20 =	vor.u32 $0x1, v26;
	v26 =	vnsel vm7, $0x0, v22  }
0x244: {  	v21 =	vsel vm7, v21, v22;
	v20 =	vcvt.s32.f32 v20;
	v24 =	vsub.s32 v24, v26  }
0x245: {  	v26 =	vsub.f32 $1.500000000e+00, v28;
	vm7 =	vlt.s32 v12, v24;
	v28 =	vadd.s32 $0x2, v25  }
0x246: {  	v30 =	vshra.s32 v20, $0x1;
	v22 =	vmul.f32 $5.000000000e-01, v20;
	v28 =	vmul.u32 v28, v27  }
0x247: {  	v23 =	vmul.f32 v26, v23;
	v30 =	vsub.s32 $0x5F3759DF, v30;
	v26 =	vsel vm7, $0xFFFFFFFF, v3  }
0x248: {  	v32 =	vmul.f32 v30, v22;
	v33 =	vadd.s32 v26, v21;
	v26 =	vshra.s32 v28, $0x1  }
0x249: {  	v21 =	vnsel vm7, $0x0, v21;
	v23 =	vmul.f32 v31, v23;
	vm7 =	vlt.s32 v16, v26  }
0x24a: {  	v21 =	vsub.s32 v21, v24;
	v28 =	vmul.f32 v30, v32;
	v24 =	vnsel vm7, $0x0, v27  }
.Ltmp15:
0x24b: {  	v25 =	vsel vm7, v25, v27;
	v23 =	vadd.f32 $-1.000000000e+00, v23;
	v31 =	vsub.s32 v26, v24;
	(pc) =	sbr.rel @p2 .LBB2_24-.Ltmp15, $4  }
0x24c: {  	v26 =	vsub.s32 v8, v33;
	v24 =	vsub.f32 $1.500000000e+00, v28;
	vm7 =	vlt.s32 v16, v31  }
0x24d: {  	v27 =	vmul.f32 $5.000000000e-01, v23;
	v28 =	vsel vm7, $0xFFFFFFFF, v3;
	v32 =	vnsel vm7, $0x0, v25  }
0x24e: {  	v23 =	vadd.s32 v12, v21;
	v12 =	vmovc v29;
	v24 =	vmul.f32 v30, v24;
	v25 =	vadd.s32 v28, v25  }
0x24f: {  	s11 =	sadd.s32 $0x20, s11;
	s5 =	sadd.s32 $0x20, s5;
	v28 =	vsub.s32 v32, v31;
	v21 =	vtrunc.f32 v27;
	v27 =	vsub.s32 v33, v23  }
0x250: {  	v10 =	vmul.f32 v24, v22;
	_ =	sdelay $0x1  }
0x251: {  	v10 =	vmul.f32 v10, v24;
	_ =	sdelay $0x1  }
0x252: {  	v10 =	vsub.f32 $1.500000000e+00, v10;
	_ =	sdelay $0x1  }
0x253: {  	v10 =	vmul.f32 v10, v24  }
0x254: {  	v11 =	vadd.s32 v23, v26;
	v16 =	vadd.s32 v16, v28  }
0x255: {  	v49 =	vsub.s32 v8, v25;
	v50 =	vsub.s32 v8, v23;
	v10 =	vmul.f32 v20, v10  }
0x256: {  	v21 =	vcvt.f32.s32 v21;
	vm12 =	vlt.s32 v15, v14;
	v11 =	vsel vm3, v27, v11  }
0x257: {  	v47 =	vsub.s32 v8, v16;
	v48 =	vsub.s32 v25, v16;
	v10 =	vadd.f32 $-1.000000000e+00, v10  }
0x258: {  	v23 =	vsel vm3, v23, v50;
	vm3 =	vmmov vm1;
	vm1 =	vmmov vm5  }
0x259: {  	v11 =	vsel vm6, v11, v13;
	v23 =	vsel vm6, v23, v13;
	v10 =	vmul.f32 $5.000000000e-01, v10  }
0x25a: {  	v51 =	vadd.s32 $0x1, v21;
	v52 =	vadd.s32 $0x2, v21;
	v11 =	vadd.s32 v9, v11  }
0x25b: {  	v23 =	vadd.s32 v9, v23;
	v24 =	vmul.u32 v52, v51;
	v10 =	vtrunc.f32 v10  }
0x25c: {  	v20 =	vsel vm2, v16, v47;
	v16 =	vadd.s32 v16, v49;
	v10 =	vcvt.f32.s32 v10  }
0x25d: {  	v24 =	vshra.s32 v24, $0x1;
	v20 =	vsel vm4, v20, v13;
	v16 =	vsel vm2, v48, v16  }
0x25e: {  	vm11 =	vlt.s32 v12, v24;
	v53 =	vadd.s32 $0x1, v10;
	v54 =	vadd.s32 $0x2, v10  }
0x25f: {  	vm2 =	vlt.s32 v18, v14;
	v15 =	vnsel vm11, $0x0, v51;
	v26 =	vmul.u32 v54, v53  }
0x260: {  	v16 =	vsel vm4, v16, v13;
	v20 =	vadd.s32 v9, v20;
	v55 =	vsub.s32 v24, v15  }
0x261: {  	v16 =	vadd.s32 v9, v16;
	vm14 =	vlt.s32 v12, v55;
	v26 =	vshra.s32 v26, $0x1  }
0x262: {  	v15 =	vsel vm11, v21, v51;
	v56 =	vsel vm14, $0xFFFFFFFF, v3;
	vm13 =	vlt.s32 v19, v26  }
0x263: {  	v22 =	vnsel vm14, $0x0, v15;
	v15 =	vadd.s32 v56, v15;
	v18 =	vnsel vm13, $0x0, v53  }
0x264: {  	v14 =	vsub.s32 v22, v55;
	v21 =	vsub.s32 v8, v15;
	v18 =	vsub.s32 v26, v18  }
0x265: {  	v59 =	vadd.s32 v12, v14;
	v10 =	vsel vm13, v10, v53;
	vm15 =	vlt.s32 v19, v18  }
0x266: {  	v14 =	vsub.s32 v15, v59;
	v57 =	vsel vm15, $0xFFFFFFFF, v3;
	v58 =	vnsel vm15, $0x0, v10  }
0x267: {  	v10 =	vadd.s32 v57, v10;
	v15 =	vsub.s32 v58, v18;
	v18 =	vadd.s32 v59, v21  }
0x268: {  	[tilespmem:s8+$0xFFFFFFF0] =	vst v23;
	v15 =	vadd.s32 v19, v15;
	v14 =	vsel vm3, v14, v18;
	v18 =	vsub.s32 v8, v59  }
0x269: {  	[tilespmem:s7+$0xFFFFFFF0] =	vst v11;
	v60 =	vsub.s32 v10, v15;
	v19 =	vsub.s32 v8, v15;
	v12 =	vsel vm3, v59, v18  }
0x26a: {  	[tilespmem:s8+$0x0] =	vst v20;
	v8 =	vsub.s32 v8, v10;
	v61 =	vsel vm12, v14, v13;
	v12 =	vsel vm12, v12, v13  }
0x26b: {  	s6 =	sadd.s32 $0x20, s6;
	[tilespmem:s7+$0x0] =	vst v16;
	v62 =	vsel vm1, v15, v19;
	v8 =	vadd.s32 v15, v8;
	v12 =	vadd.s32 v9, v12  }
0x26c: {  	v10 =	vadd.s32 v9, v61;
	v14 =	vsel vm2, v62, v13;
	v8 =	vsel vm1, v60, v8;
	[tilespmem:s6+$0xFFFFFFF0] =	vst v12  }
0x26d: {  	v8 =	vsel vm2, v8, v13;
	v63 =	vadd.s32 v9, v14;
	[tilespmem:s5+$0xFFFFFFF0] =	vst v10  }
.Ltmp16:
0x26e: {  	s25 =	sshrl.u32 s2, $0x3;
	v8 =	vadd.s32 v9, v8;
	[tilespmem:s6+$0x0] =	vst v63;
	(pc) =	sbr.rel .LBB2_26-.Ltmp16, $4  }
0x26f: {  	s30 =	sadd.s32 s0, s25;
	[tilespmem:s5+$0x0] =	vst v8  }
0x270: {  	[hbm4b:s30+s3] =	stream.linear.scatter [tilespmem:s19], [sflag:$0x3], $0x1000, $0x38;
	[tilespmem:$0x8180] =	vst v63  }
0x271: {  	s31 =	sadd.s32 s1, s25  }
0x272: {  	[hbm4b:s31+s3] =	stream.linear.scatter [tilespmem:s20], [sflag:$0x3], $0x1000, $0x38;
	[tilespmem:$0x8180] =	vst v63  }
.LBB2_19:
0x273: {  	v13 =	vor.u32 s10, v0  }
0x274: {  	v14 =	vshll.u32 v13, $0x3  }
0x275: {  	v14 =	vor.u32 $0x1, v14  }
0x276: {  	v14 =	vcvt.s32.f32 v14;
	_ =	sdelay $0x1  }
0x277: {  	v18 =	vshrl.u32 v14, $0x1;
	v19 =	vmul.f32 $5.000000000e-01, v14  }
0x278: {  	v18 =	vsub.s32 $0x5F3759DF, v18  }
0x279: {  	v20 =	vmul.f32 v18, v19;
	_ =	sdelay $0x1  }
0x27a: {  	v20 =	vmul.f32 v18, v20;
	_ =	sdelay $0x1  }
0x27b: {  	v20 =	vsub.f32 $1.500000000e+00, v20;
	_ =	sdelay $0x1  }
0x27c: {  	v18 =	vmul.f32 v18, v20;
	_ =	sdelay $0x1  }
0x27d: {  	v19 =	vmul.f32 v18, v19;
	_ =	sdelay $0x1  }
0x27e: {  	v19 =	vmul.f32 v19, v18;
	_ =	sdelay $0x1  }
0x27f: {  	v19 =	vsub.f32 $1.500000000e+00, v19;
	_ =	sdelay $0x1  }
0x280: {  	v20 =	vor.u32 s5, v0;
	v18 =	vmul.f32 v19, v18  }
0x281: {  	v19 =	vshll.u32 v20, $0x3  }
0x282: {  	s6 =	sadd.s32 $0x10, s5;
	v19 =	vor.u32 $0x1, v19;
	v14 =	vmul.f32 v14, v18  }
0x283: {  	v18 =	vor.u32 s6, v0;
	v19 =	vcvt.s32.f32 v19  }
0x284: {  	v21 =	vshll.u32 v18, $0x3;
	v14 =	vadd.f32 $-1.000000000e+00, v14  }
0x285: {  	v21 =	vor.u32 $0x1, v21;
	v22 =	vshrl.u32 v19, $0x1;
	v23 =	vmul.f32 $5.000000000e-01, v19  }
0x286: {  	v21 =	vcvt.s32.f32 v21;
	v22 =	vsub.s32 $0x5F3759DF, v22  }
0x287: {  	v14 =	vmul.f32 $5.000000000e-01, v14;
	v26 =	vmul.f32 v22, v23  }
0x288: {  	v24 =	vshrl.u32 v21, $0x1;
	v25 =	vmul.f32 $5.000000000e-01, v21  }
0x289: {  	v14 =	vtrunc.f32 v14;
	v24 =	vsub.s32 $0x5F3759DF, v24;
	v26 =	vmul.f32 v22, v26  }
0x28a: {  	v27 =	vmul.f32 v24, v25;
	v14 =	vcvt.f32.s32 v14  }
0x28b: {  	v26 =	vsub.f32 $1.500000000e+00, v26  }
0x28c: {  	v27 =	vmul.f32 v24, v27;
	v28 =	vadd.s32 $0x1, v14;
	v29 =	vadd.s32 $0x2, v14  }
0x28d: {  	v29 =	vmul.u32 v29, v28;
	v22 =	vmul.f32 v22, v26  }
0x28e: {  	v27 =	vsub.f32 $1.500000000e+00, v27  }
0x28f: {  	v26 =	vshra.s32 v29, $0x1;
	v23 =	vmul.f32 v22, v23  }
0x290: {  	v24 =	vmul.f32 v24, v27;
	vm1 =	vlt.s32 v13, v26  }
0x291: {  	v27 =	vnsel vm1, $0x0, v28;
	v23 =	vmul.f32 v23, v22  }
0x292: {  	v25 =	vmul.f32 v24, v25;
	v26 =	vsub.s32 v26, v27  }
0x293: {  	v14 =	vsel vm1, v14, v28;
	vm1 =	vlt.s32 v13, v26;
	v23 =	vsub.f32 $1.500000000e+00, v23  }
0x294: {  	s8 =	sadd.s32 $0x20, s5;
	v25 =	vmul.f32 v25, v24;
	v27 =	vsel vm1, $0xFFFFFFFF, v3;
	v28 =	vnsel vm1, $0x0, v14  }
0x295: {  	s5 =	sadd.s32 $0x10, s8;
	v26 =	vsub.s32 v28, v26;
	v22 =	vmul.f32 v23, v22;
	v23 =	vadd.s32 v27, v14  }
0x296: {  	v14 =	vor.u32 s5, v0;
	v25 =	vsub.f32 $1.500000000e+00, v25;
	v26 =	vadd.s32 v13, v26  }
0x297: {  	v13 =	vand.u32 $0xF, v16;
	v16 =	vshll.u32 v14, $0x3;
	v19 =	vmul.f32 v19, v22  }
0x298: {  	v16 =	vor.u32 $0x1, v16;
	v24 =	vmul.f32 v25, v24  }
0x299: {  	vm1 =	vgt.u32 v15, v0;
	v25 =	vcvt.s32.f32 v16;
	v19 =	vadd.f32 $-1.000000000e+00, v19  }
0x29a: {  	v22 =	vsub.s32 v23, v26;
	v23 =	vadd.s32 v9, v26;
	v21 =	vmul.f32 v21, v24  }
0x29b: {  	v27 =	vshrl.u32 v25, $0x1;
	v47 =	vmul.f32 $5.000000000e-01, v25;
	v19 =	vmul.f32 $5.000000000e-01, v19  }
0x29c: {  	v26 =	vsub.s32 v12, v26;
	v16 =	vor.u32 s8, v0;
	v27 =	vsub.s32 $0x5F3759DF, v27  }
0x29d: {  	v21 =	vadd.f32 $-1.000000000e+00, v21;
	v30 =	vmul.f32 v27, v47;
	v19 =	vtrunc.f32 v19  }
0x29e: {  	v35 =	vperm.xlane v26, v13;
	v48 =	vshll.u32 v16, $0x3;
	v31 =	vcvt.f32.s32 v19  }
0x29f: {  	v19 =	vor.u32 $0x1, v48;
	v21 =	vmul.f32 $5.000000000e-01, v21;
	v30 =	vmul.f32 v27, v30  }
0x2a0: {  	v24 =	vadd.s32 v9, v22;
	v19 =	vcvt.s32.f32 v19;
	v49 =	vadd.s32 $0x1, v31  }
0x2a1: {  	v32 =	vadd.s32 $0x2, v31;
	v21 =	vtrunc.f32 v21;
	v30 =	vsub.f32 $1.500000000e+00, v30  }
0x2a2: {  	v32 =	vmul.u32 v32, v49;
	v33 =	vshrl.u32 v19, $0x1;
	v34 =	vmul.f32 $5.000000000e-01, v19  }
0x2a3: {  	v22 =	vsub.s32 v12, v22;
	v21 =	vcvt.f32.s32 v21;
	v33 =	vsub.s32 $0x5F3759DF, v33  }
0x2a4: {  	v27 =	vmul.f32 v27, v30;
	v15 =	vshra.s32 v32, $0x1;
	v50 =	vmul.f32 v33, v34  }
0x2a5: {  	v52 =	vadd.s32 $0x2, v21;
	v53 =	vadd.s32 $0x1, v21;
	vm2 =	vlt.s32 v20, v15  }
0x2a6: {  	v26 =	vmul.f32 v27, v47;
	v51 =	vnsel vm2, $0x0, v49;
	v32 =	vmul.f32 v33, v50  }
0x2a7: {  	v29 =	vsel vm2, v31, v49;
	v31 =	vmul.u32 v52, v53;
	v15 =	vsub.s32 v15, v51  }
0x2a8: {  	v22 =	vperm.xlane v22, v13;
	v26 =	vmul.f32 v26, v27;
	vm2 =	vlt.s32 v20, v15  }
0x2a9: {  	v32 =	vsub.f32 $1.500000000e+00, v32;
	v54 =	vshra.s32 v31, $0x1;
	v56 =	vnsel vm2, $0x0, v29  }
0x2aa: {  	vm3 =	vlt.s32 v18, v54;
	v57 =	vsel vm2, $0xFFFFFFFF, v3;
	v26 =	vsub.f32 $1.500000000e+00, v26  }
0x2ab: {  	v55 =	vmul.f32 v33, v32;
	v15 =	vsub.s32 v56, v15;
	v58 =	vsel vm3, v21, v53  }
0x2ac: {  	v21 =	vnsel vm3, $0x0, v53;
	v29 =	vadd.s32 v57, v29;
	v15 =	vadd.s32 v20, v15  }
0x2ad: {  	v21 =	vsub.s32 v54, v21;
	v26 =	vmul.f32 v26, v27;
	v20 =	vmul.f32 v55, v34  }
0x2ae: {  	v59 =	vsub.s32 v29, v15;
	v60 =	vadd.s32 v9, v15;
	vm2 =	vlt.s32 v18, v21  }
0x2af: {  	v15 =	vsub.s32 v12, v15;
	v62 =	vnsel vm2, $0x0, v58;
	v61 =	vmul.f32 v20, v55  }
0x2b0: {  	s13 =	simm.s32 $0x40A0;
	[tilespmem:$0x5080] =	vst v24;
	v15 =	vperm.xlane v15, v13;
	v24 =	vmul.f32 v25, v26;
	v20 =	vsub.s32 v12, v59  }
0x2b1: {  	s12 =	simm.s32 $0x50A0;
	s17 =	simm.s32 $0x3;
	s7 =	simm.s32 $0x7050;
	[tilespmem:$0x4080] =	vst v23;
	v25 =	vsel vm2, $0xFFFFFFFF, v3;
	v20 =	vperm.xlane v20, v13;
	v63 =	vsub.f32 $1.500000000e+00, v61  }
0x2b2: {  	s9 =	simm.s32 $0x40C0;
	s14 =	simm.s32 $0x8070;
	s18 =	sadd.s32 $0x20, s8;
	v27 =	vadd.s32 v9, v59;
	[tilespmem:s13+$0xFFFFFFF0] =	vst v60;
	v23 =	vsub.s32 v62, v21;
	v25 =	vadd.s32 v25, v58  }
0x2b3: {  	s6 =	simm.s32 $0x7070;
	s5 =	simm.s32 $0x8070;
	s8 =	simm.s32 $0x50C0;
	[tilespmem:s12+$0xFFFFFFF0] =	vst v27;
	v21 =	vsel vm1, v20, v22;
	v22 =	vsel vm1, v15, v35;
	v26 =	vmul.f32 v63, v55  }
.LBB2_20:
0x2b4: {  	s21 =	sadd.s32 $0x10, s18;
	s17 =	sadd.s32 $0x2, s17;
	v24 =	vadd.f32 $-1.000000000e+00, v24;
	[tilespmem:s6+$0x0] =	vst v22;
	v22 =	vadd.s32 v18, v23;
	s5 =	sadd.s32 $0xFFFFFFE0, s5;
	v18 =	vmov v14  }
0x2b5: {  	v14 =	vor.u32 s21, v0;
	p2 =	slt.u32 s17, $0xFD;
	v19 =	vmul.f32 v19, v26;
	[tilespmem:s14+$0x0] =	vst v21;
	v21 =	vsub.s32 v25, v22  }
0x2b6: {  	v25 =	vsub.s32 v12, v22;
	v23 =	vshll.u32 v14, $0x3;
	v26 =	vsub.s32 v12, v21  }
0x2b7: {  	v23 =	vor.u32 $0x1, v23;
	v19 =	vadd.f32 $-1.000000000e+00, v19;
	v26 =	vperm.xlane v26, v13  }
0x2b8: {  	v21 =	vadd.s32 v9, v21;
	v27 =	vcvt.s32.f32 v23  }
0x2b9: {  	v22 =	vadd.s32 v9, v22;
	v25 =	vperm.xlane v25, v13;
	v19 =	vmul.f32 $5.000000000e-01, v19  }
0x2ba: {  	v20 =	vsel vm1, v26, v20;
	v23 =	vshrl.u32 v27, $0x1;
	v28 =	vmul.f32 $5.000000000e-01, v27;
	[tilespmem:s13+$0x0] =	vst v22;
	s13 =	smov.u32 s9  }
0x2bb: {  	v15 =	vsel vm1, v25, v15;
	v22 =	vsub.s32 $0x5F3759DF, v23;
	v19 =	vtrunc.f32 v19;
	[tilespmem:s12+$0x0] =	vst v21;
	s12 =	smov.u32 s8  }
0x2bc: {  	v21 =	vor.u32 s18, v0;
	v23 =	vmul.f32 v22, v28;
	v29 =	vcvt.f32.s32 v19;
	[tilespmem:s6+$0xFFFFFFF0] =	vst v15;
	s6 =	smov.u32 s7  }
0x2bd: {  	v24 =	vmul.f32 $5.000000000e-01, v24;
	v15 =	vshll.u32 v21, $0x3;
	[tilespmem:s14+$0xFFFFFFF0] =	vst v20;
	s14 =	smov.u32 s5  }
0x2be: {  	v15 =	vor.u32 $0x1, v15;
	v20 =	vadd.s32 $0x1, v29;
	v30 =	vadd.s32 $0x2, v29  }
0x2bf: {  	v24 =	vtrunc.f32 v24;
	v19 =	vcvt.s32.f32 v15;
	v15 =	vmul.u32 v30, v20  }
0x2c0: {  	v24 =	vcvt.f32.s32 v24;
	v23 =	vmul.f32 v22, v23  }
0x2c1: {  	v30 =	vshrl.u32 v19, $0x1;
	v31 =	vmul.f32 $5.000000000e-01, v19;
	v15 =	vshra.s32 v15, $0x1  }
0x2c2: {  	v32 =	vadd.s32 $0x2, v24;
	v23 =	vsub.f32 $1.500000000e+00, v23;
	v30 =	vsub.s32 $0x5F3759DF, v30  }
0x2c3: {  	v34 =	vadd.s32 $0x1, v24;
	v33 =	vmul.f32 v30, v31;
	vm2 =	vlt.s32 v16, v15  }
0x2c4: {  	v32 =	vmul.u32 v32, v34;
	v22 =	vmul.f32 v22, v23;
	v23 =	vnsel vm2, $0x0, v20  }
0x2c5: {  	v20 =	vsel vm2, v29, v20;
	v33 =	vmul.f32 v30, v33;
	v15 =	vsub.s32 v15, v23  }
0x2c6: {  	v23 =	vmul.f32 v22, v28;
	v28 =	vshra.s32 v32, $0x1;
	vm2 =	vlt.s32 v16, v15  }
0x2c7: {  	vm3 =	vlt.s32 v18, v28;
	v29 =	vsub.f32 $1.500000000e+00, v33;
	v32 =	vnsel vm2, $0x0, v20  }
0x2c8: {  	v23 =	vmul.f32 v23, v22;
	v33 =	vsel vm2, $0xFFFFFFFF, v3;
	v35 =	vsel vm3, v24, v34  }
0x2c9: {  	v24 =	vnsel vm3, $0x0, v34;
	v15 =	vsub.s32 v32, v15;
	v29 =	vmul.f32 v30, v29  }
0x2ca: {  	v20 =	vadd.s32 v33, v20;
	v24 =	vsub.s32 v28, v24;
	v15 =	vadd.s32 v16, v15;
	v16 =	vmovc v21  }
0x2cb: {  	v20 =	vsub.s32 v20, v15;
	v28 =	vadd.s32 v9, v15;
	v21 =	vmul.f32 v29, v31  }
0x2cc: {  	v23 =	vsub.f32 $1.500000000e+00, v23;
	vm2 =	vlt.s32 v18, v24;
	v15 =	vsub.s32 v12, v15  }
.Ltmp17:
0x2cd: {  	v30 =	vsub.s32 v12, v20;
	v31 =	vnsel vm2, $0x0, v35;
	v21 =	vmul.f32 v21, v29;
	(pc) =	sbr.rel @p2 .LBB2_20-.Ltmp17, $4  }
0x2ce: {  	v22 =	vmul.f32 v23, v22;
	v32 =	vadd.s32 v9, v20;
	v20 =	vperm.xlane v30, v13  }
0x2cf: {  	v15 =	vperm.xlane v15, v13;
	v23 =	vsub.s32 v31, v24;
	v30 =	vsub.f32 $1.500000000e+00, v21  }
0x2d0: {  	s7 =	sadd.s32 $0xFFFFFFE0, s7;
	v24 =	vmul.f32 v27, v22;
	v27 =	vsel vm2, $0xFFFFFFFF, v3;
	v21 =	vsel vm1, v20, v26;
	[tilespmem:s9+$0xFFFFFFF0] =	vst v28  }
0x2d1: {  	s18 =	sadd.s32 $0x20, s18;
	s8 =	sadd.s32 $0x20, s8;
	v22 =	vsel vm1, v15, v25;
	v25 =	vadd.s32 v27, v35;
	v26 =	vmul.f32 v30, v29;
	s9 =	sadd.s32 $0x20, s9;
	[tilespmem:s12+$0xFFFFFFF0] =	vst v32  }
0x2d2: {  	s17 =	sor.u32 $0x20FF0, s30  }
0x2d3: {  	v31 =	vor.u32 s11, v0;
	v27 =	vor.u32 s17, v0  }
0x2d4: {  	vm2 =	vlt.s32 v31, v11;
	v28 =	vshll.u32 v27, $0x3  }
0x2d5: {  	v10 =	vsub.s32 v10, v31;
	v50 =	vmul.f32 v19, v26;
	v28 =	vor.u32 $0x1, v28  }
0x2d6: {  	v10 =	vsel vm2, v31, v10;
	v28 =	vcvt.s32.f32 v28  }
0x2d7: {  	v18 =	vadd.s32 v18, v23;
	v51 =	vshll.u32 v10, $0x3;
	v11 =	vadd.f32 $-1.000000000e+00, v50  }
0x2d8: {  	v26 =	vor.u32 $0x1, v51;
	v29 =	vshrl.u32 v28, $0x1;
	v30 =	vmul.f32 $5.000000000e-01, v28  }
0x2d9: {  	v26 =	vcvt.s32.f32 v26;
	v11 =	vmul.f32 $5.000000000e-01, v11;
	v29 =	vsub.s32 $0x5F3759DF, v29  }
0x2da: {  	v24 =	vadd.f32 $-1.000000000e+00, v24;
	v25 =	vsub.s32 v25, v18;
	v19 =	vmul.f32 v29, v30  }
0x2db: {  	v52 =	vshra.s32 v26, $0x1;
	v32 =	vmul.f32 $5.000000000e-01, v26;
	v11 =	vtrunc.f32 v11  }
0x2dc: {  	v53 =	vsub.s32 $0x5F3759DF, v52;
	v11 =	vcvt.f32.s32 v11;
	v19 =	vmul.f32 v29, v19  }
0x2dd: {  	v63 =	vsub.s32 v12, v18;
	v24 =	vmul.f32 $5.000000000e-01, v24;
	v31 =	vmul.f32 v53, v32  }
0x2de: {  	v33 =	vadd.s32 $0x1, v11;
	v34 =	vadd.s32 $0x2, v11;
	v19 =	vsub.f32 $1.500000000e+00, v19  }
0x2df: {  	v18 =	vadd.s32 v9, v18;
	v31 =	vmul.f32 v53, v31;
	v34 =	vmul.u32 v34, v33  }
0x2e0: {  	v62 =	vsub.s32 v12, v25;
	v24 =	vtrunc.f32 v24;
	v19 =	vmul.f32 v29, v19  }
0x2e1: {  	v24 =	vcvt.f32.s32 v24;
	v54 =	vsub.f32 $1.500000000e+00, v31;
	v55 =	vshra.s32 v34, $0x1  }
0x2e2: {  	v25 =	vadd.s32 v9, v25;
	vm3 =	vlt.s32 v16, v55;
	v30 =	vmul.f32 v19, v30  }
0x2e3: {  	v58 =	vadd.s32 $0x2, v24;
	v23 =	vmul.f32 v53, v54;
	v56 =	vnsel vm3, $0x0, v33  }
0x2e4: {  	v61 =	vadd.s32 $0x1, v24;
	v29 =	vsub.s32 v55, v56;
	v30 =	vmul.f32 v30, v19  }
0x2e5: {  	v11 =	vsel vm3, v11, v33;
	v57 =	vmul.f32 v23, v32;
	vm3 =	vlt.s32 v16, v29  }
0x2e6: {  	v59 =	vnsel vm3, $0x0, v11;
	v60 =	vsel vm3, $0xFFFFFFFF, v3;
	v30 =	vsub.f32 $1.500000000e+00, v30  }
0x2e7: {  	v32 =	vperm.xlane v62, v13;
	v29 =	vsub.s32 v59, v29;
	v11 =	vadd.s32 v60, v11  }
0x2e8: {  	v16 =	vadd.s32 v16, v29;
	v19 =	vmul.f32 v30, v19;
	v30 =	vmul.f32 v57, v23  }
0x2e9: {  	[tilespmem:s6+$0x0] =	vst v22;
	v20 =	vsel vm1, v32, v20;
	v11 =	vsub.s32 v11, v16;
	v44 =	vadd.s32 v9, v16  }
0x2ea: {  	[tilespmem:s14+$0x0] =	vst v21;
	v45 =	vsub.s32 v12, v11;
	v19 =	vmul.f32 v28, v19;
	v30 =	vsub.f32 $1.500000000e+00, v30  }
0x2eb: {  	[tilespmem:s13+$0x0] =	vst v18;
	v16 =	vsub.s32 v12, v16;
	v18 =	vperm.xlane v45, v13;
	v28 =	vmul.u32 v58, v61  }
0x2ec: {  	v16 =	vperm.xlane v16, v13;
	v19 =	vadd.f32 $-1.000000000e+00, v19;
	v23 =	vmul.f32 v30, v23  }
0x2ed: {  	v11 =	vadd.s32 v9, v11;
	v51 =	vsel vm1, v18, v32;
	v28 =	vshra.s32 v28, $0x1  }
0x2ee: {  	vm3 =	vlt.s32 v14, v28;
	v19 =	vmul.f32 $5.000000000e-01, v19;
	v23 =	vmul.f32 v26, v23  }
0x2ef: {  	v30 =	vperm.xlane v63, v13;
	v24 =	vsel vm3, v24, v61;
	v31 =	vnsel vm3, $0x0, v61  }
0x2f0: {  	v34 =	vsub.s32 v28, v31;
	v19 =	vtrunc.f32 v19;
	v23 =	vadd.f32 $-1.000000000e+00, v23  }
0x2f1: {  	v15 =	vsel vm1, v30, v15;
	vm3 =	vlt.s32 v14, v34;
	v19 =	vcvt.f32.s32 v19  }
0x2f2: {  	v37 =	vnsel vm3, $0x0, v24;
	v38 =	vsel vm3, $0xFFFFFFFF, v3;
	v23 =	vmul.f32 $5.000000000e-01, v23  }
0x2f3: {  	v26 =	vsub.s32 v37, v34;
	v35 =	vadd.s32 $0x1, v19;
	v36 =	vadd.s32 $0x2, v19  }
0x2f4: {  	v24 =	vadd.s32 v38, v24;
	v40 =	vadd.s32 v14, v26;
	v31 =	vmul.u32 v36, v35  }
0x2f5: {  	[tilespmem:s12+$0x0] =	vst v25;
	v52 =	vsel vm1, v16, v30;
	v23 =	vtrunc.f32 v23;
	v47 =	vsub.s32 v24, v40  }
0x2f6: {  	[tilespmem:s6+$0xFFFFFFF0] =	vst v15;
	v15 =	vsub.s32 v12, v40;
	v23 =	vcvt.f32.s32 v23;
	v31 =	vshra.s32 v31, $0x1  }
0x2f7: {  	v53 =	vadd.s32 v9, v40;
	v49 =	vsub.s32 v12, v47;
	vm3 =	vlt.s32 v27, v31  }
0x2f8: {  	v42 =	vadd.s32 $0x1, v23;
	v43 =	vadd.s32 $0x2, v23;
	v39 =	vnsel vm3, $0x0, v35  }
0x2f9: {  	v15 =	vperm.xlane v15, v13;
	v29 =	vsub.s32 v31, v39;
	v31 =	vmul.u32 v43, v42  }
0x2fa: {  	v21 =	vadd.s32 v9, v47;
	v19 =	vsel vm3, v19, v35;
	vm3 =	vlt.s32 v27, v29  }
0x2fb: {  	v50 =	vperm.xlane v49, v13;
	v41 =	vsel vm3, $0xFFFFFFFF, v3;
	v46 =	vshra.s32 v31, $0x1  }
0x2fc: {  	[tilespmem:s14+$0xFFFFFFF0] =	vst v20;
	v26 =	vadd.s32 v41, v19;
	v19 =	vnsel vm3, $0x0, v19;
	vm3 =	vlt.s32 v10, v46  }
0x2fd: {  	[tilespmem:s9+$0xFFFFFFF0] =	vst v44;
	v16 =	vsel vm1, v15, v16;
	v19 =	vsub.s32 v19, v29;
	v48 =	vnsel vm3, $0x0, v42  }
0x2fe: {  	[tilespmem:s8+$0xFFFFFFF0] =	vst v11;
	v54 =	vsel vm1, v50, v18;
	v19 =	vadd.s32 v27, v19;
	v24 =	vsub.s32 v46, v48  }
0x2ff: {  	s5 =	sadd.s32 $0xFFFFFFE0, s5;
	[tilespmem:s7+$0x0] =	vst v52;
	v23 =	vsel vm3, v23, v42;
	v18 =	vsub.s32 v26, v19;
	vm3 =	vlt.s32 v10, v24  }
0x300: {  	[tilespmem:s5+$0x0] =	vst v51;
	v55 =	vadd.s32 v9, v19;
	v58 =	vsub.s32 v12, v19;
	v57 =	vnsel vm3, $0x0, v23  }
0x301: {  	[tilespmem:s9+$0x0] =	vst v53;
	v56 =	vadd.s32 v9, v18;
	v19 =	vsel vm3, $0xFFFFFFFF, v3;
	v24 =	vsub.s32 v57, v24  }
0x302: {  	[tilespmem:s8+$0x0] =	vst v21;
	v18 =	vsub.s32 v12, v18;
	v19 =	vadd.s32 v19, v23;
	v10 =	vadd.s32 v10, v24  }
0x303: {  	[tilespmem:s7+$0xFFFFFFF0] =	vst v16;
	v11 =	vperm.xlane v58, v13;
	v16 =	vsub.s32 v8, v10;
	v8 =	vsub.s32 v8, v19  }
0x304: {  	[tilespmem:s5+$0xFFFFFFF0] =	vst v54;
	v59 =	vsel vm2, v10, v16;
	v8 =	vadd.s32 v10, v8;
	v10 =	vsub.s32 v19, v10  }
0x305: {  	[tilespmem:$0x5070] =	vst v55;
	v16 =	vperm.xlane v18, v13;
	v8 =	vsel vm2, v10, v8;
	v60 =	vsub.s32 v12, v59  }
0x306: {  	[tilespmem:$0x6070] =	vst v56;
	v61 =	vsel vm1, v11, v15;
	v8 =	vsub.s32 v12, v8;
	v10 =	vperm.xlane v60, v13  }
0x307: {  	[tilespmem:$0x6090] =	vst v61;
	v62 =	vsel vm1, v16, v50;
	v8 =	vperm.xlane v8, v13  }
0x308: {  	s18 =	ssub.s32 s31, s30;
	s17 =	sand.u32 $0xFFFFFFF8, s29;
	[tilespmem:$0x7090] =	vst v62;
	v63 =	vsel vm1, v10, v11  }
0x309: {  	s21 =	sshrl.u32 s2, $0x3;
	s5 =	sadd.s32 s17, s18;
	[tilespmem:$0x6080] =	vst v63;
	v8 =	vsel vm1, v8, v16  }
0x30a: {  	s23 =	sadd.s32 s0, s21;
	s5 =	sadd.s32 $0xFFFDF000, s5;
	[tilespmem:$0x7080] =	vst v8  }
0x30b: {  	[hbm4b:s23+s3] =	stream.linear.scatter [tilespmem:s19], [sflag:$0x3], $0x1000, $0x38;
	[tilespmem:$0x8180] =	vst v63  }
0x30c: {  	s24 =	sadd.s32 s1, s21;
	s5 =	sshrl.u32 s5, $0x3  }
0x30d: {  	[hbm4b:s24+s3] =	stream.linear.scatter [tilespmem:s20], [sflag:$0x3], $0x1000, $0x38;
	[tilespmem:$0x8180] =	vst v63  }
0x30e: {  	s30 =	simm.s32 $0x6080;
	s25 =	sadd.s32 s0, s5  }
0x30f: {  	[hbm4b:s25+s3] =	stream.linear.scatter [tilespmem:s30], [sflag:$0x4], $0x1000, $0x38;
	[tilespmem:$0x8180] =	vst v63  }
0x310: {  	s31 =	simm.s32 $0x7080;
	s5 =	sadd.s32 s1, s5  }
0x311: {  	[hbm4b:s5+s3] =	stream.linear.scatter [tilespmem:s31], [sflag:$0x4], $0x1000, $0x38;
	[tilespmem:$0x8180] =	vst v63  }
.LBB2_26:
0x312: {  	p2 =	slt.s32 s10, s29  }
.Ltmp18:
0x313: {  	_ = 	snop;
	(pc) =	sbr.rel @p2 .LBB2_30-.Ltmp18, $1  }
0x314: {  	_ =	sdelay $0x3  }
0x315: {  	s5 =	simm.s32 $0x4090  }
0x316: {  	s6 =	simm.s32 $0x0;
	[tilespmem:s5+$0xFFFFFFF0] =	vst v17  }
.LBB2_28:
0x317: {  	s6 =	sadd.s32 $0x2, s6  }
0x318: {  	p2 =	slt.u32 s6, $0xFE  }
.Ltmp19:
0x319: {  	_ = 	snop;
	(pc) =	sbr.rel @p2 .LBB2_28-.Ltmp19, $3  }
0x31a: {  	_ =	sdelay $0x1  }
0x31b: {  	[tilespmem:s5+$0x0] =	vst v17;
	s5 =	sadd.s32 $0x20, s5  }
0x31c: {  	[tilespmem:s5+$0xFFFFFFF0] =	vst v17  }
.Ltmp20:
0x31d: {  	_ = 	snop;
	(pc) =	sbr.rel .LBB2_29-.Ltmp20, $1  }
0x31e: {  	_ =	sdelay $0x3  }
.LBB2_32:
0x31f: {  	_ =	sfence.sel $0x180000  }
0x320: {  	[bflag:$0x0] =	sbarrier.arrive $0xFFFF  }
0x321: {  	_ =	strace $0x90000047  }
0x322: {  	[bflag:$0x2] =	sbarrier.arrive $0xFFFF  }
0x323: {  	s0 =	rddreg [dreg:$0x5]  }
0x324: {  	s0 =	sadd.s32 @!p0 $0x100000, s0  }
0x325: {  	[sflag:s0] =	ssyncadd.tile.s32 @!p0 $0x1;
	_ =	shalt  }
.Lfunc_end2:
_tile_overlayer_lowered:
.L_overlay_start_2:
0x326: {  	(tag) =	ssettag $0x2  }
0x327: {  	s0 =	rddreg [dreg:$0x0];
	s2 =	stileid.u32  }
0x328: {  	s1 =	rddreg [dreg:$0x1];
	p0 =	sne.s32 s2, $0x0  }
0x329: {  	s3 =	rddreg [dreg:$0x2];
	[bflag:$0x3] =	sbarrier.arrive $0xFFFF;
	s2 =	simm.s32 @!p0 $0x1C05  }
0x32a: {  	[timem:s3], [sflag:s2] =	dma.local @!p0 [hbm:s0], s1  }
0x32b: {  	s0 =	simm.s32 @!p0 $0x5  }
0x32c: {  	_ =	swait.ge @!p0 [sflag:s0], s1  }
0x32d: {  	s1 =	ssub.s32 @!p0 $0x0, s1;
	[sflag:s0] =	ssyncset.done @!p0 $0x0  }
0x32e: {  	[sflag:s0] =	ssyncadd.s32 @!p0 s1  }
0x32f: {  	[bflag:$0x3] =	sbarrier.arrive $0xFFFF  }
0x330: {  	_ =	shalt  }

</sc_bundles>
